<compile_context>
chip_gen: v7x
topology: tpu7x:2x2x1
jax: 0.10.2.dev20260603
libtpu: 0.0.44.dev20260713+nightly
codegen_flags: <defaults>
</compile_context>

<pallas_src>
import functools

import numpy as np
import jax
import jax.numpy as jnp
from jax import lax
from jax.experimental import pallas as pl
from jax.experimental.pallas import tpu as pltpu
from jax.experimental.pallas import tpu_sc as plsc

N_NODES = 10000
N_EDGES = 320000
D_NODE = 128
D_EDGE = 16
D_OUT = 128
D_W = D_OUT // 2

NC = 2
NS = 16
NW = NC * NS
CH = 128
CH2 = CH // 2
NCHUNKS = N_EDGES // CH
CH_PER_W = NCHUNKS // NW
CH_EXTRA = NCHUNKS - CH_PER_W * NW
NPAIR = CH_PER_W // 2

_LO_SEL = np.concatenate([np.arange(32 * m, 32 * m + 16) for m in range(4)])
_HI_SEL = _LO_SEL + 16


def _node_proj_body(x_ref, w_ref, b_ref, p_ref, q_ref):
    x = x_ref[...]
    w1 = w_ref[0:D_NODE, :]
    w2 = w_ref[D_NODE:2 * D_NODE, :]
    p_ref[...] = jnp.dot(x, w1, preferred_element_type=jnp.float32) + b_ref[...]
    q_ref[...] = jnp.dot(x, w2, preferred_element_type=jnp.float32)


def _node_proj(x, W, b):
    return pl.pallas_call(
        _node_proj_body,
        out_shape=(
            jax.ShapeDtypeStruct((N_NODES, D_OUT), jnp.float32),
            jax.ShapeDtypeStruct((N_NODES, D_OUT), jnp.float32),
        ),
    )(x, W, b.reshape(1, D_OUT))


_EBLK = 16000


def _bf16_bits_rounded(v):
    i = lax.bitcast_convert_type(v, jnp.int32)
    return i + np.int32(0x7FFF) + ((i >> 16) & np.int32(1))


def _edge_proj_body(eat_ref, w3p_ref, e_ref):
    e2 = lax.dot_general(
        eat_ref[...], w3p_ref[...],
        dimension_numbers=(((0,), (0,)), ((), ())),
        preferred_element_type=jnp.float32)
    rlo = _bf16_bits_rounded(e2[:, :D_W])
    rhi = _bf16_bits_rounded(e2[:, D_W:])
    w = ((rlo >> 16) & np.int32(0xFFFF)) | (rhi & _HI_MASK)
    e_ref[...] = w.reshape(_EBLK // 2, 2, D_W)


def _edge_proj(edge_attr_t, W3p):
    grid = (N_EDGES // _EBLK,)
    return pl.pallas_call(
        _edge_proj_body,
        grid=grid,
        in_specs=[
            pl.BlockSpec((D_EDGE, _EBLK), lambda i: (0, i)),
            pl.BlockSpec((D_EDGE, D_OUT), lambda i: (0, 0)),
        ],
        out_specs=pl.BlockSpec((_EBLK // 2, 2, D_W), lambda i: (i, 0, 0)),
        out_shape=jax.ShapeDtypeStruct((N_EDGES // 2, 2, D_W), jnp.int32),
    )(edge_attr_t, W3p)


_HI_MASK = np.int32(-65536)


def _decode(w):
    lo = lax.bitcast_convert_type(w << 16, jnp.float32)
    hi = lax.bitcast_convert_type(w & _HI_MASK, jnp.float32)
    return lo, hi


def _sc_body(src_ref, dst_ref, p_ref, q_ref, e_ref, out_ref,
             idx_s, idx_d, pbuf, qbuf, ebuf,
             sem_g0, sem_g1, sem_w0, sem_w1):
    sem_g = (sem_g0, sem_g1)
    sem_w = (sem_w0, sem_w1)
    c = lax.axis_index("c")
    s = lax.axis_index("s")
    wid = s * NC + c
    start_ck = wid * CH_PER_W + jnp.minimum(wid, CH_EXTRA)

    def issue(b, ck):
        base = ck * CH
        pltpu.sync_copy(src_ref.at[pl.ds(base, CH)], idx_s.at[b])
        pltpu.sync_copy(dst_ref.at[pl.ds(base, CH)], idx_d.at[b])
        pltpu.async_copy(p_ref.at[idx_s.at[b]], pbuf.at[b], sem_g[b])
        pltpu.async_copy(q_ref.at[idx_d.at[b]], qbuf.at[b], sem_g[b])
        pltpu.async_copy(e_ref.at[pl.ds(ck * CH2, CH2)], ebuf.at[b], sem_g[b])

    def wait_in(b, ck):
        pltpu.make_async_copy(p_ref.at[idx_s.at[b]], pbuf.at[b], sem_g[b]).wait()
        pltpu.make_async_copy(q_ref.at[idx_d.at[b]], qbuf.at[b], sem_g[b]).wait()
        pltpu.make_async_copy(
            e_ref.at[pl.ds(ck * CH2, CH2)], ebuf.at[b], sem_g[b]).wait()

    def compute(b):
        def row_body(r2, rcarry):
            for half in range(2):
                r = r2 * 2 + half
                for m in range(4):
                    ew = ebuf[b, r2, half, pl.ds(16 * m, 16)]
                    elo, ehi = _decode(ew)
                    sl_lo = pl.ds(32 * m, 16)
                    sl_hi = pl.ds(32 * m + 16, 16)
                    plsc.addupdate(pbuf.at[b, r, sl_lo], qbuf[b, r, sl_lo] + elo)
                    plsc.addupdate(pbuf.at[b, r, sl_hi], qbuf[b, r, sl_hi] + ehi)
            return rcarry
        lax.fori_loop(0, CH2, row_body, 0)

    def issue_out(b, ck):
        pltpu.async_copy(pbuf.at[b], out_ref.at[pl.ds(ck * CH, CH)], sem_w[b])

    def wait_out(b, ck):
        pltpu.make_async_copy(
            pbuf.at[b], out_ref.at[pl.ds(ck * CH, CH)], sem_w[b]).wait()

    def pair_body(i, carry):
        k0 = start_ck + 2 * i

        @pl.when(i > 0)
        def _():
            wait_out(1, k0 - 1)

        issue(1, k0 + 1)
        wait_in(0, k0)
        compute(0)
        issue_out(0, k0)
        wait_in(1, k0 + 1)
        compute(1)

        @pl.when(i < NPAIR - 1)
        def _():
            wait_out(0, k0)
            issue(0, k0 + 2)

        issue_out(1, k0 + 1)
        return carry

    issue(0, start_ck)
    lax.fori_loop(0, NPAIR, pair_body, 0)
    wait_out(0, start_ck + CH_PER_W - 2)
    wait_out(1, start_ck + CH_PER_W - 1)

    @pl.when(wid < CH_EXTRA)
    def _():
        ck = start_ck + CH_PER_W
        issue(0, ck)
        wait_in(0, ck)
        compute(0)
        issue_out(0, ck)
        wait_out(0, ck)


def _sc_gather_add(src, dst, P, Q, E):
    mesh = plsc.VectorSubcoreMesh(
        core_axis_name="c", subcore_axis_name="s", num_cores=NC, num_subcores=NS)
    k = functools.partial(
        pl.kernel,
        mesh=mesh,
        out_type=jax.ShapeDtypeStruct((N_EDGES, D_OUT), jnp.float32),
        scratch_types=[
            pltpu.VMEM((2, CH), jnp.int32),
            pltpu.VMEM((2, CH), jnp.int32),
            pltpu.VMEM((2, CH, D_OUT), jnp.float32),
            pltpu.VMEM((2, CH, D_OUT), jnp.float32),
            pltpu.VMEM((2, CH2, 2, D_W), jnp.int32),
            pltpu.SemaphoreType.DMA,
            pltpu.SemaphoreType.DMA,
            pltpu.SemaphoreType.DMA,
            pltpu.SemaphoreType.DMA,
        ],
    )(_sc_body)
    return k(src, dst, P, Q, E)


def kernel(x, edge_index, edge_attr, W, b):
    W3 = W[2 * D_NODE:, :]
    W3p = jnp.concatenate(
        [W3[:, jnp.asarray(_LO_SEL)], W3[:, jnp.asarray(_HI_SEL)]], axis=1)
    P, Q = _node_proj(x, W, b)
    Ew = _edge_proj(edge_attr.T, W3p)
    return _sc_gather_add(edge_index[0], edge_index[1], P, Q, Ew)

# --- scband reference (transcript-rebuilt; emitter-appended) ---
"""Pipeline reference for scband-edge-only-conv-19662360281539 (READ-ONLY COPY).

The authoritative reference and input builder live on the scoring server;
editing this copy changes nothing except your own understanding.
"""

import jax, jax.numpy as jnp
import numpy as np

N_NODES = 10000
N_EDGES = 320000
D_NODE = 128
D_EDGE = 16
D_OUT = 128


def setup_inputs(seed: int = 0) -> dict:
    key = jax.random.key(seed)
    k1, k2, k3, k4 = jax.random.split(key, 4)
    x = jax.random.normal(k1, (N_NODES, D_NODE), dtype=jnp.float32)
    edge_index = jax.random.randint(k2, (2, N_EDGES), 0, N_NODES, dtype=jnp.int32)
    edge_attr = jax.random.normal(k3, (N_EDGES, D_EDGE), dtype=jnp.float32)
    # Learned parameters for Linear(2*D_NODE + D_EDGE -> D_OUT)
    fan_in = 2 * D_NODE + D_EDGE
    bound = 1.0 / np.sqrt(fan_in)
    W = jax.random.uniform(k4, (fan_in, D_OUT), dtype=jnp.float32, minval=-bound, maxval=bound)
    b = jnp.zeros((D_OUT,), dtype=jnp.float32)
    return {"x": x, "edge_index": edge_index, "edge_attr": edge_attr, "W": W, "b": b}


def reference(x, edge_index, edge_attr, W, b):
    src = edge_index[0]
    dest = edge_index[1]
    # gather node features onto edges (SparseCore gather), concat with edge features
    out = jnp.concatenate([jnp.take(x, src, axis=0), jnp.take(x, dest, axis=0), edge_attr], axis=1)
    # linear projection
    return out @ W + b

if __name__ == "__main__":
    import jax
    _d = setup_inputs()
    print(jax.jit(kernel)(*tuple(_d.values())))

</pallas_src>

<mosaic_0001>
#map = affine_map<(d0, d1) -> (0)>
#map1 = affine_map<(d0, d1) -> (0, 0)>
#map2 = affine_map<(d0, d1) -> (0, 0, 0)>
module attributes {stable_mosaic.version = 14 : i64} {
  func.func @_sc_body(%arg0: i32, %arg1: i32, %arg2: memref<320000xi32, #tpu.memory_space<hbm>>, %arg3: memref<320000xi32, #tpu.memory_space<hbm>>, %arg4: memref<10000x128xf32, #tpu.memory_space<hbm>>, %arg5: memref<10000x128xf32, #tpu.memory_space<hbm>>, %arg6: memref<160000x2x64xi32, #tpu.memory_space<hbm>>, %arg7: memref<320000x128xf32, #tpu.memory_space<hbm>>, %arg8: memref<2x128xi32, #tpu.memory_space<vmem>>, %arg9: memref<2x128xi32, #tpu.memory_space<vmem>>, %arg10: memref<2x128x128xf32, #tpu.memory_space<vmem>>, %arg11: memref<2x128x128xf32, #tpu.memory_space<vmem>>, %arg12: memref<2x64x2x64xi32, #tpu.memory_space<vmem>>, %arg13: memref<!tpu.dma_semaphore, #tpu.memory_space<semaphore_mem>>, %arg14: memref<!tpu.dma_semaphore, #tpu.memory_space<semaphore_mem>>, %arg15: memref<!tpu.dma_semaphore, #tpu.memory_space<semaphore_mem>>, %arg16: memref<!tpu.dma_semaphore, #tpu.memory_space<semaphore_mem>>) attributes {dimension_semantics = [#tpu.dimension_semantics<core_parallel>, #tpu.dimension_semantics<subcore_parallel>], iteration_bounds = array<i64: 2, 16>, scalar_prefetch = 0 : i64, scratch_operands = 9 : i64, tpu.core_type = #tpu.core_type<sc_vector_subcore>, window_params = [{transform_indices = #map}, {transform_indices = #map}, {transform_indices = #map1}, {transform_indices = #map1}, {transform_indices = #map2}, {transform_indices = #map1}]} {
    %mul3A = arith.constant 2 : i32
    %mul3A_0 = arith.muli %arg1, %mul3A : i32
    %add3A = arith.addi %mul3A_0, %arg0 : i32
    %mul3A_1 = arith.constant 78 : i32
    %mul3A_2 = arith.muli %add3A, %mul3A_1 : i32
    %min3A = arith.constant 4 : i32
    %min3A_3 = arith.minsi %add3A, %min3A : i32
    %add3A_4 = arith.addi %mul3A_2, %min3A_3 : i32
    %mul3A_5 = arith.constant 128 : i32
    %mul3A_6 = arith.muli %add3A_4, %mul3A_5 : i32
    %run_scoped3A = arith.constant 0 : i32
    "tpu.region"() ({
      %run_scoped3A_93 = tpu.sem_alloc : memref<!tpu.dma_semaphore, #tpu.memory_space<semaphore_mem>>
      %dma_start3A_94 = arith.constant 0 : i32
      %dma_start3A_95 = tpu.memref_slice %arg8[%run_scoped3A, %dma_start3A_94] : memref<2x128xi32, #tpu.memory_space<vmem>> -> memref<1x128xi32, #tpu.memory_space<vmem>>
      %dma_start3A_96 = tpu.memref_squeeze %dma_start3A_95 : memref<1x128xi32, #tpu.memory_space<vmem>> -> memref<128xi32, #tpu.memory_space<vmem>>
      %dma_start3A_97 = tpu.memref_slice %arg2[%mul3A_6] : memref<320000xi32, #tpu.memory_space<hbm>> -> memref<128xi32, #tpu.memory_space<hbm>>
      %dma_start3A_98 = arith.constant 0 : i32
      %dma_start3A_99 = tpu.memref_slice %arg8[%run_scoped3A, %dma_start3A_98] : memref<2x128xi32, #tpu.memory_space<vmem>> -> memref<1x128xi32, #tpu.memory_space<vmem>>
      %dma_start3A_100 = tpu.memref_squeeze %dma_start3A_99 : memref<1x128xi32, #tpu.memory_space<vmem>> -> memref<128xi32, #tpu.memory_space<vmem>>
      %dma_start3A_101 = tpu.memref_slice %arg2[%mul3A_6] : memref<320000xi32, #tpu.memory_space<hbm>> -> memref<128xi32, #tpu.memory_space<hbm>>
      tpu.enqueue_dma source(%dma_start3A_101 : memref<128xi32, #tpu.memory_space<hbm>>) target(%dma_start3A_100 : memref<128xi32, #tpu.memory_space<vmem>>) target_semaphore(%run_scoped3A_93 : memref<!tpu.dma_semaphore, #tpu.memory_space<semaphore_mem>>)
      %dma_wait3A_102 = arith.constant 0 : i32
      %dma_wait3A_103 = tpu.memref_slice %arg8[%run_scoped3A, %dma_wait3A_102] : memref<2x128xi32, #tpu.memory_space<vmem>> -> memref<1x128xi32, #tpu.memory_space<vmem>>
      %dma_wait3A_104 = tpu.memref_squeeze %dma_wait3A_103 : memref<1x128xi32, #tpu.memory_space<vmem>> -> memref<128xi32, #tpu.memory_space<vmem>>
      %dma_wait3A_105 = tpu.memref_slice %arg2[%mul3A_6] : memref<320000xi32, #tpu.memory_space<hbm>> -> memref<128xi32, #tpu.memory_space<hbm>>
      %dma_wait3A_106 = arith.constant 0 : i32
      %dma_wait3A_107 = tpu.memref_slice %arg8[%run_scoped3A, %dma_wait3A_106] : memref<2x128xi32, #tpu.memory_space<vmem>> -> memref<1x128xi32, #tpu.memory_space<vmem>>
      %dma_wait3A_108 = tpu.memref_squeeze %dma_wait3A_107 : memref<1x128xi32, #tpu.memory_space<vmem>> -> memref<128xi32, #tpu.memory_space<vmem>>
      %dma_wait3A_109 = tpu.memref_slice %arg2[%mul3A_6] : memref<320000xi32, #tpu.memory_space<hbm>> -> memref<128xi32, #tpu.memory_space<hbm>>
      tpu.wait_dma2 semaphore(%run_scoped3A_93 : memref<!tpu.dma_semaphore, #tpu.memory_space<semaphore_mem>>) src(%dma_wait3A_109 : memref<128xi32, #tpu.memory_space<hbm>>) dst(%dma_wait3A_108 : memref<128xi32, #tpu.memory_space<vmem>>)
      tpu.yield
    }) : () -> ()
    %run_scoped3A_7 = arith.constant 0 : i32
    "tpu.region"() ({
      %run_scoped3A_93 = tpu.sem_alloc : memref<!tpu.dma_semaphore, #tpu.memory_space<semaphore_mem>>
      %dma_start3A_94 = arith.constant 0 : i32
      %dma_start3A_95 = tpu.memref_slice %arg9[%run_scoped3A_7, %dma_start3A_94] : memref<2x128xi32, #tpu.memory_space<vmem>> -> memref<1x128xi32, #tpu.memory_space<vmem>>
      %dma_start3A_96 = tpu.memref_squeeze %dma_start3A_95 : memref<1x128xi32, #tpu.memory_space<vmem>> -> memref<128xi32, #tpu.memory_space<vmem>>
      %dma_start3A_97 = tpu.memref_slice %arg3[%mul3A_6] : memref<320000xi32, #tpu.memory_space<hbm>> -> memref<128xi32, #tpu.memory_space<hbm>>
      %dma_start3A_98 = arith.constant 0 : i32
      %dma_start3A_99 = tpu.memref_slice %arg9[%run_scoped3A_7, %dma_start3A_98] : memref<2x128xi32, #tpu.memory_space<vmem>> -> memref<1x128xi32, #tpu.memory_space<vmem>>
      %dma_start3A_100 = tpu.memref_squeeze %dma_start3A_99 : memref<1x128xi32, #tpu.memory_space<vmem>> -> memref<128xi32, #tpu.memory_space<vmem>>
      %dma_start3A_101 = tpu.memref_slice %arg3[%mul3A_6] : memref<320000xi32, #tpu.memory_space<hbm>> -> memref<128xi32, #tpu.memory_space<hbm>>
      tpu.enqueue_dma source(%dma_start3A_101 : memref<128xi32, #tpu.memory_space<hbm>>) target(%dma_start3A_100 : memref<128xi32, #tpu.memory_space<vmem>>) target_semaphore(%run_scoped3A_93 : memref<!tpu.dma_semaphore, #tpu.memory_space<semaphore_mem>>)
      %dma_wait3A_102 = arith.constant 0 : i32
      %dma_wait3A_103 = tpu.memref_slice %arg9[%run_scoped3A_7, %dma_wait3A_102] : memref<2x128xi32, #tpu.memory_space<vmem>> -> memref<1x128xi32, #tpu.memory_space<vmem>>
      %dma_wait3A_104 = tpu.memref_squeeze %dma_wait3A_103 : memref<1x128xi32, #tpu.memory_space<vmem>> -> memref<128xi32, #tpu.memory_space<vmem>>
      %dma_wait3A_105 = tpu.memref_slice %arg3[%mul3A_6] : memref<320000xi32, #tpu.memory_space<hbm>> -> memref<128xi32, #tpu.memory_space<hbm>>
      %dma_wait3A_106 = arith.constant 0 : i32
      %dma_wait3A_107 = tpu.memref_slice %arg9[%run_scoped3A_7, %dma_wait3A_106] : memref<2x128xi32, #tpu.memory_space<vmem>> -> memref<1x128xi32, #tpu.memory_space<vmem>>
      %dma_wait3A_108 = tpu.memref_squeeze %dma_wait3A_107 : memref<1x128xi32, #tpu.memory_space<vmem>> -> memref<128xi32, #tpu.memory_space<vmem>>
      %dma_wait3A_109 = tpu.memref_slice %arg3[%mul3A_6] : memref<320000xi32, #tpu.memory_space<hbm>> -> memref<128xi32, #tpu.memory_space<hbm>>
      tpu.wait_dma2 semaphore(%run_scoped3A_93 : memref<!tpu.dma_semaphore, #tpu.memory_space<semaphore_mem>>) src(%dma_wait3A_109 : memref<128xi32, #tpu.memory_space<hbm>>) dst(%dma_wait3A_108 : memref<128xi32, #tpu.memory_space<vmem>>)
      tpu.yield
    }) : () -> ()
    %dma_start3A = arith.constant 0 : i32
    %dma_start3A_8 = arith.constant 0 : i32
    %dma_start3A_9 = arith.constant 0 : i32
    %dma_start3A_10 = arith.constant 0 : i32
    %dma_start3A_11 = tpu.memref_slice %arg10[%dma_start3A_8, %dma_start3A_9, %dma_start3A_10] : memref<2x128x128xf32, #tpu.memory_space<vmem>> -> memref<1x128x128xf32, #tpu.memory_space<vmem>>
    %dma_start3A_12 = tpu.memref_squeeze %dma_start3A_11 : memref<1x128x128xf32, #tpu.memory_space<vmem>> -> memref<128x128xf32, #tpu.memory_space<vmem>>
    %dma_start3A_13 = arith.constant 0 : i32
    %dma_start3A_14 = tpu.memref_slice %arg8[%dma_start3A, %dma_start3A_13] : memref<2x128xi32, #tpu.memory_space<vmem>> -> memref<1x128xi32, #tpu.memory_space<vmem>>
    %dma_start3A_15 = tpu.memref_squeeze %dma_start3A_14 : memref<1x128xi32, #tpu.memory_space<vmem>> -> memref<128xi32, #tpu.memory_space<vmem>>
    %dma_start3A_16 = arith.constant 0 : i32
    %dma_start3A_17 = arith.constant 0 : i32
    %dma_start3A_18 = tpu.memref_slice %arg4[%dma_start3A_16, %dma_start3A_17] : memref<10000x128xf32, #tpu.memory_space<hbm>> -> memref<10000x128xf32, #tpu.memory_space<hbm>>
    tpu.enqueue_indirect_dma source(%dma_start3A_18 : memref<10000x128xf32, #tpu.memory_space<hbm>>) target(%dma_start3A_12 : memref<128x128xf32, #tpu.memory_space<vmem>>) offsets(%dma_start3A_15 : memref<128xi32, #tpu.memory_space<vmem>>) semaphore(%arg13 : memref<!tpu.dma_semaphore, #tpu.memory_space<semaphore_mem>>)
    %dma_start3A_19 = arith.constant 0 : i32
    %dma_start3A_20 = arith.constant 0 : i32
    %dma_start3A_21 = arith.constant 0 : i32
    %dma_start3A_22 = arith.constant 0 : i32
    %dma_start3A_23 = tpu.memref_slice %arg11[%dma_start3A_20, %dma_start3A_21, %dma_start3A_22] : memref<2x128x128xf32, #tpu.memory_space<vmem>> -> memref<1x128x128xf32, #tpu.memory_space<vmem>>
    %dma_start3A_24 = tpu.memref_squeeze %dma_start3A_23 : memref<1x128x128xf32, #tpu.memory_space<vmem>> -> memref<128x128xf32, #tpu.memory_space<vmem>>
    %dma_start3A_25 = arith.constant 0 : i32
    %dma_start3A_26 = tpu.memref_slice %arg9[%dma_start3A_19, %dma_start3A_25] : memref<2x128xi32, #tpu.memory_space<vmem>> -> memref<1x128xi32, #tpu.memory_space<vmem>>
    %dma_start3A_27 = tpu.memref_squeeze %dma_start3A_26 : memref<1x128xi32, #tpu.memory_space<vmem>> -> memref<128xi32, #tpu.memory_space<vmem>>
    %dma_start3A_28 = arith.constant 0 : i32
    %dma_start3A_29 = arith.constant 0 : i32
    %dma_start3A_30 = tpu.memref_slice %arg5[%dma_start3A_28, %dma_start3A_29] : memref<10000x128xf32, #tpu.memory_space<hbm>> -> memref<10000x128xf32, #tpu.memory_space<hbm>>
    tpu.enqueue_indirect_dma source(%dma_start3A_30 : memref<10000x128xf32, #tpu.memory_space<hbm>>) target(%dma_start3A_24 : memref<128x128xf32, #tpu.memory_space<vmem>>) offsets(%dma_start3A_27 : memref<128xi32, #tpu.memory_space<vmem>>) semaphore(%arg13 : memref<!tpu.dma_semaphore, #tpu.memory_space<semaphore_mem>>)
    %mul3A_31 = arith.constant 64 : i32
    %mul3A_32 = arith.muli %add3A_4, %mul3A_31 : i32
    %dma_start3A_33 = arith.constant 0 : i32
    %dma_start3A_34 = arith.constant 0 : i32
    %dma_start3A_35 = arith.constant 0 : i32
    %dma_start3A_36 = arith.constant 0 : i32
    %dma_start3A_37 = tpu.memref_slice %arg12[%dma_start3A_33, %dma_start3A_34, %dma_start3A_35, %dma_start3A_36] : memref<2x64x2x64xi32, #tpu.memory_space<vmem>> -> memref<1x64x2x64xi32, #tpu.memory_space<vmem>>
    %dma_start3A_38 = tpu.memref_squeeze %dma_start3A_37 : memref<1x64x2x64xi32, #tpu.memory_space<vmem>> -> memref<64x2x64xi32, #tpu.memory_space<vmem>>
    %dma_start3A_39 = arith.constant 0 : i32
    %dma_start3A_40 = arith.constant 0 : i32
    %dma_start3A_41 = tpu.memref_slice %arg6[%mul3A_32, %dma_start3A_39, %dma_start3A_40] : memref<160000x2x64xi32, #tpu.memory_space<hbm>> -> memref<64x2x64xi32, #tpu.memory_space<hbm>>
    %dma_start3A_42 = arith.constant 0 : i32
    %dma_start3A_43 = arith.constant 0 : i32
    %dma_start3A_44 = arith.constant 0 : i32
    %dma_start3A_45 = tpu.memref_slice %arg12[%dma_start3A_33, %dma_start3A_42, %dma_start3A_43, %dma_start3A_44] : memref<2x64x2x64xi32, #tpu.memory_space<vmem>> -> memref<1x64x2x64xi32, #tpu.memory_space<vmem>>
    %dma_start3A_46 = tpu.memref_squeeze %dma_start3A_45 : memref<1x64x2x64xi32, #tpu.memory_space<vmem>> -> memref<64x2x64xi32, #tpu.memory_space<vmem>>
    %dma_start3A_47 = arith.constant 0 : i32
    %dma_start3A_48 = arith.constant 0 : i32
    %dma_start3A_49 = tpu.memref_slice %arg6[%mul3A_32, %dma_start3A_47, %dma_start3A_48] : memref<160000x2x64xi32, #tpu.memory_space<hbm>> -> memref<64x2x64xi32, #tpu.memory_space<hbm>>
    tpu.enqueue_dma source(%dma_start3A_49 : memref<64x2x64xi32, #tpu.memory_space<hbm>>) target(%dma_start3A_46 : memref<64x2x64xi32, #tpu.memory_space<vmem>>) target_semaphore(%arg13 : memref<!tpu.dma_semaphore, #tpu.memory_space<semaphore_mem>>)
    %scan3A = arith.constant 0 : i32
    %scan3A_50 = arith.constant 0 : i32
    %scan3A_51 = arith.constant 39 : i32
    %scan3A_52 = arith.addi %scan3A_50, %scan3A_51 : i32
    %scan3A_53 = arith.constant 1 : i32
    scf.for %scan3A_93 = %scan3A_50 to %scan3A_52 step %scan3A_53  : i32 {
      %mul3A_94 = arith.constant 2 : i32
      %mul3A_95 = arith.muli %mul3A_94, %scan3A_93 : i32
      %add3A_96 = arith.addi %add3A_4, %mul3A_95 : i32
      %gt3A = arith.constant 0 : i32
      %gt3A_97 = arith.cmpi sgt, %scan3A_93, %gt3A : i32
      %convert_element_type3A_98 = arith.extui %gt3A_97 : i1 to i32
      %cond3A_99 = arith.constant 0 : i32
      %cond3A_100 = arith.cmpi ne, %convert_element_type3A_98, %cond3A_99 : i32
      scf.if %cond3A_100 {
        %sub3A_287 = arith.constant 1 : i32
        %sub3A_288 = arith.subi %add3A_96, %sub3A_287 : i32
        %mul3A_289 = arith.constant 128 : i32
        %mul3A_290 = arith.muli %sub3A_288, %mul3A_289 : i32
        %dma_wait3A_291 = arith.constant 1 : i32
        %dma_wait3A_292 = arith.constant 0 : i32
        %dma_wait3A_293 = arith.constant 0 : i32
        %dma_wait3A_294 = tpu.memref_slice %arg10[%dma_wait3A_291, %dma_wait3A_292, %dma_wait3A_293] : memref<2x128x128xf32, #tpu.memory_space<vmem>> -> memref<1x128x128xf32, #tpu.memory_space<vmem>>
        %dma_wait3A_295 = tpu.memref_squeeze %dma_wait3A_294 : memref<1x128x128xf32, #tpu.memory_space<vmem>> -> memref<128x128xf32, #tpu.memory_space<vmem>>
        %dma_wait3A_296 = arith.constant 0 : i32
        %dma_wait3A_297 = tpu.memref_slice %arg7[%mul3A_290, %dma_wait3A_296] : memref<320000x128xf32, #tpu.memory_space<hbm>> -> memref<128x128xf32, #tpu.memory_space<hbm>>
        %dma_wait3A_298 = arith.constant 0 : i32
        %dma_wait3A_299 = tpu.memref_slice %arg7[%mul3A_290, %dma_wait3A_298] : memref<320000x128xf32, #tpu.memory_space<hbm>> -> memref<128x128xf32, #tpu.memory_space<hbm>>
        %dma_wait3A_300 = arith.constant 0 : i32
        %dma_wait3A_301 = arith.constant 0 : i32
        %dma_wait3A_302 = tpu.memref_slice %arg10[%dma_wait3A_291, %dma_wait3A_300, %dma_wait3A_301] : memref<2x128x128xf32, #tpu.memory_space<vmem>> -> memref<1x128x128xf32, #tpu.memory_space<vmem>>
        %dma_wait3A_303 = tpu.memref_squeeze %dma_wait3A_302 : memref<1x128x128xf32, #tpu.memory_space<vmem>> -> memref<128x128xf32, #tpu.memory_space<vmem>>
        tpu.wait_dma2 semaphore(%arg16 : memref<!tpu.dma_semaphore, #tpu.memory_space<semaphore_mem>>) src(%dma_wait3A_303 : memref<128x128xf32, #tpu.memory_space<vmem>>) dst(%dma_wait3A_299 : memref<128x128xf32, #tpu.memory_space<hbm>>)
      } else {
      }
      %add3A_101 = arith.constant 1 : i32
      %add3A_102 = arith.addi %add3A_96, %add3A_101 : i32
      %mul3A_103 = arith.constant 128 : i32
      %mul3A_104 = arith.muli %add3A_102, %mul3A_103 : i32
      %run_scoped3A_105 = arith.constant 1 : i32
      "tpu.region"() ({
        %run_scoped3A_287 = tpu.sem_alloc : memref<!tpu.dma_semaphore, #tpu.memory_space<semaphore_mem>>
        %dma_start3A_288 = arith.constant 0 : i32
        %dma_start3A_289 = tpu.memref_slice %arg8[%run_scoped3A_105, %dma_start3A_288] : memref<2x128xi32, #tpu.memory_space<vmem>> -> memref<1x128xi32, #tpu.memory_space<vmem>>
        %dma_start3A_290 = tpu.memref_squeeze %dma_start3A_289 : memref<1x128xi32, #tpu.memory_space<vmem>> -> memref<128xi32, #tpu.memory_space<vmem>>
        %dma_start3A_291 = tpu.memref_slice %arg2[%mul3A_104] : memref<320000xi32, #tpu.memory_space<hbm>> -> memref<128xi32, #tpu.memory_space<hbm>>
        %dma_start3A_292 = arith.constant 0 : i32
        %dma_start3A_293 = tpu.memref_slice %arg8[%run_scoped3A_105, %dma_start3A_292] : memref<2x128xi32, #tpu.memory_space<vmem>> -> memref<1x128xi32, #tpu.memory_space<vmem>>
        %dma_start3A_294 = tpu.memref_squeeze %dma_start3A_293 : memref<1x128xi32, #tpu.memory_space<vmem>> -> memref<128xi32, #tpu.memory_space<vmem>>
        %dma_start3A_295 = tpu.memref_slice %arg2[%mul3A_104] : memref<320000xi32, #tpu.memory_space<hbm>> -> memref<128xi32, #tpu.memory_space<hbm>>
        tpu.enqueue_dma source(%dma_start3A_295 : memref<128xi32, #tpu.memory_space<hbm>>) target(%dma_start3A_294 : memref<128xi32, #tpu.memory_space<vmem>>) target_semaphore(%run_scoped3A_287 : memref<!tpu.dma_semaphore, #tpu.memory_space<semaphore_mem>>)
        %dma_wait3A_296 = arith.constant 0 : i32
        %dma_wait3A_297 = tpu.memref_slice %arg8[%run_scoped3A_105, %dma_wait3A_296] : memref<2x128xi32, #tpu.memory_space<vmem>> -> memref<1x128xi32, #tpu.memory_space<vmem>>
        %dma_wait3A_298 = tpu.memref_squeeze %dma_wait3A_297 : memref<1x128xi32, #tpu.memory_space<vmem>> -> memref<128xi32, #tpu.memory_space<vmem>>
        %dma_wait3A_299 = tpu.memref_slice %arg2[%mul3A_104] : memref<320000xi32, #tpu.memory_space<hbm>> -> memref<128xi32, #tpu.memory_space<hbm>>
        %dma_wait3A_300 = arith.constant 0 : i32
        %dma_wait3A_301 = tpu.memref_slice %arg8[%run_scoped3A_105, %dma_wait3A_300] : memref<2x128xi32, #tpu.memory_space<vmem>> -> memref<1x128xi32, #tpu.memory_space<vmem>>
        %dma_wait3A_302 = tpu.memref_squeeze %dma_wait3A_301 : memref<1x128xi32, #tpu.memory_space<vmem>> -> memref<128xi32, #tpu.memory_space<vmem>>
        %dma_wait3A_303 = tpu.memref_slice %arg2[%mul3A_104] : memref<320000xi32, #tpu.memory_space<hbm>> -> memref<128xi32, #tpu.memory_space<hbm>>
        tpu.wait_dma2 semaphore(%run_scoped3A_287 : memref<!tpu.dma_semaphore, #tpu.memory_space<semaphore_mem>>) src(%dma_wait3A_303 : memref<128xi32, #tpu.memory_space<hbm>>) dst(%dma_wait3A_302 : memref<128xi32, #tpu.memory_space<vmem>>)
        tpu.yield
      }) : () -> ()
      %run_scoped3A_106 = arith.constant 1 : i32
      "tpu.region"() ({
        %run_scoped3A_287 = tpu.sem_alloc : memref<!tpu.dma_semaphore, #tpu.memory_space<semaphore_mem>>
        %dma_start3A_288 = arith.constant 0 : i32
        %dma_start3A_289 = tpu.memref_slice %arg9[%run_scoped3A_106, %dma_start3A_288] : memref<2x128xi32, #tpu.memory_space<vmem>> -> memref<1x128xi32, #tpu.memory_space<vmem>>
        %dma_start3A_290 = tpu.memref_squeeze %dma_start3A_289 : memref<1x128xi32, #tpu.memory_space<vmem>> -> memref<128xi32, #tpu.memory_space<vmem>>
        %dma_start3A_291 = tpu.memref_slice %arg3[%mul3A_104] : memref<320000xi32, #tpu.memory_space<hbm>> -> memref<128xi32, #tpu.memory_space<hbm>>
        %dma_start3A_292 = arith.constant 0 : i32
        %dma_start3A_293 = tpu.memref_slice %arg9[%run_scoped3A_106, %dma_start3A_292] : memref<2x128xi32, #tpu.memory_space<vmem>> -> memref<1x128xi32, #tpu.memory_space<vmem>>
        %dma_start3A_294 = tpu.memref_squeeze %dma_start3A_293 : memref<1x128xi32, #tpu.memory_space<vmem>> -> memref<128xi32, #tpu.memory_space<vmem>>
        %dma_start3A_295 = tpu.memref_slice %arg3[%mul3A_104] : memref<320000xi32, #tpu.memory_space<hbm>> -> memref<128xi32, #tpu.memory_space<hbm>>
        tpu.enqueue_dma source(%dma_start3A_295 : memref<128xi32, #tpu.memory_space<hbm>>) target(%dma_start3A_294 : memref<128xi32, #tpu.memory_space<vmem>>) target_semaphore(%run_scoped3A_287 : memref<!tpu.dma_semaphore, #tpu.memory_space<semaphore_mem>>)
        %dma_wait3A_296 = arith.constant 0 : i32
        %dma_wait3A_297 = tpu.memref_slice %arg9[%run_scoped3A_106, %dma_wait3A_296] : memref<2x128xi32, #tpu.memory_space<vmem>> -> memref<1x128xi32, #tpu.memory_space<vmem>>
        %dma_wait3A_298 = tpu.memref_squeeze %dma_wait3A_297 : memref<1x128xi32, #tpu.memory_space<vmem>> -> memref<128xi32, #tpu.memory_space<vmem>>
        %dma_wait3A_299 = tpu.memref_slice %arg3[%mul3A_104] : memref<320000xi32, #tpu.memory_space<hbm>> -> memref<128xi32, #tpu.memory_space<hbm>>
        %dma_wait3A_300 = arith.constant 0 : i32
        %dma_wait3A_301 = tpu.memref_slice %arg9[%run_scoped3A_106, %dma_wait3A_300] : memref<2x128xi32, #tpu.memory_space<vmem>> -> memref<1x128xi32, #tpu.memory_space<vmem>>
        %dma_wait3A_302 = tpu.memref_squeeze %dma_wait3A_301 : memref<1x128xi32, #tpu.memory_space<vmem>> -> memref<128xi32, #tpu.memory_space<vmem>>
        %dma_wait3A_303 = tpu.memref_slice %arg3[%mul3A_104] : memref<320000xi32, #tpu.memory_space<hbm>> -> memref<128xi32, #tpu.memory_space<hbm>>
        tpu.wait_dma2 semaphore(%run_scoped3A_287 : memref<!tpu.dma_semaphore, #tpu.memory_space<semaphore_mem>>) src(%dma_wait3A_303 : memref<128xi32, #tpu.memory_space<hbm>>) dst(%dma_wait3A_302 : memref<128xi32, #tpu.memory_space<vmem>>)
        tpu.yield
      }) : () -> ()
      %dma_start3A_107 = arith.constant 1 : i32
      %dma_start3A_108 = arith.constant 1 : i32
      %dma_start3A_109 = arith.constant 0 : i32
      %dma_start3A_110 = arith.constant 0 : i32
      %dma_start3A_111 = tpu.memref_slice %arg10[%dma_start3A_108, %dma_start3A_109, %dma_start3A_110] : memref<2x128x128xf32, #tpu.memory_space<vmem>> -> memref<1x128x128xf32, #tpu.memory_space<vmem>>
      %dma_start3A_112 = tpu.memref_squeeze %dma_start3A_111 : memref<1x128x128xf32, #tpu.memory_space<vmem>> -> memref<128x128xf32, #tpu.memory_space<vmem>>
      %dma_start3A_113 = arith.constant 0 : i32
      %dma_start3A_114 = tpu.memref_slice %arg8[%dma_start3A_107, %dma_start3A_113] : memref<2x128xi32, #tpu.memory_space<vmem>> -> memref<1x128xi32, #tpu.memory_space<vmem>>
      %dma_start3A_115 = tpu.memref_squeeze %dma_start3A_114 : memref<1x128xi32, #tpu.memory_space<vmem>> -> memref<128xi32, #tpu.memory_space<vmem>>
      %dma_start3A_116 = arith.constant 0 : i32
      %dma_start3A_117 = arith.constant 0 : i32
      %dma_start3A_118 = tpu.memref_slice %arg4[%dma_start3A_116, %dma_start3A_117] : memref<10000x128xf32, #tpu.memory_space<hbm>> -> memref<10000x128xf32, #tpu.memory_space<hbm>>
      tpu.enqueue_indirect_dma source(%dma_start3A_118 : memref<10000x128xf32, #tpu.memory_space<hbm>>) target(%dma_start3A_112 : memref<128x128xf32, #tpu.memory_space<vmem>>) offsets(%dma_start3A_115 : memref<128xi32, #tpu.memory_space<vmem>>) semaphore(%arg14 : memref<!tpu.dma_semaphore, #tpu.memory_space<semaphore_mem>>)
      %dma_start3A_119 = arith.constant 1 : i32
      %dma_start3A_120 = arith.constant 1 : i32
      %dma_start3A_121 = arith.constant 0 : i32
      %dma_start3A_122 = arith.constant 0 : i32
      %dma_start3A_123 = tpu.memref_slice %arg11[%dma_start3A_120, %dma_start3A_121, %dma_start3A_122] : memref<2x128x128xf32, #tpu.memory_space<vmem>> -> memref<1x128x128xf32, #tpu.memory_space<vmem>>
      %dma_start3A_124 = tpu.memref_squeeze %dma_start3A_123 : memref<1x128x128xf32, #tpu.memory_space<vmem>> -> memref<128x128xf32, #tpu.memory_space<vmem>>
      %dma_start3A_125 = arith.constant 0 : i32
      %dma_start3A_126 = tpu.memref_slice %arg9[%dma_start3A_119, %dma_start3A_125] : memref<2x128xi32, #tpu.memory_space<vmem>> -> memref<1x128xi32, #tpu.memory_space<vmem>>
      %dma_start3A_127 = tpu.memref_squeeze %dma_start3A_126 : memref<1x128xi32, #tpu.memory_space<vmem>> -> memref<128xi32, #tpu.memory_space<vmem>>
      %dma_start3A_128 = arith.constant 0 : i32
      %dma_start3A_129 = arith.constant 0 : i32
      %dma_start3A_130 = tpu.memref_slice %arg5[%dma_start3A_128, %dma_start3A_129] : memref<10000x128xf32, #tpu.memory_space<hbm>> -> memref<10000x128xf32, #tpu.memory_space<hbm>>
      tpu.enqueue_indirect_dma source(%dma_start3A_130 : memref<10000x128xf32, #tpu.memory_space<hbm>>) target(%dma_start3A_124 : memref<128x128xf32, #tpu.memory_space<vmem>>) offsets(%dma_start3A_127 : memref<128xi32, #tpu.memory_space<vmem>>) semaphore(%arg14 : memref<!tpu.dma_semaphore, #tpu.memory_space<semaphore_mem>>)
      %mul3A_131 = arith.constant 64 : i32
      %mul3A_132 = arith.muli %add3A_102, %mul3A_131 : i32
      %dma_start3A_133 = arith.constant 1 : i32
      %dma_start3A_134 = arith.constant 0 : i32
      %dma_start3A_135 = arith.constant 0 : i32
      %dma_start3A_136 = arith.constant 0 : i32
      %dma_start3A_137 = tpu.memref_slice %arg12[%dma_start3A_133, %dma_start3A_134, %dma_start3A_135, %dma_start3A_136] : memref<2x64x2x64xi32, #tpu.memory_space<vmem>> -> memref<1x64x2x64xi32, #tpu.memory_space<vmem>>
      %dma_start3A_138 = tpu.memref_squeeze %dma_start3A_137 : memref<1x64x2x64xi32, #tpu.memory_space<vmem>> -> memref<64x2x64xi32, #tpu.memory_space<vmem>>
      %dma_start3A_139 = arith.constant 0 : i32
      %dma_start3A_140 = arith.constant 0 : i32
      %dma_start3A_141 = tpu.memref_slice %arg6[%mul3A_132, %dma_start3A_139, %dma_start3A_140] : memref<160000x2x64xi32, #tpu.memory_space<hbm>> -> memref<64x2x64xi32, #tpu.memory_space<hbm>>
      %dma_start3A_142 = arith.constant 0 : i32
      %dma_start3A_143 = arith.constant 0 : i32
      %dma_start3A_144 = arith.constant 0 : i32
      %dma_start3A_145 = tpu.memref_slice %arg12[%dma_start3A_133, %dma_start3A_142, %dma_start3A_143, %dma_start3A_144] : memref<2x64x2x64xi32, #tpu.memory_space<vmem>> -> memref<1x64x2x64xi32, #tpu.memory_space<vmem>>
      %dma_start3A_146 = tpu.memref_squeeze %dma_start3A_145 : memref<1x64x2x64xi32, #tpu.memory_space<vmem>> -> memref<64x2x64xi32, #tpu.memory_space<vmem>>
      %dma_start3A_147 = arith.constant 0 : i32
      %dma_start3A_148 = arith.constant 0 : i32
      %dma_start3A_149 = tpu.memref_slice %arg6[%mul3A_132, %dma_start3A_147, %dma_start3A_148] : memref<160000x2x64xi32, #tpu.memory_space<hbm>> -> memref<64x2x64xi32, #tpu.memory_space<hbm>>
      tpu.enqueue_dma source(%dma_start3A_149 : memref<64x2x64xi32, #tpu.memory_space<hbm>>) target(%dma_start3A_146 : memref<64x2x64xi32, #tpu.memory_space<vmem>>) target_semaphore(%arg14 : memref<!tpu.dma_semaphore, #tpu.memory_space<semaphore_mem>>)
      %dma_wait3A_150 = arith.constant 0 : i32
      %dma_wait3A_151 = arith.constant 0 : i32
      %dma_wait3A_152 = arith.constant 0 : i32
      %dma_wait3A_153 = arith.constant 0 : i32
      %dma_wait3A_154 = tpu.memref_slice %arg10[%dma_wait3A_151, %dma_wait3A_152, %dma_wait3A_153] : memref<2x128x128xf32, #tpu.memory_space<vmem>> -> memref<1x128x128xf32, #tpu.memory_space<vmem>>
      %dma_wait3A_155 = tpu.memref_squeeze %dma_wait3A_154 : memref<1x128x128xf32, #tpu.memory_space<vmem>> -> memref<128x128xf32, #tpu.memory_space<vmem>>
      %dma_wait3A_156 = arith.constant 0 : i32
      %dma_wait3A_157 = tpu.memref_slice %arg8[%dma_wait3A_150, %dma_wait3A_156] : memref<2x128xi32, #tpu.memory_space<vmem>> -> memref<1x128xi32, #tpu.memory_space<vmem>>
      %dma_wait3A_158 = tpu.memref_squeeze %dma_wait3A_157 : memref<1x128xi32, #tpu.memory_space<vmem>> -> memref<128xi32, #tpu.memory_space<vmem>>
      %dma_wait3A_159 = arith.constant 0 : i32
      %dma_wait3A_160 = arith.constant 0 : i32
      %dma_wait3A_161 = tpu.memref_slice %arg4[%dma_wait3A_159, %dma_wait3A_160] : memref<10000x128xf32, #tpu.memory_space<hbm>> -> memref<10000x128xf32, #tpu.memory_space<hbm>>
      tpu.wait_indirect_dma semaphore(%arg13 : memref<!tpu.dma_semaphore, #tpu.memory_space<semaphore_mem>>) src(%dma_wait3A_161 : memref<10000x128xf32, #tpu.memory_space<hbm>>) dst(%dma_wait3A_155 : memref<128x128xf32, #tpu.memory_space<vmem>>)
      %dma_wait3A_162 = arith.constant 0 : i32
      %dma_wait3A_163 = arith.constant 0 : i32
      %dma_wait3A_164 = arith.constant 0 : i32
      %dma_wait3A_165 = arith.constant 0 : i32
      %dma_wait3A_166 = tpu.memref_slice %arg11[%dma_wait3A_163, %dma_wait3A_164, %dma_wait3A_165] : memref<2x128x128xf32, #tpu.memory_space<vmem>> -> memref<1x128x128xf32, #tpu.memory_space<vmem>>
      %dma_wait3A_167 = tpu.memref_squeeze %dma_wait3A_166 : memref<1x128x128xf32, #tpu.memory_space<vmem>> -> memref<128x128xf32, #tpu.memory_space<vmem>>
      %dma_wait3A_168 = arith.constant 0 : i32
      %dma_wait3A_169 = tpu.memref_slice %arg9[%dma_wait3A_162, %dma_wait3A_168] : memref<2x128xi32, #tpu.memory_space<vmem>> -> memref<1x128xi32, #tpu.memory_space<vmem>>
      %dma_wait3A_170 = tpu.memref_squeeze %dma_wait3A_169 : memref<1x128xi32, #tpu.memory_space<vmem>> -> memref<128xi32, #tpu.memory_space<vmem>>
      %dma_wait3A_171 = arith.constant 0 : i32
      %dma_wait3A_172 = arith.constant 0 : i32
      %dma_wait3A_173 = tpu.memref_slice %arg5[%dma_wait3A_171, %dma_wait3A_172] : memref<10000x128xf32, #tpu.memory_space<hbm>> -> memref<10000x128xf32, #tpu.memory_space<hbm>>
      tpu.wait_indirect_dma semaphore(%arg13 : memref<!tpu.dma_semaphore, #tpu.memory_space<semaphore_mem>>) src(%dma_wait3A_173 : memref<10000x128xf32, #tpu.memory_space<hbm>>) dst(%dma_wait3A_167 : memref<128x128xf32, #tpu.memory_space<vmem>>)
      %mul3A_174 = arith.constant 64 : i32
      %mul3A_175 = arith.muli %add3A_96, %mul3A_174 : i32
      %dma_wait3A_176 = arith.constant 0 : i32
      %dma_wait3A_177 = arith.constant 0 : i32
      %dma_wait3A_178 = arith.constant 0 : i32
      %dma_wait3A_179 = arith.constant 0 : i32
      %dma_wait3A_180 = tpu.memref_slice %arg12[%dma_wait3A_176, %dma_wait3A_177, %dma_wait3A_178, %dma_wait3A_179] : memref<2x64x2x64xi32, #tpu.memory_space<vmem>> -> memref<1x64x2x64xi32, #tpu.memory_space<vmem>>
      %dma_wait3A_181 = tpu.memref_squeeze %dma_wait3A_180 : memref<1x64x2x64xi32, #tpu.memory_space<vmem>> -> memref<64x2x64xi32, #tpu.memory_space<vmem>>
      %dma_wait3A_182 = arith.constant 0 : i32
      %dma_wait3A_183 = arith.constant 0 : i32
      %dma_wait3A_184 = tpu.memref_slice %arg6[%mul3A_175, %dma_wait3A_182, %dma_wait3A_183] : memref<160000x2x64xi32, #tpu.memory_space<hbm>> -> memref<64x2x64xi32, #tpu.memory_space<hbm>>
      %dma_wait3A_185 = arith.constant 0 : i32
      %dma_wait3A_186 = arith.constant 0 : i32
      %dma_wait3A_187 = arith.constant 0 : i32
      %dma_wait3A_188 = tpu.memref_slice %arg12[%dma_wait3A_176, %dma_wait3A_185, %dma_wait3A_186, %dma_wait3A_187] : memref<2x64x2x64xi32, #tpu.memory_space<vmem>> -> memref<1x64x2x64xi32, #tpu.memory_space<vmem>>
      %dma_wait3A_189 = tpu.memref_squeeze %dma_wait3A_188 : memref<1x64x2x64xi32, #tpu.memory_space<vmem>> -> memref<64x2x64xi32, #tpu.memory_space<vmem>>
      %dma_wait3A_190 = arith.constant 0 : i32
      %dma_wait3A_191 = arith.constant 0 : i32
      %dma_wait3A_192 = tpu.memref_slice %arg6[%mul3A_175, %dma_wait3A_190, %dma_wait3A_191] : memref<160000x2x64xi32, #tpu.memory_space<hbm>> -> memref<64x2x64xi32, #tpu.memory_space<hbm>>
      tpu.wait_dma2 semaphore(%arg13 : memref<!tpu.dma_semaphore, #tpu.memory_space<semaphore_mem>>) src(%dma_wait3A_192 : memref<64x2x64xi32, #tpu.memory_space<hbm>>) dst(%dma_wait3A_189 : memref<64x2x64xi32, #tpu.memory_space<vmem>>)
      %scan3A_193 = arith.constant 0 : i32
      %scan3A_194 = arith.constant 0 : i32
      %scan3A_195 = arith.constant 64 : i32
      %scan3A_196 = arith.addi %scan3A_194, %scan3A_195 : i32
      %scan3A_197 = arith.constant 1 : i32
      scf.for %scan3A_287 = %scan3A_194 to %scan3A_196 step %scan3A_197  : i32 {
        %mul3A_288 = arith.constant 2 : i32
        %mul3A_289 = arith.muli %scan3A_287, %mul3A_288 : i32
        %add3A_290 = arith.constant 0 : i32
        %add3A_291 = arith.addi %mul3A_289, %add3A_290 : i32
        %get3A = arith.constant 0 : i32
        %get3A_292 = arith.constant 0 : i32
        %get3A_293 = arith.index_cast %get3A : i32 to index
        %get3A_294 = arith.index_cast %scan3A_287 : i32 to index
        %get3A_295 = arith.index_cast %get3A_292 : i32 to index
        %get3A_296 = arith.constant 0 : index
        %get3A_297 = tpu.vector_load %arg12[%get3A_293, %get3A_294, %get3A_295, %get3A_296] {strides = array<i32>} : memref<2x64x2x64xi32, #tpu.memory_space<vmem>>, vector<1x1x1x16xi32>,
        %get3A_298 = vector.shape_cast %get3A_297 : vector<1x1x1x16xi32> to vector<16xi32>
        %shift_left3A = arith.constant 16 : i32
        %shift_left3A_299 = vector.broadcast %shift_left3A : i32 to vector<16xi32>
        %shift_left3A_300 = arith.shli %get3A_298, %shift_left3A_299 : vector<16xi32>
        %bitcast_convert_type3A = tpu.bitcast %shift_left3A_300 : vector<16xi32> -> vector<16xf32>
        %and3A = arith.constant -65536 : i32
        %and3A_301 = vector.broadcast %and3A : i32 to vector<16xi32>
        %and3A_302 = arith.andi %get3A_298, %and3A_301 : vector<16xi32>
        %bitcast_convert_type3A_303 = tpu.bitcast %and3A_302 : vector<16xi32> -> vector<16xf32>
        %get3A_304 = arith.constant 0 : i32
        %get3A_305 = arith.index_cast %get3A_304 : i32 to index
        %get3A_306 = arith.index_cast %add3A_291 : i32 to index
        %get3A_307 = arith.constant 0 : index
        %get3A_308 = tpu.vector_load %arg11[%get3A_305, %get3A_306, %get3A_307] {strides = array<i32>} : memref<2x128x128xf32, #tpu.memory_space<vmem>>, vector<1x1x16xf32>,
        %get3A_309 = vector.shape_cast %get3A_308 : vector<1x1x16xf32> to vector<16xf32>
        %add3A_310 = arith.addf %get3A_309, %bitcast_convert_type3A : vector<16xf32>
        %swap3A = arith.constant 0 : i32
        %swap3A_311 = arith.index_cast %swap3A : i32 to index
        %swap3A_312 = arith.index_cast %add3A_291 : i32 to index
        %swap3A_313 = arith.constant 0 : index
        %swap3A_314 = tpu.vector_load %arg10[%swap3A_311, %swap3A_312, %swap3A_313] {strides = array<i32>} : memref<2x128x128xf32, #tpu.memory_space<vmem>>, vector<1x1x16xf32>,
        %swap3A_315 = vector.shape_cast %swap3A_314 : vector<1x1x16xf32> to vector<16xf32>
        %swap3A_316 = vector.shape_cast %add3A_310 : vector<16xf32> to vector<1x1x16xf32>
        tpu.vector_store %arg10[%swap3A_311, %swap3A_312, %swap3A_313], %swap3A_316 {add = true, strides = array<i32>} : memref<2x128x128xf32, #tpu.memory_space<vmem>>, vector<1x1x16xf32>,
        %get3A_317 = arith.constant 0 : i32
        %get3A_318 = arith.index_cast %get3A_317 : i32 to index
        %get3A_319 = arith.index_cast %add3A_291 : i32 to index
        %get3A_320 = arith.constant 16 : index
        %get3A_321 = tpu.vector_load %arg11[%get3A_318, %get3A_319, %get3A_320] {strides = array<i32>} : memref<2x128x128xf32, #tpu.memory_space<vmem>>, vector<1x1x16xf32>,
        %get3A_322 = vector.shape_cast %get3A_321 : vector<1x1x16xf32> to vector<16xf32>
        %add3A_323 = arith.addf %get3A_322, %bitcast_convert_type3A_303 : vector<16xf32>
        %swap3A_324 = arith.constant 0 : i32
        %swap3A_325 = arith.index_cast %swap3A_324 : i32 to index
        %swap3A_326 = arith.index_cast %add3A_291 : i32 to index
        %swap3A_327 = arith.constant 16 : index
        %swap3A_328 = tpu.vector_load %arg10[%swap3A_325, %swap3A_326, %swap3A_327] {strides = array<i32>} : memref<2x128x128xf32, #tpu.memory_space<vmem>>, vector<1x1x16xf32>,
        %swap3A_329 = vector.shape_cast %swap3A_328 : vector<1x1x16xf32> to vector<16xf32>
        %swap3A_330 = vector.shape_cast %add3A_323 : vector<16xf32> to vector<1x1x16xf32>
        tpu.vector_store %arg10[%swap3A_325, %swap3A_326, %swap3A_327], %swap3A_330 {add = true, strides = array<i32>} : memref<2x128x128xf32, #tpu.memory_space<vmem>>, vector<1x1x16xf32>,
        %get3A_331 = arith.constant 0 : i32
        %get3A_332 = arith.constant 0 : i32
        %get3A_333 = arith.index_cast %get3A_331 : i32 to index
        %get3A_334 = arith.index_cast %scan3A_287 : i32 to index
        %get3A_335 = arith.index_cast %get3A_332 : i32 to index
        %get3A_336 = arith.constant 16 : index
        %get3A_337 = tpu.vector_load %arg12[%get3A_333, %get3A_334, %get3A_335, %get3A_336] {strides = array<i32>} : memref<2x64x2x64xi32, #tpu.memory_space<vmem>>, vector<1x1x1x16xi32>,
        %get3A_338 = vector.shape_cast %get3A_337 : vector<1x1x1x16xi32> to vector<16xi32>
        %shift_left3A_339 = arith.constant 16 : i32
        %shift_left3A_340 = vector.broadcast %shift_left3A_339 : i32 to vector<16xi32>
        %shift_left3A_341 = arith.shli %get3A_338, %shift_left3A_340 : vector<16xi32>
        %bitcast_convert_type3A_342 = tpu.bitcast %shift_left3A_341 : vector<16xi32> -> vector<16xf32>
        %and3A_343 = arith.constant -65536 : i32
        %and3A_344 = vector.broadcast %and3A_343 : i32 to vector<16xi32>
        %and3A_345 = arith.andi %get3A_338, %and3A_344 : vector<16xi32>
        %bitcast_convert_type3A_346 = tpu.bitcast %and3A_345 : vector<16xi32> -> vector<16xf32>
        %get3A_347 = arith.constant 0 : i32
        %get3A_348 = arith.index_cast %get3A_347 : i32 to index
        %get3A_349 = arith.index_cast %add3A_291 : i32 to index
        %get3A_350 = arith.constant 32 : index
        %get3A_351 = tpu.vector_load %arg11[%get3A_348, %get3A_349, %get3A_350] {strides = array<i32>} : memref<2x128x128xf32, #tpu.memory_space<vmem>>, vector<1x1x16xf32>,
        %get3A_352 = vector.shape_cast %get3A_351 : vector<1x1x16xf32> to vector<16xf32>
        %add3A_353 = arith.addf %get3A_352, %bitcast_convert_type3A_342 : vector<16xf32>
        %swap3A_354 = arith.constant 0 : i32
        %swap3A_355 = arith.index_cast %swap3A_354 : i32 to index
        %swap3A_356 = arith.index_cast %add3A_291 : i32 to index
        %swap3A_357 = arith.constant 32 : index
        %swap3A_358 = tpu.vector_load %arg10[%swap3A_355, %swap3A_356, %swap3A_357] {strides = array<i32>} : memref<2x128x128xf32, #tpu.memory_space<vmem>>, vector<1x1x16xf32>,
        %swap3A_359 = vector.shape_cast %swap3A_358 : vector<1x1x16xf32> to vector<16xf32>
        %swap3A_360 = vector.shape_cast %add3A_353 : vector<16xf32> to vector<1x1x16xf32>
        tpu.vector_store %arg10[%swap3A_355, %swap3A_356, %swap3A_357], %swap3A_360 {add = true, strides = array<i32>} : memref<2x128x128xf32, #tpu.memory_space<vmem>>, vector<1x1x16xf32>,
        %get3A_361 = arith.constant 0 : i32
        %get3A_362 = arith.index_cast %get3A_361 : i32 to index
        %get3A_363 = arith.index_cast %add3A_291 : i32 to index
        %get3A_364 = arith.constant 48 : index
        %get3A_365 = tpu.vector_load %arg11[%get3A_362, %get3A_363, %get3A_364] {strides = array<i32>} : memref<2x128x128xf32, #tpu.memory_space<vmem>>, vector<1x1x16xf32>,
        %get3A_366 = vector.shape_cast %get3A_365 : vector<1x1x16xf32> to vector<16xf32>
        %add3A_367 = arith.addf %get3A_366, %bitcast_convert_type3A_346 : vector<16xf32>
        %swap3A_368 = arith.constant 0 : i32
        %swap3A_369 = arith.index_cast %swap3A_368 : i32 to index
        %swap3A_370 = arith.index_cast %add3A_291 : i32 to index
        %swap3A_371 = arith.constant 48 : index
        %swap3A_372 = tpu.vector_load %arg10[%swap3A_369, %swap3A_370, %swap3A_371] {strides = array<i32>} : memref<2x128x128xf32, #tpu.memory_space<vmem>>, vector<1x1x16xf32>,
        %swap3A_373 = vector.shape_cast %swap3A_372 : vector<1x1x16xf32> to vector<16xf32>
        %swap3A_374 = vector.shape_cast %add3A_367 : vector<16xf32> to vector<1x1x16xf32>
        tpu.vector_store %arg10[%swap3A_369, %swap3A_370, %swap3A_371], %swap3A_374 {add = true, strides = array<i32>} : memref<2x128x128xf32, #tpu.memory_space<vmem>>, vector<1x1x16xf32>,
        %get3A_375 = arith.constant 0 : i32
        %get3A_376 = arith.constant 0 : i32
        %get3A_377 = arith.index_cast %get3A_375 : i32 to index
        %get3A_378 = arith.index_cast %scan3A_287 : i32 to index
        %get3A_379 = arith.index_cast %get3A_376 : i32 to index
        %get3A_380 = arith.constant 32 : index
        %get3A_381 = tpu.vector_load %arg12[%get3A_377, %get3A_378, %get3A_379, %get3A_380] {strides = array<i32>} : memref<2x64x2x64xi32, #tpu.memory_space<vmem>>, vector<1x1x1x16xi32>,
        %get3A_382 = vector.shape_cast %get3A_381 : vector<1x1x1x16xi32> to vector<16xi32>
        %shift_left3A_383 = arith.constant 16 : i32
        %shift_left3A_384 = vector.broadcast %shift_left3A_383 : i32 to vector<16xi32>
        %shift_left3A_385 = arith.shli %get3A_382, %shift_left3A_384 : vector<16xi32>
        %bitcast_convert_type3A_386 = tpu.bitcast %shift_left3A_385 : vector<16xi32> -> vector<16xf32>
        %and3A_387 = arith.constant -65536 : i32
        %and3A_388 = vector.broadcast %and3A_387 : i32 to vector<16xi32>
        %and3A_389 = arith.andi %get3A_382, %and3A_388 : vector<16xi32>
        %bitcast_convert_type3A_390 = tpu.bitcast %and3A_389 : vector<16xi32> -> vector<16xf32>
        %get3A_391 = arith.constant 0 : i32
        %get3A_392 = arith.index_cast %get3A_391 : i32 to index
        %get3A_393 = arith.index_cast %add3A_291 : i32 to index
        %get3A_394 = arith.constant 64 : index
        %get3A_395 = tpu.vector_load %arg11[%get3A_392, %get3A_393, %get3A_394] {strides = array<i32>} : memref<2x128x128xf32, #tpu.memory_space<vmem>>, vector<1x1x16xf32>,
        %get3A_396 = vector.shape_cast %get3A_395 : vector<1x1x16xf32> to vector<16xf32>
        %add3A_397 = arith.addf %get3A_396, %bitcast_convert_type3A_386 : vector<16xf32>
        %swap3A_398 = arith.constant 0 : i32
        %swap3A_399 = arith.index_cast %swap3A_398 : i32 to index
        %swap3A_400 = arith.index_cast %add3A_291 : i32 to index
        %swap3A_401 = arith.constant 64 : index
        %swap3A_402 = tpu.vector_load %arg10[%swap3A_399, %swap3A_400, %swap3A_401] {strides = array<i32>} : memref<2x128x128xf32, #tpu.memory_space<vmem>>, vector<1x1x16xf32>,
        %swap3A_403 = vector.shape_cast %swap3A_402 : vector<1x1x16xf32> to vector<16xf32>
        %swap3A_404 = vector.shape_cast %add3A_397 : vector<16xf32> to vector<1x1x16xf32>
        tpu.vector_store %arg10[%swap3A_399, %swap3A_400, %swap3A_401], %swap3A_404 {add = true, strides = array<i32>} : memref<2x128x128xf32, #tpu.memory_space<vmem>>, vector<1x1x16xf32>,
        %get3A_405 = arith.constant 0 : i32
        %get3A_406 = arith.index_cast %get3A_405 : i32 to index
        %get3A_407 = arith.index_cast %add3A_291 : i32 to index
        %get3A_408 = arith.constant 80 : index
        %get3A_409 = tpu.vector_load %arg11[%get3A_406, %get3A_407, %get3A_408] {strides = array<i32>} : memref<2x128x128xf32, #tpu.memory_space<vmem>>, vector<1x1x16xf32>,
        %get3A_410 = vector.shape_cast %get3A_409 : vector<1x1x16xf32> to vector<16xf32>
        %add3A_411 = arith.addf %get3A_410, %bitcast_convert_type3A_390 : vector<16xf32>
        %swap3A_412 = arith.constant 0 : i32
        %swap3A_413 = arith.index_cast %swap3A_412 : i32 to index
        %swap3A_414 = arith.index_cast %add3A_291 : i32 to index
        %swap3A_415 = arith.constant 80 : index
        %swap3A_416 = tpu.vector_load %arg10[%swap3A_413, %swap3A_414, %swap3A_415] {strides = array<i32>} : memref<2x128x128xf32, #tpu.memory_space<vmem>>, vector<1x1x16xf32>,
        %swap3A_417 = vector.shape_cast %swap3A_416 : vector<1x1x16xf32> to vector<16xf32>
        %swap3A_418 = vector.shape_cast %add3A_411 : vector<16xf32> to vector<1x1x16xf32>
        tpu.vector_store %arg10[%swap3A_413, %swap3A_414, %swap3A_415], %swap3A_418 {add = true, strides = array<i32>} : memref<2x128x128xf32, #tpu.memory_space<vmem>>, vector<1x1x16xf32>,
        %get3A_419 = arith.constant 0 : i32
        %get3A_420 = arith.constant 0 : i32
        %get3A_421 = arith.index_cast %get3A_419 : i32 to index
        %get3A_422 = arith.index_cast %scan3A_287 : i32 to index
        %get3A_423 = arith.index_cast %get3A_420 : i32 to index
        %get3A_424 = arith.constant 48 : index
        %get3A_425 = tpu.vector_load %arg12[%get3A_421, %get3A_422, %get3A_423, %get3A_424] {strides = array<i32>} : memref<2x64x2x64xi32, #tpu.memory_space<vmem>>, vector<1x1x1x16xi32>,
        %get3A_426 = vector.shape_cast %get3A_425 : vector<1x1x1x16xi32> to vector<16xi32>
        %shift_left3A_427 = arith.constant 16 : i32
        %shift_left3A_428 = vector.broadcast %shift_left3A_427 : i32 to vector<16xi32>
        %shift_left3A_429 = arith.shli %get3A_426, %shift_left3A_428 : vector<16xi32>
        %bitcast_convert_type3A_430 = tpu.bitcast %shift_left3A_429 : vector<16xi32> -> vector<16xf32>
        %and3A_431 = arith.constant -65536 : i32
        %and3A_432 = vector.broadcast %and3A_431 : i32 to vector<16xi32>
        %and3A_433 = arith.andi %get3A_426, %and3A_432 : vector<16xi32>
        %bitcast_convert_type3A_434 = tpu.bitcast %and3A_433 : vector<16xi32> -> vector<16xf32>
        %get3A_435 = arith.constant 0 : i32
        %get3A_436 = arith.index_cast %get3A_435 : i32 to index
        %get3A_437 = arith.index_cast %add3A_291 : i32 to index
        %get3A_438 = arith.constant 96 : index
        %get3A_439 = tpu.vector_load %arg11[%get3A_436, %get3A_437, %get3A_438] {strides = array<i32>} : memref<2x128x128xf32, #tpu.memory_space<vmem>>, vector<1x1x16xf32>,
        %get3A_440 = vector.shape_cast %get3A_439 : vector<1x1x16xf32> to vector<16xf32>
        %add3A_441 = arith.addf %get3A_440, %bitcast_convert_type3A_430 : vector<16xf32>
        %swap3A_442 = arith.constant 0 : i32
        %swap3A_443 = arith.index_cast %swap3A_442 : i32 to index
        %swap3A_444 = arith.index_cast %add3A_291 : i32 to index
        %swap3A_445 = arith.constant 96 : index
        %swap3A_446 = tpu.vector_load %arg10[%swap3A_443, %swap3A_444, %swap3A_445] {strides = array<i32>} : memref<2x128x128xf32, #tpu.memory_space<vmem>>, vector<1x1x16xf32>,
        %swap3A_447 = vector.shape_cast %swap3A_446 : vector<1x1x16xf32> to vector<16xf32>
        %swap3A_448 = vector.shape_cast %add3A_441 : vector<16xf32> to vector<1x1x16xf32>
        tpu.vector_store %arg10[%swap3A_443, %swap3A_444, %swap3A_445], %swap3A_448 {add = true, strides = array<i32>} : memref<2x128x128xf32, #tpu.memory_space<vmem>>, vector<1x1x16xf32>,
        %get3A_449 = arith.constant 0 : i32
        %get3A_450 = arith.index_cast %get3A_449 : i32 to index
        %get3A_451 = arith.index_cast %add3A_291 : i32 to index
        %get3A_452 = arith.constant 112 : index
        %get3A_453 = tpu.vector_load %arg11[%get3A_450, %get3A_451, %get3A_452] {strides = array<i32>} : memref<2x128x128xf32, #tpu.memory_space<vmem>>, vector<1x1x16xf32>,
        %get3A_454 = vector.shape_cast %get3A_453 : vector<1x1x16xf32> to vector<16xf32>
        %add3A_455 = arith.addf %get3A_454, %bitcast_convert_type3A_434 : vector<16xf32>
        %swap3A_456 = arith.constant 0 : i32
        %swap3A_457 = arith.index_cast %swap3A_456 : i32 to index
        %swap3A_458 = arith.index_cast %add3A_291 : i32 to index
        %swap3A_459 = arith.constant 112 : index
        %swap3A_460 = tpu.vector_load %arg10[%swap3A_457, %swap3A_458, %swap3A_459] {strides = array<i32>} : memref<2x128x128xf32, #tpu.memory_space<vmem>>, vector<1x1x16xf32>,
        %swap3A_461 = vector.shape_cast %swap3A_460 : vector<1x1x16xf32> to vector<16xf32>
        %swap3A_462 = vector.shape_cast %add3A_455 : vector<16xf32> to vector<1x1x16xf32>
        tpu.vector_store %arg10[%swap3A_457, %swap3A_458, %swap3A_459], %swap3A_462 {add = true, strides = array<i32>} : memref<2x128x128xf32, #tpu.memory_space<vmem>>, vector<1x1x16xf32>,
        %mul3A_463 = arith.constant 2 : i32
        %mul3A_464 = arith.muli %scan3A_287, %mul3A_463 : i32
        %add3A_465 = arith.constant 1 : i32
        %add3A_466 = arith.addi %mul3A_464, %add3A_465 : i32
        %get3A_467 = arith.constant 0 : i32
        %get3A_468 = arith.constant 1 : i32
        %get3A_469 = arith.index_cast %get3A_467 : i32 to index
        %get3A_470 = arith.index_cast %scan3A_287 : i32 to index
        %get3A_471 = arith.index_cast %get3A_468 : i32 to index
        %get3A_472 = arith.constant 0 : index
        %get3A_473 = tpu.vector_load %arg12[%get3A_469, %get3A_470, %get3A_471, %get3A_472] {strides = array<i32>} : memref<2x64x2x64xi32, #tpu.memory_space<vmem>>, vector<1x1x1x16xi32>,
        %get3A_474 = vector.shape_cast %get3A_473 : vector<1x1x1x16xi32> to vector<16xi32>
        %shift_left3A_475 = arith.constant 16 : i32
        %shift_left3A_476 = vector.broadcast %shift_left3A_475 : i32 to vector<16xi32>
        %shift_left3A_477 = arith.shli %get3A_474, %shift_left3A_476 : vector<16xi32>
        %bitcast_convert_type3A_478 = tpu.bitcast %shift_left3A_477 : vector<16xi32> -> vector<16xf32>
        %and3A_479 = arith.constant -65536 : i32
        %and3A_480 = vector.broadcast %and3A_479 : i32 to vector<16xi32>
        %and3A_481 = arith.andi %get3A_474, %and3A_480 : vector<16xi32>
        %bitcast_convert_type3A_482 = tpu.bitcast %and3A_481 : vector<16xi32> -> vector<16xf32>
        %get3A_483 = arith.constant 0 : i32
        %get3A_484 = arith.index_cast %get3A_483 : i32 to index
        %get3A_485 = arith.index_cast %add3A_466 : i32 to index
        %get3A_486 = arith.constant 0 : index
        %get3A_487 = tpu.vector_load %arg11[%get3A_484, %get3A_485, %get3A_486] {strides = array<i32>} : memref<2x128x128xf32, #tpu.memory_space<vmem>>, vector<1x1x16xf32>,
        %get3A_488 = vector.shape_cast %get3A_487 : vector<1x1x16xf32> to vector<16xf32>
        %add3A_489 = arith.addf %get3A_488, %bitcast_convert_type3A_478 : vector<16xf32>
        %swap3A_490 = arith.constant 0 : i32
        %swap3A_491 = arith.index_cast %swap3A_490 : i32 to index
        %swap3A_492 = arith.index_cast %add3A_466 : i32 to index
        %swap3A_493 = arith.constant 0 : index
        %swap3A_494 = tpu.vector_load %arg10[%swap3A_491, %swap3A_492, %swap3A_493] {strides = array<i32>} : memref<2x128x128xf32, #tpu.memory_space<vmem>>, vector<1x1x16xf32>,
        %swap3A_495 = vector.shape_cast %swap3A_494 : vector<1x1x16xf32> to vector<16xf32>
        %swap3A_496 = vector.shape_cast %add3A_489 : vector<16xf32> to vector<1x1x16xf32>
        tpu.vector_store %arg10[%swap3A_491, %swap3A_492, %swap3A_493], %swap3A_496 {add = true, strides = array<i32>} : memref<2x128x128xf32, #tpu.memory_space<vmem>>, vector<1x1x16xf32>,
        %get3A_497 = arith.constant 0 : i32
        %get3A_498 = arith.index_cast %get3A_497 : i32 to index
        %get3A_499 = arith.index_cast %add3A_466 : i32 to index
        %get3A_500 = arith.constant 16 : index
        %get3A_501 = tpu.vector_load %arg11[%get3A_498, %get3A_499, %get3A_500] {strides = array<i32>} : memref<2x128x128xf32, #tpu.memory_space<vmem>>, vector<1x1x16xf32>,
        %get3A_502 = vector.shape_cast %get3A_501 : vector<1x1x16xf32> to vector<16xf32>
        %add3A_503 = arith.addf %get3A_502, %bitcast_convert_type3A_482 : vector<16xf32>
        %swap3A_504 = arith.constant 0 : i32
        %swap3A_505 = arith.index_cast %swap3A_504 : i32 to index
        %swap3A_506 = arith.index_cast %add3A_466 : i32 to index
        %swap3A_507 = arith.constant 16 : index
        %swap3A_508 = tpu.vector_load %arg10[%swap3A_505, %swap3A_506, %swap3A_507] {strides = array<i32>} : memref<2x128x128xf32, #tpu.memory_space<vmem>>, vector<1x1x16xf32>,
        %swap3A_509 = vector.shape_cast %swap3A_508 : vector<1x1x16xf32> to vector<16xf32>
        %swap3A_510 = vector.shape_cast %add3A_503 : vector<16xf32> to vector<1x1x16xf32>
        tpu.vector_store %arg10[%swap3A_505, %swap3A_506, %swap3A_507], %swap3A_510 {add = true, strides = array<i32>} : memref<2x128x128xf32, #tpu.memory_space<vmem>>, vector<1x1x16xf32>,
        %get3A_511 = arith.constant 0 : i32
        %get3A_512 = arith.constant 1 : i32
        %get3A_513 = arith.index_cast %get3A_511 : i32 to index
        %get3A_514 = arith.index_cast %scan3A_287 : i32 to index
        %get3A_515 = arith.index_cast %get3A_512 : i32 to index
        %get3A_516 = arith.constant 16 : index
        %get3A_517 = tpu.vector_load %arg12[%get3A_513, %get3A_514, %get3A_515, %get3A_516] {strides = array<i32>} : memref<2x64x2x64xi32, #tpu.memory_space<vmem>>, vector<1x1x1x16xi32>,
        %get3A_518 = vector.shape_cast %get3A_517 : vector<1x1x1x16xi32> to vector<16xi32>
        %shift_left3A_519 = arith.constant 16 : i32
        %shift_left3A_520 = vector.broadcast %shift_left3A_519 : i32 to vector<16xi32>
        %shift_left3A_521 = arith.shli %get3A_518, %shift_left3A_520 : vector<16xi32>
        %bitcast_convert_type3A_522 = tpu.bitcast %shift_left3A_521 : vector<16xi32> -> vector<16xf32>
        %and3A_523 = arith.constant -65536 : i32
        %and3A_524 = vector.broadcast %and3A_523 : i32 to vector<16xi32>
        %and3A_525 = arith.andi %get3A_518, %and3A_524 : vector<16xi32>
        %bitcast_convert_type3A_526 = tpu.bitcast %and3A_525 : vector<16xi32> -> vector<16xf32>
        %get3A_527 = arith.constant 0 : i32
        %get3A_528 = arith.index_cast %get3A_527 : i32 to index
        %get3A_529 = arith.index_cast %add3A_466 : i32 to index
        %get3A_530 = arith.constant 32 : index
        %get3A_531 = tpu.vector_load %arg11[%get3A_528, %get3A_529, %get3A_530] {strides = array<i32>} : memref<2x128x128xf32, #tpu.memory_space<vmem>>, vector<1x1x16xf32>,
        %get3A_532 = vector.shape_cast %get3A_531 : vector<1x1x16xf32> to vector<16xf32>
        %add3A_533 = arith.addf %get3A_532, %bitcast_convert_type3A_522 : vector<16xf32>
        %swap3A_534 = arith.constant 0 : i32
        %swap3A_535 = arith.index_cast %swap3A_534 : i32 to index
        %swap3A_536 = arith.index_cast %add3A_466 : i32 to index
        %swap3A_537 = arith.constant 32 : index
        %swap3A_538 = tpu.vector_load %arg10[%swap3A_535, %swap3A_536, %swap3A_537] {strides = array<i32>} : memref<2x128x128xf32, #tpu.memory_space<vmem>>, vector<1x1x16xf32>,
        %swap3A_539 = vector.shape_cast %swap3A_538 : vector<1x1x16xf32> to vector<16xf32>
        %swap3A_540 = vector.shape_cast %add3A_533 : vector<16xf32> to vector<1x1x16xf32>
        tpu.vector_store %arg10[%swap3A_535, %swap3A_536, %swap3A_537], %swap3A_540 {add = true, strides = array<i32>} : memref<2x128x128xf32, #tpu.memory_space<vmem>>, vector<1x1x16xf32>,
        %get3A_541 = arith.constant 0 : i32
        %get3A_542 = arith.index_cast %get3A_541 : i32 to index
        %get3A_543 = arith.index_cast %add3A_466 : i32 to index
        %get3A_544 = arith.constant 48 : index
        %get3A_545 = tpu.vector_load %arg11[%get3A_542, %get3A_543, %get3A_544] {strides = array<i32>} : memref<2x128x128xf32, #tpu.memory_space<vmem>>, vector<1x1x16xf32>,
        %get3A_546 = vector.shape_cast %get3A_545 : vector<1x1x16xf32> to vector<16xf32>
        %add3A_547 = arith.addf %get3A_546, %bitcast_convert_type3A_526 : vector<16xf32>
        %swap3A_548 = arith.constant 0 : i32
        %swap3A_549 = arith.index_cast %swap3A_548 : i32 to index
        %swap3A_550 = arith.index_cast %add3A_466 : i32 to index
        %swap3A_551 = arith.constant 48 : index
        %swap3A_552 = tpu.vector_load %arg10[%swap3A_549, %swap3A_550, %swap3A_551] {strides = array<i32>} : memref<2x128x128xf32, #tpu.memory_space<vmem>>, vector<1x1x16xf32>,
        %swap3A_553 = vector.shape_cast %swap3A_552 : vector<1x1x16xf32> to vector<16xf32>
        %swap3A_554 = vector.shape_cast %add3A_547 : vector<16xf32> to vector<1x1x16xf32>
        tpu.vector_store %arg10[%swap3A_549, %swap3A_550, %swap3A_551], %swap3A_554 {add = true, strides = array<i32>} : memref<2x128x128xf32, #tpu.memory_space<vmem>>, vector<1x1x16xf32>,
        %get3A_555 = arith.constant 0 : i32
        %get3A_556 = arith.constant 1 : i32
        %get3A_557 = arith.index_cast %get3A_555 : i32 to index
        %get3A_558 = arith.index_cast %scan3A_287 : i32 to index
        %get3A_559 = arith.index_cast %get3A_556 : i32 to index
        %get3A_560 = arith.constant 32 : index
        %get3A_561 = tpu.vector_load %arg12[%get3A_557, %get3A_558, %get3A_559, %get3A_560] {strides = array<i32>} : memref<2x64x2x64xi32, #tpu.memory_space<vmem>>, vector<1x1x1x16xi32>,
        %get3A_562 = vector.shape_cast %get3A_561 : vector<1x1x1x16xi32> to vector<16xi32>
        %shift_left3A_563 = arith.constant 16 : i32
        %shift_left3A_564 = vector.broadcast %shift_left3A_563 : i32 to vector<16xi32>
        %shift_left3A_565 = arith.shli %get3A_562, %shift_left3A_564 : vector<16xi32>
        %bitcast_convert_type3A_566 = tpu.bitcast %shift_left3A_565 : vector<16xi32> -> vector<16xf32>
        %and3A_567 = arith.constant -65536 : i32
        %and3A_568 = vector.broadcast %and3A_567 : i32 to vector<16xi32>
        %and3A_569 = arith.andi %get3A_562, %and3A_568 : vector<16xi32>
        %bitcast_convert_type3A_570 = tpu.bitcast %and3A_569 : vector<16xi32> -> vector<16xf32>
        %get3A_571 = arith.constant 0 : i32
        %get3A_572 = arith.index_cast %get3A_571 : i32 to index
        %get3A_573 = arith.index_cast %add3A_466 : i32 to index
        %get3A_574 = arith.constant 64 : index
        %get3A_575 = tpu.vector_load %arg11[%get3A_572, %get3A_573, %get3A_574] {strides = array<i32>} : memref<2x128x128xf32, #tpu.memory_space<vmem>>, vector<1x1x16xf32>,
        %get3A_576 = vector.shape_cast %get3A_575 : vector<1x1x16xf32> to vector<16xf32>
        %add3A_577 = arith.addf %get3A_576, %bitcast_convert_type3A_566 : vector<16xf32>
        %swap3A_578 = arith.constant 0 : i32
        %swap3A_579 = arith.index_cast %swap3A_578 : i32 to index
        %swap3A_580 = arith.index_cast %add3A_466 : i32 to index
        %swap3A_581 = arith.constant 64 : index
        %swap3A_582 = tpu.vector_load %arg10[%swap3A_579, %swap3A_580, %swap3A_581] {strides = array<i32>} : memref<2x128x128xf32, #tpu.memory_space<vmem>>, vector<1x1x16xf32>,
        %swap3A_583 = vector.shape_cast %swap3A_582 : vector<1x1x16xf32> to vector<16xf32>
        %swap3A_584 = vector.shape_cast %add3A_577 : vector<16xf32> to vector<1x1x16xf32>
        tpu.vector_store %arg10[%swap3A_579, %swap3A_580, %swap3A_581], %swap3A_584 {add = true, strides = array<i32>} : memref<2x128x128xf32, #tpu.memory_space<vmem>>, vector<1x1x16xf32>,
        %get3A_585 = arith.constant 0 : i32
        %get3A_586 = arith.index_cast %get3A_585 : i32 to index
        %get3A_587 = arith.index_cast %add3A_466 : i32 to index
        %get3A_588 = arith.constant 80 : index
        %get3A_589 = tpu.vector_load %arg11[%get3A_586, %get3A_587, %get3A_588] {strides = array<i32>} : memref<2x128x128xf32, #tpu.memory_space<vmem>>, vector<1x1x16xf32>,
        %get3A_590 = vector.shape_cast %get3A_589 : vector<1x1x16xf32> to vector<16xf32>
        %add3A_591 = arith.addf %get3A_590, %bitcast_convert_type3A_570 : vector<16xf32>
        %swap3A_592 = arith.constant 0 : i32
        %swap3A_593 = arith.index_cast %swap3A_592 : i32 to index
        %swap3A_594 = arith.index_cast %add3A_466 : i32 to index
        %swap3A_595 = arith.constant 80 : index
        %swap3A_596 = tpu.vector_load %arg10[%swap3A_593, %swap3A_594, %swap3A_595] {strides = array<i32>} : memref<2x128x128xf32, #tpu.memory_space<vmem>>, vector<1x1x16xf32>,
        %swap3A_597 = vector.shape_cast %swap3A_596 : vector<1x1x16xf32> to vector<16xf32>
        %swap3A_598 = vector.shape_cast %add3A_591 : vector<16xf32> to vector<1x1x16xf32>
        tpu.vector_store %arg10[%swap3A_593, %swap3A_594, %swap3A_595], %swap3A_598 {add = true, strides = array<i32>} : memref<2x128x128xf32, #tpu.memory_space<vmem>>, vector<1x1x16xf32>,
        %get3A_599 = arith.constant 0 : i32
        %get3A_600 = arith.constant 1 : i32
        %get3A_601 = arith.index_cast %get3A_599 : i32 to index
        %get3A_602 = arith.index_cast %scan3A_287 : i32 to index
        %get3A_603 = arith.index_cast %get3A_600 : i32 to index
        %get3A_604 = arith.constant 48 : index
        %get3A_605 = tpu.vector_load %arg12[%get3A_601, %get3A_602, %get3A_603, %get3A_604] {strides = array<i32>} : memref<2x64x2x64xi32, #tpu.memory_space<vmem>>, vector<1x1x1x16xi32>,
        %get3A_606 = vector.shape_cast %get3A_605 : vector<1x1x1x16xi32> to vector<16xi32>
        %shift_left3A_607 = arith.constant 16 : i32
        %shift_left3A_608 = vector.broadcast %shift_left3A_607 : i32 to vector<16xi32>
        %shift_left3A_609 = arith.shli %get3A_606, %shift_left3A_608 : vector<16xi32>
        %bitcast_convert_type3A_610 = tpu.bitcast %shift_left3A_609 : vector<16xi32> -> vector<16xf32>
        %and3A_611 = arith.constant -65536 : i32
        %and3A_612 = vector.broadcast %and3A_611 : i32 to vector<16xi32>
        %and3A_613 = arith.andi %get3A_606, %and3A_612 : vector<16xi32>
        %bitcast_convert_type3A_614 = tpu.bitcast %and3A_613 : vector<16xi32> -> vector<16xf32>
        %get3A_615 = arith.constant 0 : i32
        %get3A_616 = arith.index_cast %get3A_615 : i32 to index
        %get3A_617 = arith.index_cast %add3A_466 : i32 to index
        %get3A_618 = arith.constant 96 : index
        %get3A_619 = tpu.vector_load %arg11[%get3A_616, %get3A_617, %get3A_618] {strides = array<i32>} : memref<2x128x128xf32, #tpu.memory_space<vmem>>, vector<1x1x16xf32>,
        %get3A_620 = vector.shape_cast %get3A_619 : vector<1x1x16xf32> to vector<16xf32>
        %add3A_621 = arith.addf %get3A_620, %bitcast_convert_type3A_610 : vector<16xf32>
        %swap3A_622 = arith.constant 0 : i32
        %swap3A_623 = arith.index_cast %swap3A_622 : i32 to index
        %swap3A_624 = arith.index_cast %add3A_466 : i32 to index
        %swap3A_625 = arith.constant 96 : index
        %swap3A_626 = tpu.vector_load %arg10[%swap3A_623, %swap3A_624, %swap3A_625] {strides = array<i32>} : memref<2x128x128xf32, #tpu.memory_space<vmem>>, vector<1x1x16xf32>,
        %swap3A_627 = vector.shape_cast %swap3A_626 : vector<1x1x16xf32> to vector<16xf32>
        %swap3A_628 = vector.shape_cast %add3A_621 : vector<16xf32> to vector<1x1x16xf32>
        tpu.vector_store %arg10[%swap3A_623, %swap3A_624, %swap3A_625], %swap3A_628 {add = true, strides = array<i32>} : memref<2x128x128xf32, #tpu.memory_space<vmem>>, vector<1x1x16xf32>,
        %get3A_629 = arith.constant 0 : i32
        %get3A_630 = arith.index_cast %get3A_629 : i32 to index
        %get3A_631 = arith.index_cast %add3A_466 : i32 to index
        %get3A_632 = arith.constant 112 : index
        %get3A_633 = tpu.vector_load %arg11[%get3A_630, %get3A_631, %get3A_632] {strides = array<i32>} : memref<2x128x128xf32, #tpu.memory_space<vmem>>, vector<1x1x16xf32>,
        %get3A_634 = vector.shape_cast %get3A_633 : vector<1x1x16xf32> to vector<16xf32>
        %add3A_635 = arith.addf %get3A_634, %bitcast_convert_type3A_614 : vector<16xf32>
        %swap3A_636 = arith.constant 0 : i32
        %swap3A_637 = arith.index_cast %swap3A_636 : i32 to index
        %swap3A_638 = arith.index_cast %add3A_466 : i32 to index
        %swap3A_639 = arith.constant 112 : index
        %swap3A_640 = tpu.vector_load %arg10[%swap3A_637, %swap3A_638, %swap3A_639] {strides = array<i32>} : memref<2x128x128xf32, #tpu.memory_space<vmem>>, vector<1x1x16xf32>,
        %swap3A_641 = vector.shape_cast %swap3A_640 : vector<1x1x16xf32> to vector<16xf32>
        %swap3A_642 = vector.shape_cast %add3A_635 : vector<16xf32> to vector<1x1x16xf32>
        tpu.vector_store %arg10[%swap3A_637, %swap3A_638, %swap3A_639], %swap3A_642 {add = true, strides = array<i32>} : memref<2x128x128xf32, #tpu.memory_space<vmem>>, vector<1x1x16xf32>,
      }
      %scan3A_198 = arith.constant 64 : i32
      %mul3A_199 = arith.constant 128 : i32
      %mul3A_200 = arith.muli %add3A_96, %mul3A_199 : i32
      %dma_start3A_201 = arith.constant 0 : i32
      %dma_start3A_202 = arith.constant 0 : i32
      %dma_start3A_203 = arith.constant 0 : i32
      %dma_start3A_204 = tpu.memref_slice %arg10[%dma_start3A_201, %dma_start3A_202, %dma_start3A_203] : memref<2x128x128xf32, #tpu.memory_space<vmem>> -> memref<1x128x128xf32, #tpu.memory_space<vmem>>
      %dma_start3A_205 = tpu.memref_squeeze %dma_start3A_204 : memref<1x128x128xf32, #tpu.memory_space<vmem>> -> memref<128x128xf32, #tpu.memory_space<vmem>>
      %dma_start3A_206 = arith.constant 0 : i32
      %dma_start3A_207 = tpu.memref_slice %arg7[%mul3A_200, %dma_start3A_206] : memref<320000x128xf32, #tpu.memory_space<hbm>> -> memref<128x128xf32, #tpu.memory_space<hbm>>
      %dma_start3A_208 = arith.constant 0 : i32
      %dma_start3A_209 = tpu.memref_slice %arg7[%mul3A_200, %dma_start3A_208] : memref<320000x128xf32, #tpu.memory_space<hbm>> -> memref<128x128xf32, #tpu.memory_space<hbm>>
      %dma_start3A_210 = arith.constant 0 : i32
      %dma_start3A_211 = arith.constant 0 : i32
      %dma_start3A_212 = tpu.memref_slice %arg10[%dma_start3A_201, %dma_start3A_210, %dma_start3A_211] : memref<2x128x128xf32, #tpu.memory_space<vmem>> -> memref<1x128x128xf32, #tpu.memory_space<vmem>>
      %dma_start3A_213 = tpu.memref_squeeze %dma_start3A_212 : memref<1x128x128xf32, #tpu.memory_space<vmem>> -> memref<128x128xf32, #tpu.memory_space<vmem>>
      tpu.enqueue_dma source(%dma_start3A_213 : memref<128x128xf32, #tpu.memory_space<vmem>>) target(%dma_start3A_209 : memref<128x128xf32, #tpu.memory_space<hbm>>) target_semaphore(%arg15 : memref<!tpu.dma_semaphore, #tpu.memory_space<semaphore_mem>>)
      %add3A_214 = arith.constant 1 : i32
      %add3A_215 = arith.addi %add3A_96, %add3A_214 : i32
      %dma_wait3A_216 = arith.constant 1 : i32
      %dma_wait3A_217 = arith.constant 1 : i32
      %dma_wait3A_218 = arith.constant 0 : i32
      %dma_wait3A_219 = arith.constant 0 : i32
      %dma_wait3A_220 = tpu.memref_slice %arg10[%dma_wait3A_217, %dma_wait3A_218, %dma_wait3A_219] : memref<2x128x128xf32, #tpu.memory_space<vmem>> -> memref<1x128x128xf32, #tpu.memory_space<vmem>>
      %dma_wait3A_221 = tpu.memref_squeeze %dma_wait3A_220 : memref<1x128x128xf32, #tpu.memory_space<vmem>> -> memref<128x128xf32, #tpu.memory_space<vmem>>
      %dma_wait3A_222 = arith.constant 0 : i32
      %dma_wait3A_223 = tpu.memref_slice %arg8[%dma_wait3A_216, %dma_wait3A_222] : memref<2x128xi32, #tpu.memory_space<vmem>> -> memref<1x128xi32, #tpu.memory_space<vmem>>
      %dma_wait3A_224 = tpu.memref_squeeze %dma_wait3A_223 : memref<1x128xi32, #tpu.memory_space<vmem>> -> memref<128xi32, #tpu.memory_space<vmem>>
      %dma_wait3A_225 = arith.constant 0 : i32
      %dma_wait3A_226 = arith.constant 0 : i32
      %dma_wait3A_227 = tpu.memref_slice %arg4[%dma_wait3A_225, %dma_wait3A_226] : memref<10000x128xf32, #tpu.memory_space<hbm>> -> memref<10000x128xf32, #tpu.memory_space<hbm>>
      tpu.wait_indirect_dma semaphore(%arg14 : memref<!tpu.dma_semaphore, #tpu.memory_space<semaphore_mem>>) src(%dma_wait3A_227 : memref<10000x128xf32, #tpu.memory_space<hbm>>) dst(%dma_wait3A_221 : memref<128x128xf32, #tpu.memory_space<vmem>>)
      %dma_wait3A_228 = arith.constant 1 : i32
      %dma_wait3A_229 = arith.constant 1 : i32
      %dma_wait3A_230 = arith.constant 0 : i32
      %dma_wait3A_231 = arith.constant 0 : i32
      %dma_wait3A_232 = tpu.memref_slice %arg11[%dma_wait3A_229, %dma_wait3A_230, %dma_wait3A_231] : memref<2x128x128xf32, #tpu.memory_space<vmem>> -> memref<1x128x128xf32, #tpu.memory_space<vmem>>
      %dma_wait3A_233 = tpu.memref_squeeze %dma_wait3A_232 : memref<1x128x128xf32, #tpu.memory_space<vmem>> -> memref<128x128xf32, #tpu.memory_space<vmem>>
      %dma_wait3A_234 = arith.constant 0 : i32
      %dma_wait3A_235 = tpu.memref_slice %arg9[%dma_wait3A_228, %dma_wait3A_234] : memref<2x128xi32, #tpu.memory_space<vmem>> -> memref<1x128xi32, #tpu.memory_space<vmem>>
      %dma_wait3A_236 = tpu.memref_squeeze %dma_wait3A_235 : memref<1x128xi32, #tpu.memory_space<vmem>> -> memref<128xi32, #tpu.memory_space<vmem>>
      %dma_wait3A_237 = arith.constant 0 : i32
      %dma_wait3A_238 = arith.constant 0 : i32
      %dma_wait3A_239 = tpu.memref_slice %arg5[%dma_wait3A_237, %dma_wait3A_238] : memref<10000x128xf32, #tpu.memory_space<hbm>> -> memref<10000x128xf32, #tpu.memory_space<hbm>>
      tpu.wait_indirect_dma semaphore(%arg14 : memref<!tpu.dma_semaphore, #tpu.memory_space<semaphore_mem>>) src(%dma_wait3A_239 : memref<10000x128xf32, #tpu.memory_space<hbm>>) dst(%dma_wait3A_233 : memref<128x128xf32, #tpu.memory_space<vmem>>)
      %mul3A_240 = arith.constant 64 : i32
      %mul3A_241 = arith.muli %add3A_215, %mul3A_240 : i32
      %dma_wait3A_242 = arith.constant 1 : i32
      %dma_wait3A_243 = arith.constant 0 : i32
      %dma_wait3A_244 = arith.constant 0 : i32
      %dma_wait3A_245 = arith.constant 0 : i32
      %dma_wait3A_246 = tpu.memref_slice %arg12[%dma_wait3A_242, %dma_wait3A_243, %dma_wait3A_244, %dma_wait3A_245] : memref<2x64x2x64xi32, #tpu.memory_space<vmem>> -> memref<1x64x2x64xi32, #tpu.memory_space<vmem>>
      %dma_wait3A_247 = tpu.memref_squeeze %dma_wait3A_246 : memref<1x64x2x64xi32, #tpu.memory_space<vmem>> -> memref<64x2x64xi32, #tpu.memory_space<vmem>>
      %dma_wait3A_248 = arith.constant 0 : i32
      %dma_wait3A_249 = arith.constant 0 : i32
      %dma_wait3A_250 = tpu.memref_slice %arg6[%mul3A_241, %dma_wait3A_248, %dma_wait3A_249] : memref<160000x2x64xi32, #tpu.memory_space<hbm>> -> memref<64x2x64xi32, #tpu.memory_space<hbm>>
      %dma_wait3A_251 = arith.constant 0 : i32
      %dma_wait3A_252 = arith.constant 0 : i32
      %dma_wait3A_253 = arith.constant 0 : i32
      %dma_wait3A_254 = tpu.memref_slice %arg12[%dma_wait3A_242, %dma_wait3A_251, %dma_wait3A_252, %dma_wait3A_253] : memref<2x64x2x64xi32, #tpu.memory_space<vmem>> -> memref<1x64x2x64xi32, #tpu.memory_space<vmem>>
      %dma_wait3A_255 = tpu.memref_squeeze %dma_wait3A_254 : memref<1x64x2x64xi32, #tpu.memory_space<vmem>> -> memref<64x2x64xi32, #tpu.memory_space<vmem>>
      %dma_wait3A_256 = arith.constant 0 : i32
      %dma_wait3A_257 = arith.constant 0 : i32
      %dma_wait3A_258 = tpu.memref_slice %arg6[%mul3A_241, %dma_wait3A_256, %dma_wait3A_257] : memref<160000x2x64xi32, #tpu.memory_space<hbm>> -> memref<64x2x64xi32, #tpu.memory_space<hbm>>
      tpu.wait_dma2 semaphore(%arg14 : memref<!tpu.dma_semaphore, #tpu.memory_space<semaphore_mem>>) src(%dma_wait3A_258 : memref<64x2x64xi32, #tpu.memory_space<hbm>>) dst(%dma_wait3A_255 : memref<64x2x64xi32, #tpu.memory_space<vmem>>)
      %scan3A_259 = arith.constant 0 : i32
      %scan3A_260 = arith.constant 0 : i32
      %scan3A_261 = arith.constant 64 : i32
      %scan3A_262 = arith.addi %scan3A_260, %scan3A_261 : i32
      %scan3A_263 = arith.constant 1 : i32
      scf.for %scan3A_287 = %scan3A_260 to %scan3A_262 step %scan3A_263  : i32 {
        %mul3A_288 = arith.constant 2 : i32
        %mul3A_289 = arith.muli %scan3A_287, %mul3A_288 : i32
        %add3A_290 = arith.constant 0 : i32
        %add3A_291 = arith.addi %mul3A_289, %add3A_290 : i32
        %get3A = arith.constant 1 : i32
        %get3A_292 = arith.constant 0 : i32
        %get3A_293 = arith.index_cast %get3A : i32 to index
        %get3A_294 = arith.index_cast %scan3A_287 : i32 to index
        %get3A_295 = arith.index_cast %get3A_292 : i32 to index
        %get3A_296 = arith.constant 0 : index
        %get3A_297 = tpu.vector_load %arg12[%get3A_293, %get3A_294, %get3A_295, %get3A_296] {strides = array<i32>} : memref<2x64x2x64xi32, #tpu.memory_space<vmem>>, vector<1x1x1x16xi32>,
        %get3A_298 = vector.shape_cast %get3A_297 : vector<1x1x1x16xi32> to vector<16xi32>
        %shift_left3A = arith.constant 16 : i32
        %shift_left3A_299 = vector.broadcast %shift_left3A : i32 to vector<16xi32>
        %shift_left3A_300 = arith.shli %get3A_298, %shift_left3A_299 : vector<16xi32>
        %bitcast_convert_type3A = tpu.bitcast %shift_left3A_300 : vector<16xi32> -> vector<16xf32>
        %and3A = arith.constant -65536 : i32
        %and3A_301 = vector.broadcast %and3A : i32 to vector<16xi32>
        %and3A_302 = arith.andi %get3A_298, %and3A_301 : vector<16xi32>
        %bitcast_convert_type3A_303 = tpu.bitcast %and3A_302 : vector<16xi32> -> vector<16xf32>
        %get3A_304 = arith.constant 1 : i32
        %get3A_305 = arith.index_cast %get3A_304 : i32 to index
        %get3A_306 = arith.index_cast %add3A_291 : i32 to index
        %get3A_307 = arith.constant 0 : index
        %get3A_308 = tpu.vector_load %arg11[%get3A_305, %get3A_306, %get3A_307] {strides = array<i32>} : memref<2x128x128xf32, #tpu.memory_space<vmem>>, vector<1x1x16xf32>,
        %get3A_309 = vector.shape_cast %get3A_308 : vector<1x1x16xf32> to vector<16xf32>
        %add3A_310 = arith.addf %get3A_309, %bitcast_convert_type3A : vector<16xf32>
        %swap3A = arith.constant 1 : i32
        %swap3A_311 = arith.index_cast %swap3A : i32 to index
        %swap3A_312 = arith.index_cast %add3A_291 : i32 to index
        %swap3A_313 = arith.constant 0 : index
        %swap3A_314 = tpu.vector_load %arg10[%swap3A_311, %swap3A_312, %swap3A_313] {strides = array<i32>} : memref<2x128x128xf32, #tpu.memory_space<vmem>>, vector<1x1x16xf32>,
        %swap3A_315 = vector.shape_cast %swap3A_314 : vector<1x1x16xf32> to vector<16xf32>
        %swap3A_316 = vector.shape_cast %add3A_310 : vector<16xf32> to vector<1x1x16xf32>
        tpu.vector_store %arg10[%swap3A_311, %swap3A_312, %swap3A_313], %swap3A_316 {add = true, strides = array<i32>} : memref<2x128x128xf32, #tpu.memory_space<vmem>>, vector<1x1x16xf32>,
        %get3A_317 = arith.constant 1 : i32
        %get3A_318 = arith.index_cast %get3A_317 : i32 to index
        %get3A_319 = arith.index_cast %add3A_291 : i32 to index
        %get3A_320 = arith.constant 16 : index
        %get3A_321 = tpu.vector_load %arg11[%get3A_318, %get3A_319, %get3A_320] {strides = array<i32>} : memref<2x128x128xf32, #tpu.memory_space<vmem>>, vector<1x1x16xf32>,
        %get3A_322 = vector.shape_cast %get3A_321 : vector<1x1x16xf32> to vector<16xf32>
        %add3A_323 = arith.addf %get3A_322, %bitcast_convert_type3A_303 : vector<16xf32>
        %swap3A_324 = arith.constant 1 : i32
        %swap3A_325 = arith.index_cast %swap3A_324 : i32 to index
        %swap3A_326 = arith.index_cast %add3A_291 : i32 to index
        %swap3A_327 = arith.constant 16 : index
        %swap3A_328 = tpu.vector_load %arg10[%swap3A_325, %swap3A_326, %swap3A_327] {strides = array<i32>} : memref<2x128x128xf32, #tpu.memory_space<vmem>>, vector<1x1x16xf32>,
        %swap3A_329 = vector.shape_cast %swap3A_328 : vector<1x1x16xf32> to vector<16xf32>
        %swap3A_330 = vector.shape_cast %add3A_323 : vector<16xf32> to vector<1x1x16xf32>
        tpu.vector_store %arg10[%swap3A_325, %swap3A_326, %swap3A_327], %swap3A_330 {add = true, strides = array<i32>} : memref<2x128x128xf32, #tpu.memory_space<vmem>>, vector<1x1x16xf32>,
        %get3A_331 = arith.constant 1 : i32
        %get3A_332 = arith.constant 0 : i32
        %get3A_333 = arith.index_cast %get3A_331 : i32 to index
        %get3A_334 = arith.index_cast %scan3A_287 : i32 to index
        %get3A_335 = arith.index_cast %get3A_332 : i32 to index
        %get3A_336 = arith.constant 16 : index
        %get3A_337 = tpu.vector_load %arg12[%get3A_333, %get3A_334, %get3A_335, %get3A_336] {strides = array<i32>} : memref<2x64x2x64xi32, #tpu.memory_space<vmem>>, vector<1x1x1x16xi32>,
        %get3A_338 = vector.shape_cast %get3A_337 : vector<1x1x1x16xi32> to vector<16xi32>
        %shift_left3A_339 = arith.constant 16 : i32
        %shift_left3A_340 = vector.broadcast %shift_left3A_339 : i32 to vector<16xi32>
        %shift_left3A_341 = arith.shli %get3A_338, %shift_left3A_340 : vector<16xi32>
        %bitcast_convert_type3A_342 = tpu.bitcast %shift_left3A_341 : vector<16xi32> -> vector<16xf32>
        %and3A_343 = arith.constant -65536 : i32
        %and3A_344 = vector.broadcast %and3A_343 : i32 to vector<16xi32>
        %and3A_345 = arith.andi %get3A_338, %and3A_344 : vector<16xi32>
        %bitcast_convert_type3A_346 = tpu.bitcast %and3A_345 : vector<16xi32> -> vector<16xf32>
        %get3A_347 = arith.constant 1 : i32
        %get3A_348 = arith.index_cast %get3A_347 : i32 to index
        %get3A_349 = arith.index_cast %add3A_291 : i32 to index
        %get3A_350 = arith.constant 32 : index
        %get3A_351 = tpu.vector_load %arg11[%get3A_348, %get3A_349, %get3A_350] {strides = array<i32>} : memref<2x128x128xf32, #tpu.memory_space<vmem>>, vector<1x1x16xf32>,
        %get3A_352 = vector.shape_cast %get3A_351 : vector<1x1x16xf32> to vector<16xf32>
        %add3A_353 = arith.addf %get3A_352, %bitcast_convert_type3A_342 : vector<16xf32>
        %swap3A_354 = arith.constant 1 : i32
        %swap3A_355 = arith.index_cast %swap3A_354 : i32 to index
        %swap3A_356 = arith.index_cast %add3A_291 : i32 to index
        %swap3A_357 = arith.constant 32 : index
        %swap3A_358 = tpu.vector_load %arg10[%swap3A_355, %swap3A_356, %swap3A_357] {strides = array<i32>} : memref<2x128x128xf32, #tpu.memory_space<vmem>>, vector<1x1x16xf32>,
        %swap3A_359 = vector.shape_cast %swap3A_358 : vector<1x1x16xf32> to vector<16xf32>
        %swap3A_360 = vector.shape_cast %add3A_353 : vector<16xf32> to vector<1x1x16xf32>
        tpu.vector_store %arg10[%swap3A_355, %swap3A_356, %swap3A_357], %swap3A_360 {add = true, strides = array<i32>} : memref<2x128x128xf32, #tpu.memory_space<vmem>>, vector<1x1x16xf32>,
        %get3A_361 = arith.constant 1 : i32
        %get3A_362 = arith.index_cast %get3A_361 : i32 to index
        %get3A_363 = arith.index_cast %add3A_291 : i32 to index
        %get3A_364 = arith.constant 48 : index
        %get3A_365 = tpu.vector_load %arg11[%get3A_362, %get3A_363, %get3A_364] {strides = array<i32>} : memref<2x128x128xf32, #tpu.memory_space<vmem>>, vector<1x1x16xf32>,
        %get3A_366 = vector.shape_cast %get3A_365 : vector<1x1x16xf32> to vector<16xf32>
        %add3A_367 = arith.addf %get3A_366, %bitcast_convert_type3A_346 : vector<16xf32>
        %swap3A_368 = arith.constant 1 : i32
        %swap3A_369 = arith.index_cast %swap3A_368 : i32 to index
        %swap3A_370 = arith.index_cast %add3A_291 : i32 to index
        %swap3A_371 = arith.constant 48 : index
        %swap3A_372 = tpu.vector_load %arg10[%swap3A_369, %swap3A_370, %swap3A_371] {strides = array<i32>} : memref<2x128x128xf32, #tpu.memory_space<vmem>>, vector<1x1x16xf32>,
        %swap3A_373 = vector.shape_cast %swap3A_372 : vector<1x1x16xf32> to vector<16xf32>
        %swap3A_374 = vector.shape_cast %add3A_367 : vector<16xf32> to vector<1x1x16xf32>
        tpu.vector_store %arg10[%swap3A_369, %swap3A_370, %swap3A_371], %swap3A_374 {add = true, strides = array<i32>} : memref<2x128x128xf32, #tpu.memory_space<vmem>>, vector<1x1x16xf32>,
        %get3A_375 = arith.constant 1 : i32
        %get3A_376 = arith.constant 0 : i32
        %get3A_377 = arith.index_cast %get3A_375 : i32 to index
        %get3A_378 = arith.index_cast %scan3A_287 : i32 to index
        %get3A_379 = arith.index_cast %get3A_376 : i32 to index
        %get3A_380 = arith.constant 32 : index
        %get3A_381 = tpu.vector_load %arg12[%get3A_377, %get3A_378, %get3A_379, %get3A_380] {strides = array<i32>} : memref<2x64x2x64xi32, #tpu.memory_space<vmem>>, vector<1x1x1x16xi32>,
        %get3A_382 = vector.shape_cast %get3A_381 : vector<1x1x1x16xi32> to vector<16xi32>
        %shift_left3A_383 = arith.constant 16 : i32
        %shift_left3A_384 = vector.broadcast %shift_left3A_383 : i32 to vector<16xi32>
        %shift_left3A_385 = arith.shli %get3A_382, %shift_left3A_384 : vector<16xi32>
        %bitcast_convert_type3A_386 = tpu.bitcast %shift_left3A_385 : vector<16xi32> -> vector<16xf32>
        %and3A_387 = arith.constant -65536 : i32
        %and3A_388 = vector.broadcast %and3A_387 : i32 to vector<16xi32>
        %and3A_389 = arith.andi %get3A_382, %and3A_388 : vector<16xi32>
        %bitcast_convert_type3A_390 = tpu.bitcast %and3A_389 : vector<16xi32> -> vector<16xf32>
        %get3A_391 = arith.constant 1 : i32
        %get3A_392 = arith.index_cast %get3A_391 : i32 to index
        %get3A_393 = arith.index_cast %add3A_291 : i32 to index
        %get3A_394 = arith.constant 64 : index
        %get3A_395 = tpu.vector_load %arg11[%get3A_392, %get3A_393, %get3A_394] {strides = array<i32>} : memref<2x128x128xf32, #tpu.memory_space<vmem>>, vector<1x1x16xf32>,
        %get3A_396 = vector.shape_cast %get3A_395 : vector<1x1x16xf32> to vector<16xf32>
        %add3A_397 = arith.addf %get3A_396, %bitcast_convert_type3A_386 : vector<16xf32>
        %swap3A_398 = arith.constant 1 : i32
        %swap3A_399 = arith.index_cast %swap3A_398 : i32 to index
        %swap3A_400 = arith.index_cast %add3A_291 : i32 to index
        %swap3A_401 = arith.constant 64 : index
        %swap3A_402 = tpu.vector_load %arg10[%swap3A_399, %swap3A_400, %swap3A_401] {strides = array<i32>} : memref<2x128x128xf32, #tpu.memory_space<vmem>>, vector<1x1x16xf32>,
        %swap3A_403 = vector.shape_cast %swap3A_402 : vector<1x1x16xf32> to vector<16xf32>
        %swap3A_404 = vector.shape_cast %add3A_397 : vector<16xf32> to vector<1x1x16xf32>
        tpu.vector_store %arg10[%swap3A_399, %swap3A_400, %swap3A_401], %swap3A_404 {add = true, strides = array<i32>} : memref<2x128x128xf32, #tpu.memory_space<vmem>>, vector<1x1x16xf32>,
        %get3A_405 = arith.constant 1 : i32
        %get3A_406 = arith.index_cast %get3A_405 : i32 to index
        %get3A_407 = arith.index_cast %add3A_291 : i32 to index
        %get3A_408 = arith.constant 80 : index
        %get3A_409 = tpu.vector_load %arg11[%get3A_406, %get3A_407, %get3A_408] {strides = array<i32>} : memref<2x128x128xf32, #tpu.memory_space<vmem>>, vector<1x1x16xf32>,
        %get3A_410 = vector.shape_cast %get3A_409 : vector<1x1x16xf32> to vector<16xf32>
        %add3A_411 = arith.addf %get3A_410, %bitcast_convert_type3A_390 : vector<16xf32>
        %swap3A_412 = arith.constant 1 : i32
        %swap3A_413 = arith.index_cast %swap3A_412 : i32 to index
        %swap3A_414 = arith.index_cast %add3A_291 : i32 to index
        %swap3A_415 = arith.constant 80 : index
        %swap3A_416 = tpu.vector_load %arg10[%swap3A_413, %swap3A_414, %swap3A_415] {strides = array<i32>} : memref<2x128x128xf32, #tpu.memory_space<vmem>>, vector<1x1x16xf32>,
        %swap3A_417 = vector.shape_cast %swap3A_416 : vector<1x1x16xf32> to vector<16xf32>
        %swap3A_418 = vector.shape_cast %add3A_411 : vector<16xf32> to vector<1x1x16xf32>
        tpu.vector_store %arg10[%swap3A_413, %swap3A_414, %swap3A_415], %swap3A_418 {add = true, strides = array<i32>} : memref<2x128x128xf32, #tpu.memory_space<vmem>>, vector<1x1x16xf32>,
        %get3A_419 = arith.constant 1 : i32
        %get3A_420 = arith.constant 0 : i32
        %get3A_421 = arith.index_cast %get3A_419 : i32 to index
        %get3A_422 = arith.index_cast %scan3A_287 : i32 to index
        %get3A_423 = arith.index_cast %get3A_420 : i32 to index
        %get3A_424 = arith.constant 48 : index
        %get3A_425 = tpu.vector_load %arg12[%get3A_421, %get3A_422, %get3A_423, %get3A_424] {strides = array<i32>} : memref<2x64x2x64xi32, #tpu.memory_space<vmem>>, vector<1x1x1x16xi32>,
        %get3A_426 = vector.shape_cast %get3A_425 : vector<1x1x1x16xi32> to vector<16xi32>
        %shift_left3A_427 = arith.constant 16 : i32
        %shift_left3A_428 = vector.broadcast %shift_left3A_427 : i32 to vector<16xi32>
        %shift_left3A_429 = arith.shli %get3A_426, %shift_left3A_428 : vector<16xi32>
        %bitcast_convert_type3A_430 = tpu.bitcast %shift_left3A_429 : vector<16xi32> -> vector<16xf32>
        %and3A_431 = arith.constant -65536 : i32
        %and3A_432 = vector.broadcast %and3A_431 : i32 to vector<16xi32>
        %and3A_433 = arith.andi %get3A_426, %and3A_432 : vector<16xi32>
        %bitcast_convert_type3A_434 = tpu.bitcast %and3A_433 : vector<16xi32> -> vector<16xf32>
        %get3A_435 = arith.constant 1 : i32
        %get3A_436 = arith.index_cast %get3A_435 : i32 to index
        %get3A_437 = arith.index_cast %add3A_291 : i32 to index
        %get3A_438 = arith.constant 96 : index
        %get3A_439 = tpu.vector_load %arg11[%get3A_436, %get3A_437, %get3A_438] {strides = array<i32>} : memref<2x128x128xf32, #tpu.memory_space<vmem>>, vector<1x1x16xf32>,
        %get3A_440 = vector.shape_cast %get3A_439 : vector<1x1x16xf32> to vector<16xf32>
        %add3A_441 = arith.addf %get3A_440, %bitcast_convert_type3A_430 : vector<16xf32>
        %swap3A_442 = arith.constant 1 : i32
        %swap3A_443 = arith.index_cast %swap3A_442 : i32 to index
        %swap3A_444 = arith.index_cast %add3A_291 : i32 to index
        %swap3A_445 = arith.constant 96 : index
        %swap3A_446 = tpu.vector_load %arg10[%swap3A_443, %swap3A_444, %swap3A_445] {strides = array<i32>} : memref<2x128x128xf32, #tpu.memory_space<vmem>>, vector<1x1x16xf32>,
        %swap3A_447 = vector.shape_cast %swap3A_446 : vector<1x1x16xf32> to vector<16xf32>
        %swap3A_448 = vector.shape_cast %add3A_441 : vector<16xf32> to vector<1x1x16xf32>
        tpu.vector_store %arg10[%swap3A_443, %swap3A_444, %swap3A_445], %swap3A_448 {add = true, strides = array<i32>} : memref<2x128x128xf32, #tpu.memory_space<vmem>>, vector<1x1x16xf32>,
        %get3A_449 = arith.constant 1 : i32
        %get3A_450 = arith.index_cast %get3A_449 : i32 to index
        %get3A_451 = arith.index_cast %add3A_291 : i32 to index
        %get3A_452 = arith.constant 112 : index
        %get3A_453 = tpu.vector_load %arg11[%get3A_450, %get3A_451, %get3A_452] {strides = array<i32>} : memref<2x128x128xf32, #tpu.memory_space<vmem>>, vector<1x1x16xf32>,
        %get3A_454 = vector.shape_cast %get3A_453 : vector<1x1x16xf32> to vector<16xf32>
        %add3A_455 = arith.addf %get3A_454, %bitcast_convert_type3A_434 : vector<16xf32>
        %swap3A_456 = arith.constant 1 : i32
        %swap3A_457 = arith.index_cast %swap3A_456 : i32 to index
        %swap3A_458 = arith.index_cast %add3A_291 : i32 to index
        %swap3A_459 = arith.constant 112 : index
        %swap3A_460 = tpu.vector_load %arg10[%swap3A_457, %swap3A_458, %swap3A_459] {strides = array<i32>} : memref<2x128x128xf32, #tpu.memory_space<vmem>>, vector<1x1x16xf32>,
        %swap3A_461 = vector.shape_cast %swap3A_460 : vector<1x1x16xf32> to vector<16xf32>
        %swap3A_462 = vector.shape_cast %add3A_455 : vector<16xf32> to vector<1x1x16xf32>
        tpu.vector_store %arg10[%swap3A_457, %swap3A_458, %swap3A_459], %swap3A_462 {add = true, strides = array<i32>} : memref<2x128x128xf32, #tpu.memory_space<vmem>>, vector<1x1x16xf32>,
        %mul3A_463 = arith.constant 2 : i32
        %mul3A_464 = arith.muli %scan3A_287, %mul3A_463 : i32
        %add3A_465 = arith.constant 1 : i32
        %add3A_466 = arith.addi %mul3A_464, %add3A_465 : i32
        %get3A_467 = arith.constant 1 : i32
        %get3A_468 = arith.constant 1 : i32
        %get3A_469 = arith.index_cast %get3A_467 : i32 to index
        %get3A_470 = arith.index_cast %scan3A_287 : i32 to index
        %get3A_471 = arith.index_cast %get3A_468 : i32 to index
        %get3A_472 = arith.constant 0 : index
        %get3A_473 = tpu.vector_load %arg12[%get3A_469, %get3A_470, %get3A_471, %get3A_472] {strides = array<i32>} : memref<2x64x2x64xi32, #tpu.memory_space<vmem>>, vector<1x1x1x16xi32>,
        %get3A_474 = vector.shape_cast %get3A_473 : vector<1x1x1x16xi32> to vector<16xi32>
        %shift_left3A_475 = arith.constant 16 : i32
        %shift_left3A_476 = vector.broadcast %shift_left3A_475 : i32 to vector<16xi32>
        %shift_left3A_477 = arith.shli %get3A_474, %shift_left3A_476 : vector<16xi32>
        %bitcast_convert_type3A_478 = tpu.bitcast %shift_left3A_477 : vector<16xi32> -> vector<16xf32>
        %and3A_479 = arith.constant -65536 : i32
        %and3A_480 = vector.broadcast %and3A_479 : i32 to vector<16xi32>
        %and3A_481 = arith.andi %get3A_474, %and3A_480 : vector<16xi32>
        %bitcast_convert_type3A_482 = tpu.bitcast %and3A_481 : vector<16xi32> -> vector<16xf32>
        %get3A_483 = arith.constant 1 : i32
        %get3A_484 = arith.index_cast %get3A_483 : i32 to index
        %get3A_485 = arith.index_cast %add3A_466 : i32 to index
        %get3A_486 = arith.constant 0 : index
        %get3A_487 = tpu.vector_load %arg11[%get3A_484, %get3A_485, %get3A_486] {strides = array<i32>} : memref<2x128x128xf32, #tpu.memory_space<vmem>>, vector<1x1x16xf32>,
        %get3A_488 = vector.shape_cast %get3A_487 : vector<1x1x16xf32> to vector<16xf32>
        %add3A_489 = arith.addf %get3A_488, %bitcast_convert_type3A_478 : vector<16xf32>
        %swap3A_490 = arith.constant 1 : i32
        %swap3A_491 = arith.index_cast %swap3A_490 : i32 to index
        %swap3A_492 = arith.index_cast %add3A_466 : i32 to index
        %swap3A_493 = arith.constant 0 : index
        %swap3A_494 = tpu.vector_load %arg10[%swap3A_491, %swap3A_492, %swap3A_493] {strides = array<i32>} : memref<2x128x128xf32, #tpu.memory_space<vmem>>, vector<1x1x16xf32>,
        %swap3A_495 = vector.shape_cast %swap3A_494 : vector<1x1x16xf32> to vector<16xf32>
        %swap3A_496 = vector.shape_cast %add3A_489 : vector<16xf32> to vector<1x1x16xf32>
        tpu.vector_store %arg10[%swap3A_491, %swap3A_492, %swap3A_493], %swap3A_496 {add = true, strides = array<i32>} : memref<2x128x128xf32, #tpu.memory_space<vmem>>, vector<1x1x16xf32>,
        %get3A_497 = arith.constant 1 : i32
        %get3A_498 = arith.index_cast %get3A_497 : i32 to index
        %get3A_499 = arith.index_cast %add3A_466 : i32 to index
        %get3A_500 = arith.constant 16 : index
        %get3A_501 = tpu.vector_load %arg11[%get3A_498, %get3A_499, %get3A_500] {strides = array<i32>} : memref<2x128x128xf32, #tpu.memory_space<vmem>>, vector<1x1x16xf32>,
        %get3A_502 = vector.shape_cast %get3A_501 : vector<1x1x16xf32> to vector<16xf32>
        %add3A_503 = arith.addf %get3A_502, %bitcast_convert_type3A_482 : vector<16xf32>
        %swap3A_504 = arith.constant 1 : i32
        %swap3A_505 = arith.index_cast %swap3A_504 : i32 to index
        %swap3A_506 = arith.index_cast %add3A_466 : i32 to index
        %swap3A_507 = arith.constant 16 : index
        %swap3A_508 = tpu.vector_load %arg10[%swap3A_505, %swap3A_506, %swap3A_507] {strides = array<i32>} : memref<2x128x128xf32, #tpu.memory_space<vmem>>, vector<1x1x16xf32>,
        %swap3A_509 = vector.shape_cast %swap3A_508 : vector<1x1x16xf32> to vector<16xf32>
        %swap3A_510 = vector.shape_cast %add3A_503 : vector<16xf32> to vector<1x1x16xf32>
        tpu.vector_store %arg10[%swap3A_505, %swap3A_506, %swap3A_507], %swap3A_510 {add = true, strides = array<i32>} : memref<2x128x128xf32, #tpu.memory_space<vmem>>, vector<1x1x16xf32>,
        %get3A_511 = arith.constant 1 : i32
        %get3A_512 = arith.constant 1 : i32
        %get3A_513 = arith.index_cast %get3A_511 : i32 to index
        %get3A_514 = arith.index_cast %scan3A_287 : i32 to index
        %get3A_515 = arith.index_cast %get3A_512 : i32 to index
        %get3A_516 = arith.constant 16 : index
        %get3A_517 = tpu.vector_load %arg12[%get3A_513, %get3A_514, %get3A_515, %get3A_516] {strides = array<i32>} : memref<2x64x2x64xi32, #tpu.memory_space<vmem>>, vector<1x1x1x16xi32>,
        %get3A_518 = vector.shape_cast %get3A_517 : vector<1x1x1x16xi32> to vector<16xi32>
        %shift_left3A_519 = arith.constant 16 : i32
        %shift_left3A_520 = vector.broadcast %shift_left3A_519 : i32 to vector<16xi32>
        %shift_left3A_521 = arith.shli %get3A_518, %shift_left3A_520 : vector<16xi32>
        %bitcast_convert_type3A_522 = tpu.bitcast %shift_left3A_521 : vector<16xi32> -> vector<16xf32>
        %and3A_523 = arith.constant -65536 : i32
        %and3A_524 = vector.broadcast %and3A_523 : i32 to vector<16xi32>
        %and3A_525 = arith.andi %get3A_518, %and3A_524 : vector<16xi32>
        %bitcast_convert_type3A_526 = tpu.bitcast %and3A_525 : vector<16xi32> -> vector<16xf32>
        %get3A_527 = arith.constant 1 : i32
        %get3A_528 = arith.index_cast %get3A_527 : i32 to index
        %get3A_529 = arith.index_cast %add3A_466 : i32 to index
        %get3A_530 = arith.constant 32 : index
        %get3A_531 = tpu.vector_load %arg11[%get3A_528, %get3A_529, %get3A_530] {strides = array<i32>} : memref<2x128x128xf32, #tpu.memory_space<vmem>>, vector<1x1x16xf32>,
        %get3A_532 = vector.shape_cast %get3A_531 : vector<1x1x16xf32> to vector<16xf32>
        %add3A_533 = arith.addf %get3A_532, %bitcast_convert_type3A_522 : vector<16xf32>
        %swap3A_534 = arith.constant 1 : i32
        %swap3A_535 = arith.index_cast %swap3A_534 : i32 to index
        %swap3A_536 = arith.index_cast %add3A_466 : i32 to index
        %swap3A_537 = arith.constant 32 : index
        %swap3A_538 = tpu.vector_load %arg10[%swap3A_535, %swap3A_536, %swap3A_537] {strides = array<i32>} : memref<2x128x128xf32, #tpu.memory_space<vmem>>, vector<1x1x16xf32>,
        %swap3A_539 = vector.shape_cast %swap3A_538 : vector<1x1x16xf32> to vector<16xf32>
        %swap3A_540 = vector.shape_cast %add3A_533 : vector<16xf32> to vector<1x1x16xf32>
        tpu.vector_store %arg10[%swap3A_535, %swap3A_536, %swap3A_537], %swap3A_540 {add = true, strides = array<i32>} : memref<2x128x128xf32, #tpu.memory_space<vmem>>, vector<1x1x16xf32>,
        %get3A_541 = arith.constant 1 : i32
        %get3A_542 = arith.index_cast %get3A_541 : i32 to index
        %get3A_543 = arith.index_cast %add3A_466 : i32 to index
        %get3A_544 = arith.constant 48 : index
        %get3A_545 = tpu.vector_load %arg11[%get3A_542, %get3A_543, %get3A_544] {strides = array<i32>} : memref<2x128x128xf32, #tpu.memory_space<vmem>>, vector<1x1x16xf32>,
        %get3A_546 = vector.shape_cast %get3A_545 : vector<1x1x16xf32> to vector<16xf32>
        %add3A_547 = arith.addf %get3A_546, %bitcast_convert_type3A_526 : vector<16xf32>
        %swap3A_548 = arith.constant 1 : i32
        %swap3A_549 = arith.index_cast %swap3A_548 : i32 to index
        %swap3A_550 = arith.index_cast %add3A_466 : i32 to index
        %swap3A_551 = arith.constant 48 : index
        %swap3A_552 = tpu.vector_load %arg10[%swap3A_549, %swap3A_550, %swap3A_551] {strides = array<i32>} : memref<2x128x128xf32, #tpu.memory_space<vmem>>, vector<1x1x16xf32>,
        %swap3A_553 = vector.shape_cast %swap3A_552 : vector<1x1x16xf32> to vector<16xf32>
        %swap3A_554 = vector.shape_cast %add3A_547 : vector<16xf32> to vector<1x1x16xf32>
        tpu.vector_store %arg10[%swap3A_549, %swap3A_550, %swap3A_551], %swap3A_554 {add = true, strides = array<i32>} : memref<2x128x128xf32, #tpu.memory_space<vmem>>, vector<1x1x16xf32>,
        %get3A_555 = arith.constant 1 : i32
        %get3A_556 = arith.constant 1 : i32
        %get3A_557 = arith.index_cast %get3A_555 : i32 to index
        %get3A_558 = arith.index_cast %scan3A_287 : i32 to index
        %get3A_559 = arith.index_cast %get3A_556 : i32 to index
        %get3A_560 = arith.constant 32 : index
        %get3A_561 = tpu.vector_load %arg12[%get3A_557, %get3A_558, %get3A_559, %get3A_560] {strides = array<i32>} : memref<2x64x2x64xi32, #tpu.memory_space<vmem>>, vector<1x1x1x16xi32>,
        %get3A_562 = vector.shape_cast %get3A_561 : vector<1x1x1x16xi32> to vector<16xi32>
        %shift_left3A_563 = arith.constant 16 : i32
        %shift_left3A_564 = vector.broadcast %shift_left3A_563 : i32 to vector<16xi32>
        %shift_left3A_565 = arith.shli %get3A_562, %shift_left3A_564 : vector<16xi32>
        %bitcast_convert_type3A_566 = tpu.bitcast %shift_left3A_565 : vector<16xi32> -> vector<16xf32>
        %and3A_567 = arith.constant -65536 : i32
        %and3A_568 = vector.broadcast %and3A_567 : i32 to vector<16xi32>
        %and3A_569 = arith.andi %get3A_562, %and3A_568 : vector<16xi32>
        %bitcast_convert_type3A_570 = tpu.bitcast %and3A_569 : vector<16xi32> -> vector<16xf32>
        %get3A_571 = arith.constant 1 : i32
        %get3A_572 = arith.index_cast %get3A_571 : i32 to index
        %get3A_573 = arith.index_cast %add3A_466 : i32 to index
        %get3A_574 = arith.constant 64 : index
        %get3A_575 = tpu.vector_load %arg11[%get3A_572, %get3A_573, %get3A_574] {strides = array<i32>} : memref<2x128x128xf32, #tpu.memory_space<vmem>>, vector<1x1x16xf32>,
        %get3A_576 = vector.shape_cast %get3A_575 : vector<1x1x16xf32> to vector<16xf32>
        %add3A_577 = arith.addf %get3A_576, %bitcast_convert_type3A_566 : vector<16xf32>
        %swap3A_578 = arith.constant 1 : i32
        %swap3A_579 = arith.index_cast %swap3A_578 : i32 to index
        %swap3A_580 = arith.index_cast %add3A_466 : i32 to index
        %swap3A_581 = arith.constant 64 : index
        %swap3A_582 = tpu.vector_load %arg10[%swap3A_579, %swap3A_580, %swap3A_581] {strides = array<i32>} : memref<2x128x128xf32, #tpu.memory_space<vmem>>, vector<1x1x16xf32>,
        %swap3A_583 = vector.shape_cast %swap3A_582 : vector<1x1x16xf32> to vector<16xf32>
        %swap3A_584 = vector.shape_cast %add3A_577 : vector<16xf32> to vector<1x1x16xf32>
        tpu.vector_store %arg10[%swap3A_579, %swap3A_580, %swap3A_581], %swap3A_584 {add = true, strides = array<i32>} : memref<2x128x128xf32, #tpu.memory_space<vmem>>, vector<1x1x16xf32>,
        %get3A_585 = arith.constant 1 : i32
        %get3A_586 = arith.index_cast %get3A_585 : i32 to index
        %get3A_587 = arith.index_cast %add3A_466 : i32 to index
        %get3A_588 = arith.constant 80 : index
        %get3A_589 = tpu.vector_load %arg11[%get3A_586, %get3A_587, %get3A_588] {strides = array<i32>} : memref<2x128x128xf32, #tpu.memory_space<vmem>>, vector<1x1x16xf32>,
        %get3A_590 = vector.shape_cast %get3A_589 : vector<1x1x16xf32> to vector<16xf32>
        %add3A_591 = arith.addf %get3A_590, %bitcast_convert_type3A_570 : vector<16xf32>
        %swap3A_592 = arith.constant 1 : i32
        %swap3A_593 = arith.index_cast %swap3A_592 : i32 to index
        %swap3A_594 = arith.index_cast %add3A_466 : i32 to index
        %swap3A_595 = arith.constant 80 : index
        %swap3A_596 = tpu.vector_load %arg10[%swap3A_593, %swap3A_594, %swap3A_595] {strides = array<i32>} : memref<2x128x128xf32, #tpu.memory_space<vmem>>, vector<1x1x16xf32>,
        %swap3A_597 = vector.shape_cast %swap3A_596 : vector<1x1x16xf32> to vector<16xf32>
        %swap3A_598 = vector.shape_cast %add3A_591 : vector<16xf32> to vector<1x1x16xf32>
        tpu.vector_store %arg10[%swap3A_593, %swap3A_594, %swap3A_595], %swap3A_598 {add = true, strides = array<i32>} : memref<2x128x128xf32, #tpu.memory_space<vmem>>, vector<1x1x16xf32>,
        %get3A_599 = arith.constant 1 : i32
        %get3A_600 = arith.constant 1 : i32
        %get3A_601 = arith.index_cast %get3A_599 : i32 to index
        %get3A_602 = arith.index_cast %scan3A_287 : i32 to index
        %get3A_603 = arith.index_cast %get3A_600 : i32 to index
        %get3A_604 = arith.constant 48 : index
        %get3A_605 = tpu.vector_load %arg12[%get3A_601, %get3A_602, %get3A_603, %get3A_604] {strides = array<i32>} : memref<2x64x2x64xi32, #tpu.memory_space<vmem>>, vector<1x1x1x16xi32>,
        %get3A_606 = vector.shape_cast %get3A_605 : vector<1x1x1x16xi32> to vector<16xi32>
        %shift_left3A_607 = arith.constant 16 : i32
        %shift_left3A_608 = vector.broadcast %shift_left3A_607 : i32 to vector<16xi32>
        %shift_left3A_609 = arith.shli %get3A_606, %shift_left3A_608 : vector<16xi32>
        %bitcast_convert_type3A_610 = tpu.bitcast %shift_left3A_609 : vector<16xi32> -> vector<16xf32>
        %and3A_611 = arith.constant -65536 : i32
        %and3A_612 = vector.broadcast %and3A_611 : i32 to vector<16xi32>
        %and3A_613 = arith.andi %get3A_606, %and3A_612 : vector<16xi32>
        %bitcast_convert_type3A_614 = tpu.bitcast %and3A_613 : vector<16xi32> -> vector<16xf32>
        %get3A_615 = arith.constant 1 : i32
        %get3A_616 = arith.index_cast %get3A_615 : i32 to index
        %get3A_617 = arith.index_cast %add3A_466 : i32 to index
        %get3A_618 = arith.constant 96 : index
        %get3A_619 = tpu.vector_load %arg11[%get3A_616, %get3A_617, %get3A_618] {strides = array<i32>} : memref<2x128x128xf32, #tpu.memory_space<vmem>>, vector<1x1x16xf32>,
        %get3A_620 = vector.shape_cast %get3A_619 : vector<1x1x16xf32> to vector<16xf32>
        %add3A_621 = arith.addf %get3A_620, %bitcast_convert_type3A_610 : vector<16xf32>
        %swap3A_622 = arith.constant 1 : i32
        %swap3A_623 = arith.index_cast %swap3A_622 : i32 to index
        %swap3A_624 = arith.index_cast %add3A_466 : i32 to index
        %swap3A_625 = arith.constant 96 : index
        %swap3A_626 = tpu.vector_load %arg10[%swap3A_623, %swap3A_624, %swap3A_625] {strides = array<i32>} : memref<2x128x128xf32, #tpu.memory_space<vmem>>, vector<1x1x16xf32>,
        %swap3A_627 = vector.shape_cast %swap3A_626 : vector<1x1x16xf32> to vector<16xf32>
        %swap3A_628 = vector.shape_cast %add3A_621 : vector<16xf32> to vector<1x1x16xf32>
        tpu.vector_store %arg10[%swap3A_623, %swap3A_624, %swap3A_625], %swap3A_628 {add = true, strides = array<i32>} : memref<2x128x128xf32, #tpu.memory_space<vmem>>, vector<1x1x16xf32>,
        %get3A_629 = arith.constant 1 : i32
        %get3A_630 = arith.index_cast %get3A_629 : i32 to index
        %get3A_631 = arith.index_cast %add3A_466 : i32 to index
        %get3A_632 = arith.constant 112 : index
        %get3A_633 = tpu.vector_load %arg11[%get3A_630, %get3A_631, %get3A_632] {strides = array<i32>} : memref<2x128x128xf32, #tpu.memory_space<vmem>>, vector<1x1x16xf32>,
        %get3A_634 = vector.shape_cast %get3A_633 : vector<1x1x16xf32> to vector<16xf32>
        %add3A_635 = arith.addf %get3A_634, %bitcast_convert_type3A_614 : vector<16xf32>
        %swap3A_636 = arith.constant 1 : i32
        %swap3A_637 = arith.index_cast %swap3A_636 : i32 to index
        %swap3A_638 = arith.index_cast %add3A_466 : i32 to index
        %swap3A_639 = arith.constant 112 : index
        %swap3A_640 = tpu.vector_load %arg10[%swap3A_637, %swap3A_638, %swap3A_639] {strides = array<i32>} : memref<2x128x128xf32, #tpu.memory_space<vmem>>, vector<1x1x16xf32>,
        %swap3A_641 = vector.shape_cast %swap3A_640 : vector<1x1x16xf32> to vector<16xf32>
        %swap3A_642 = vector.shape_cast %add3A_635 : vector<16xf32> to vector<1x1x16xf32>
        tpu.vector_store %arg10[%swap3A_637, %swap3A_638, %swap3A_639], %swap3A_642 {add = true, strides = array<i32>} : memref<2x128x128xf32, #tpu.memory_space<vmem>>, vector<1x1x16xf32>,
      }
      %scan3A_264 = arith.constant 64 : i32
      %lt3A_265 = arith.constant 38 : i32
      %lt3A_266 = arith.cmpi slt, %scan3A_93, %lt3A_265 : i32
      %convert_element_type3A_267 = arith.extui %lt3A_266 : i1 to i32
      %cond3A_268 = arith.constant 0 : i32
      %cond3A_269 = arith.cmpi ne, %convert_element_type3A_267, %cond3A_268 : i32
      scf.if %cond3A_269 {
        %mul3A_287 = arith.constant 128 : i32
        %mul3A_288 = arith.muli %add3A_96, %mul3A_287 : i32
        %dma_wait3A_289 = arith.constant 0 : i32
        %dma_wait3A_290 = arith.constant 0 : i32
        %dma_wait3A_291 = arith.constant 0 : i32
        %dma_wait3A_292 = tpu.memref_slice %arg10[%dma_wait3A_289, %dma_wait3A_290, %dma_wait3A_291] : memref<2x128x128xf32, #tpu.memory_space<vmem>> -> memref<1x128x128xf32, #tpu.memory_space<vmem>>
        %dma_wait3A_293 = tpu.memref_squeeze %dma_wait3A_292 : memref<1x128x128xf32, #tpu.memory_space<vmem>> -> memref<128x128xf32, #tpu.memory_space<vmem>>
        %dma_wait3A_294 = arith.constant 0 : i32
        %dma_wait3A_295 = tpu.memref_slice %arg7[%mul3A_288, %dma_wait3A_294] : memref<320000x128xf32, #tpu.memory_space<hbm>> -> memref<128x128xf32, #tpu.memory_space<hbm>>
        %dma_wait3A_296 = arith.constant 0 : i32
        %dma_wait3A_297 = tpu.memref_slice %arg7[%mul3A_288, %dma_wait3A_296] : memref<320000x128xf32, #tpu.memory_space<hbm>> -> memref<128x128xf32, #tpu.memory_space<hbm>>
        %dma_wait3A_298 = arith.constant 0 : i32
        %dma_wait3A_299 = arith.constant 0 : i32
        %dma_wait3A_300 = tpu.memref_slice %arg10[%dma_wait3A_289, %dma_wait3A_298, %dma_wait3A_299] : memref<2x128x128xf32, #tpu.memory_space<vmem>> -> memref<1x128x128xf32, #tpu.memory_space<vmem>>
        %dma_wait3A_301 = tpu.memref_squeeze %dma_wait3A_300 : memref<1x128x128xf32, #tpu.memory_space<vmem>> -> memref<128x128xf32, #tpu.memory_space<vmem>>
        tpu.wait_dma2 semaphore(%arg15 : memref<!tpu.dma_semaphore, #tpu.memory_space<semaphore_mem>>) src(%dma_wait3A_301 : memref<128x128xf32, #tpu.memory_space<vmem>>) dst(%dma_wait3A_297 : memref<128x128xf32, #tpu.memory_space<hbm>>)
        %add3A_302 = arith.constant 2 : i32
        %add3A_303 = arith.addi %add3A_96, %add3A_302 : i32
        %mul3A_304 = arith.constant 128 : i32
        %mul3A_305 = arith.muli %add3A_303, %mul3A_304 : i32
        %run_scoped3A_306 = arith.constant 0 : i32
        "tpu.region"() ({
          %run_scoped3A_351 = tpu.sem_alloc : memref<!tpu.dma_semaphore, #tpu.memory_space<semaphore_mem>>
          %dma_start3A_352 = arith.constant 0 : i32
          %dma_start3A_353 = tpu.memref_slice %arg8[%run_scoped3A_306, %dma_start3A_352] : memref<2x128xi32, #tpu.memory_space<vmem>> -> memref<1x128xi32, #tpu.memory_space<vmem>>
          %dma_start3A_354 = tpu.memref_squeeze %dma_start3A_353 : memref<1x128xi32, #tpu.memory_space<vmem>> -> memref<128xi32, #tpu.memory_space<vmem>>
          %dma_start3A_355 = tpu.memref_slice %arg2[%mul3A_305] : memref<320000xi32, #tpu.memory_space<hbm>> -> memref<128xi32, #tpu.memory_space<hbm>>
          %dma_start3A_356 = arith.constant 0 : i32
          %dma_start3A_357 = tpu.memref_slice %arg8[%run_scoped3A_306, %dma_start3A_356] : memref<2x128xi32, #tpu.memory_space<vmem>> -> memref<1x128xi32, #tpu.memory_space<vmem>>
          %dma_start3A_358 = tpu.memref_squeeze %dma_start3A_357 : memref<1x128xi32, #tpu.memory_space<vmem>> -> memref<128xi32, #tpu.memory_space<vmem>>
          %dma_start3A_359 = tpu.memref_slice %arg2[%mul3A_305] : memref<320000xi32, #tpu.memory_space<hbm>> -> memref<128xi32, #tpu.memory_space<hbm>>
          tpu.enqueue_dma source(%dma_start3A_359 : memref<128xi32, #tpu.memory_space<hbm>>) target(%dma_start3A_358 : memref<128xi32, #tpu.memory_space<vmem>>) target_semaphore(%run_scoped3A_351 : memref<!tpu.dma_semaphore, #tpu.memory_space<semaphore_mem>>)
          %dma_wait3A_360 = arith.constant 0 : i32
          %dma_wait3A_361 = tpu.memref_slice %arg8[%run_scoped3A_306, %dma_wait3A_360] : memref<2x128xi32, #tpu.memory_space<vmem>> -> memref<1x128xi32, #tpu.memory_space<vmem>>
          %dma_wait3A_362 = tpu.memref_squeeze %dma_wait3A_361 : memref<1x128xi32, #tpu.memory_space<vmem>> -> memref<128xi32, #tpu.memory_space<vmem>>
          %dma_wait3A_363 = tpu.memref_slice %arg2[%mul3A_305] : memref<320000xi32, #tpu.memory_space<hbm>> -> memref<128xi32, #tpu.memory_space<hbm>>
          %dma_wait3A_364 = arith.constant 0 : i32
          %dma_wait3A_365 = tpu.memref_slice %arg8[%run_scoped3A_306, %dma_wait3A_364] : memref<2x128xi32, #tpu.memory_space<vmem>> -> memref<1x128xi32, #tpu.memory_space<vmem>>
          %dma_wait3A_366 = tpu.memref_squeeze %dma_wait3A_365 : memref<1x128xi32, #tpu.memory_space<vmem>> -> memref<128xi32, #tpu.memory_space<vmem>>
          %dma_wait3A_367 = tpu.memref_slice %arg2[%mul3A_305] : memref<320000xi32, #tpu.memory_space<hbm>> -> memref<128xi32, #tpu.memory_space<hbm>>
          tpu.wait_dma2 semaphore(%run_scoped3A_351 : memref<!tpu.dma_semaphore, #tpu.memory_space<semaphore_mem>>) src(%dma_wait3A_367 : memref<128xi32, #tpu.memory_space<hbm>>) dst(%dma_wait3A_366 : memref<128xi32, #tpu.memory_space<vmem>>)
          tpu.yield
        }) : () -> ()
        %run_scoped3A_307 = arith.constant 0 : i32
        "tpu.region"() ({
          %run_scoped3A_351 = tpu.sem_alloc : memref<!tpu.dma_semaphore, #tpu.memory_space<semaphore_mem>>
          %dma_start3A_352 = arith.constant 0 : i32
          %dma_start3A_353 = tpu.memref_slice %arg9[%run_scoped3A_307, %dma_start3A_352] : memref<2x128xi32, #tpu.memory_space<vmem>> -> memref<1x128xi32, #tpu.memory_space<vmem>>
          %dma_start3A_354 = tpu.memref_squeeze %dma_start3A_353 : memref<1x128xi32, #tpu.memory_space<vmem>> -> memref<128xi32, #tpu.memory_space<vmem>>
          %dma_start3A_355 = tpu.memref_slice %arg3[%mul3A_305] : memref<320000xi32, #tpu.memory_space<hbm>> -> memref<128xi32, #tpu.memory_space<hbm>>
          %dma_start3A_356 = arith.constant 0 : i32
          %dma_start3A_357 = tpu.memref_slice %arg9[%run_scoped3A_307, %dma_start3A_356] : memref<2x128xi32, #tpu.memory_space<vmem>> -> memref<1x128xi32, #tpu.memory_space<vmem>>
          %dma_start3A_358 = tpu.memref_squeeze %dma_start3A_357 : memref<1x128xi32, #tpu.memory_space<vmem>> -> memref<128xi32, #tpu.memory_space<vmem>>
          %dma_start3A_359 = tpu.memref_slice %arg3[%mul3A_305] : memref<320000xi32, #tpu.memory_space<hbm>> -> memref<128xi32, #tpu.memory_space<hbm>>
          tpu.enqueue_dma source(%dma_start3A_359 : memref<128xi32, #tpu.memory_space<hbm>>) target(%dma_start3A_358 : memref<128xi32, #tpu.memory_space<vmem>>) target_semaphore(%run_scoped3A_351 : memref<!tpu.dma_semaphore, #tpu.memory_space<semaphore_mem>>)
          %dma_wait3A_360 = arith.constant 0 : i32
          %dma_wait3A_361 = tpu.memref_slice %arg9[%run_scoped3A_307, %dma_wait3A_360] : memref<2x128xi32, #tpu.memory_space<vmem>> -> memref<1x128xi32, #tpu.memory_space<vmem>>
          %dma_wait3A_362 = tpu.memref_squeeze %dma_wait3A_361 : memref<1x128xi32, #tpu.memory_space<vmem>> -> memref<128xi32, #tpu.memory_space<vmem>>
          %dma_wait3A_363 = tpu.memref_slice %arg3[%mul3A_305] : memref<320000xi32, #tpu.memory_space<hbm>> -> memref<128xi32, #tpu.memory_space<hbm>>
          %dma_wait3A_364 = arith.constant 0 : i32
          %dma_wait3A_365 = tpu.memref_slice %arg9[%run_scoped3A_307, %dma_wait3A_364] : memref<2x128xi32, #tpu.memory_space<vmem>> -> memref<1x128xi32, #tpu.memory_space<vmem>>
          %dma_wait3A_366 = tpu.memref_squeeze %dma_wait3A_365 : memref<1x128xi32, #tpu.memory_space<vmem>> -> memref<128xi32, #tpu.memory_space<vmem>>
          %dma_wait3A_367 = tpu.memref_slice %arg3[%mul3A_305] : memref<320000xi32, #tpu.memory_space<hbm>> -> memref<128xi32, #tpu.memory_space<hbm>>
          tpu.wait_dma2 semaphore(%run_scoped3A_351 : memref<!tpu.dma_semaphore, #tpu.memory_space<semaphore_mem>>) src(%dma_wait3A_367 : memref<128xi32, #tpu.memory_space<hbm>>) dst(%dma_wait3A_366 : memref<128xi32, #tpu.memory_space<vmem>>)
          tpu.yield
        }) : () -> ()
        %dma_start3A_308 = arith.constant 0 : i32
        %dma_start3A_309 = arith.constant 0 : i32
        %dma_start3A_310 = arith.constant 0 : i32
        %dma_start3A_311 = arith.constant 0 : i32
        %dma_start3A_312 = tpu.memref_slice %arg10[%dma_start3A_309, %dma_start3A_310, %dma_start3A_311] : memref<2x128x128xf32, #tpu.memory_space<vmem>> -> memref<1x128x128xf32, #tpu.memory_space<vmem>>
        %dma_start3A_313 = tpu.memref_squeeze %dma_start3A_312 : memref<1x128x128xf32, #tpu.memory_space<vmem>> -> memref<128x128xf32, #tpu.memory_space<vmem>>
        %dma_start3A_314 = arith.constant 0 : i32
        %dma_start3A_315 = tpu.memref_slice %arg8[%dma_start3A_308, %dma_start3A_314] : memref<2x128xi32, #tpu.memory_space<vmem>> -> memref<1x128xi32, #tpu.memory_space<vmem>>
        %dma_start3A_316 = tpu.memref_squeeze %dma_start3A_315 : memref<1x128xi32, #tpu.memory_space<vmem>> -> memref<128xi32, #tpu.memory_space<vmem>>
        %dma_start3A_317 = arith.constant 0 : i32
        %dma_start3A_318 = arith.constant 0 : i32
        %dma_start3A_319 = tpu.memref_slice %arg4[%dma_start3A_317, %dma_start3A_318] : memref<10000x128xf32, #tpu.memory_space<hbm>> -> memref<10000x128xf32, #tpu.memory_space<hbm>>
        tpu.enqueue_indirect_dma source(%dma_start3A_319 : memref<10000x128xf32, #tpu.memory_space<hbm>>) target(%dma_start3A_313 : memref<128x128xf32, #tpu.memory_space<vmem>>) offsets(%dma_start3A_316 : memref<128xi32, #tpu.memory_space<vmem>>) semaphore(%arg13 : memref<!tpu.dma_semaphore, #tpu.memory_space<semaphore_mem>>)
        %dma_start3A_320 = arith.constant 0 : i32
        %dma_start3A_321 = arith.constant 0 : i32
        %dma_start3A_322 = arith.constant 0 : i32
        %dma_start3A_323 = arith.constant 0 : i32
        %dma_start3A_324 = tpu.memref_slice %arg11[%dma_start3A_321, %dma_start3A_322, %dma_start3A_323] : memref<2x128x128xf32, #tpu.memory_space<vmem>> -> memref<1x128x128xf32, #tpu.memory_space<vmem>>
        %dma_start3A_325 = tpu.memref_squeeze %dma_start3A_324 : memref<1x128x128xf32, #tpu.memory_space<vmem>> -> memref<128x128xf32, #tpu.memory_space<vmem>>
        %dma_start3A_326 = arith.constant 0 : i32
        %dma_start3A_327 = tpu.memref_slice %arg9[%dma_start3A_320, %dma_start3A_326] : memref<2x128xi32, #tpu.memory_space<vmem>> -> memref<1x128xi32, #tpu.memory_space<vmem>>
        %dma_start3A_328 = tpu.memref_squeeze %dma_start3A_327 : memref<1x128xi32, #tpu.memory_space<vmem>> -> memref<128xi32, #tpu.memory_space<vmem>>
        %dma_start3A_329 = arith.constant 0 : i32
        %dma_start3A_330 = arith.constant 0 : i32
        %dma_start3A_331 = tpu.memref_slice %arg5[%dma_start3A_329, %dma_start3A_330] : memref<10000x128xf32, #tpu.memory_space<hbm>> -> memref<10000x128xf32, #tpu.memory_space<hbm>>
        tpu.enqueue_indirect_dma source(%dma_start3A_331 : memref<10000x128xf32, #tpu.memory_space<hbm>>) target(%dma_start3A_325 : memref<128x128xf32, #tpu.memory_space<vmem>>) offsets(%dma_start3A_328 : memref<128xi32, #tpu.memory_space<vmem>>) semaphore(%arg13 : memref<!tpu.dma_semaphore, #tpu.memory_space<semaphore_mem>>)
        %mul3A_332 = arith.constant 64 : i32
        %mul3A_333 = arith.muli %add3A_303, %mul3A_332 : i32
        %dma_start3A_334 = arith.constant 0 : i32
        %dma_start3A_335 = arith.constant 0 : i32
        %dma_start3A_336 = arith.constant 0 : i32
        %dma_start3A_337 = arith.constant 0 : i32
        %dma_start3A_338 = tpu.memref_slice %arg12[%dma_start3A_334, %dma_start3A_335, %dma_start3A_336, %dma_start3A_337] : memref<2x64x2x64xi32, #tpu.memory_space<vmem>> -> memref<1x64x2x64xi32, #tpu.memory_space<vmem>>
        %dma_start3A_339 = tpu.memref_squeeze %dma_start3A_338 : memref<1x64x2x64xi32, #tpu.memory_space<vmem>> -> memref<64x2x64xi32, #tpu.memory_space<vmem>>
        %dma_start3A_340 = arith.constant 0 : i32
        %dma_start3A_341 = arith.constant 0 : i32
        %dma_start3A_342 = tpu.memref_slice %arg6[%mul3A_333, %dma_start3A_340, %dma_start3A_341] : memref<160000x2x64xi32, #tpu.memory_space<hbm>> -> memref<64x2x64xi32, #tpu.memory_space<hbm>>
        %dma_start3A_343 = arith.constant 0 : i32
        %dma_start3A_344 = arith.constant 0 : i32
        %dma_start3A_345 = arith.constant 0 : i32
        %dma_start3A_346 = tpu.memref_slice %arg12[%dma_start3A_334, %dma_start3A_343, %dma_start3A_344, %dma_start3A_345] : memref<2x64x2x64xi32, #tpu.memory_space<vmem>> -> memref<1x64x2x64xi32, #tpu.memory_space<vmem>>
        %dma_start3A_347 = tpu.memref_squeeze %dma_start3A_346 : memref<1x64x2x64xi32, #tpu.memory_space<vmem>> -> memref<64x2x64xi32, #tpu.memory_space<vmem>>
        %dma_start3A_348 = arith.constant 0 : i32
        %dma_start3A_349 = arith.constant 0 : i32
        %dma_start3A_350 = tpu.memref_slice %arg6[%mul3A_333, %dma_start3A_348, %dma_start3A_349] : memref<160000x2x64xi32, #tpu.memory_space<hbm>> -> memref<64x2x64xi32, #tpu.memory_space<hbm>>
        tpu.enqueue_dma source(%dma_start3A_350 : memref<64x2x64xi32, #tpu.memory_space<hbm>>) target(%dma_start3A_347 : memref<64x2x64xi32, #tpu.memory_space<vmem>>) target_semaphore(%arg13 : memref<!tpu.dma_semaphore, #tpu.memory_space<semaphore_mem>>)
      } else {
      }
      %add3A_270 = arith.constant 1 : i32
      %add3A_271 = arith.addi %add3A_96, %add3A_270 : i32
      %mul3A_272 = arith.constant 128 : i32
      %mul3A_273 = arith.muli %add3A_271, %mul3A_272 : i32
      %dma_start3A_274 = arith.constant 1 : i32
      %dma_start3A_275 = arith.constant 0 : i32
      %dma_start3A_276 = arith.constant 0 : i32
      %dma_start3A_277 = tpu.memref_slice %arg10[%dma_start3A_274, %dma_start3A_275, %dma_start3A_276] : memref<2x128x128xf32, #tpu.memory_space<vmem>> -> memref<1x128x128xf32, #tpu.memory_space<vmem>>
      %dma_start3A_278 = tpu.memref_squeeze %dma_start3A_277 : memref<1x128x128xf32, #tpu.memory_space<vmem>> -> memref<128x128xf32, #tpu.memory_space<vmem>>
      %dma_start3A_279 = arith.constant 0 : i32
      %dma_start3A_280 = tpu.memref_slice %arg7[%mul3A_273, %dma_start3A_279] : memref<320000x128xf32, #tpu.memory_space<hbm>> -> memref<128x128xf32, #tpu.memory_space<hbm>>
      %dma_start3A_281 = arith.constant 0 : i32
      %dma_start3A_282 = tpu.memref_slice %arg7[%mul3A_273, %dma_start3A_281] : memref<320000x128xf32, #tpu.memory_space<hbm>> -> memref<128x128xf32, #tpu.memory_space<hbm>>
      %dma_start3A_283 = arith.constant 0 : i32
      %dma_start3A_284 = arith.constant 0 : i32
      %dma_start3A_285 = tpu.memref_slice %arg10[%dma_start3A_274, %dma_start3A_283, %dma_start3A_284] : memref<2x128x128xf32, #tpu.memory_space<vmem>> -> memref<1x128x128xf32, #tpu.memory_space<vmem>>
      %dma_start3A_286 = tpu.memref_squeeze %dma_start3A_285 : memref<1x128x128xf32, #tpu.memory_space<vmem>> -> memref<128x128xf32, #tpu.memory_space<vmem>>
      tpu.enqueue_dma source(%dma_start3A_286 : memref<128x128xf32, #tpu.memory_space<vmem>>) target(%dma_start3A_282 : memref<128x128xf32, #tpu.memory_space<hbm>>) target_semaphore(%arg16 : memref<!tpu.dma_semaphore, #tpu.memory_space<semaphore_mem>>)
    }
    %scan3A_54 = arith.constant 39 : i32
    %add3A_55 = arith.constant 78 : i32
    %add3A_56 = arith.addi %add3A_4, %add3A_55 : i32
    %sub3A = arith.constant 2 : i32
    %sub3A_57 = arith.subi %add3A_56, %sub3A : i32
    %mul3A_58 = arith.constant 128 : i32
    %mul3A_59 = arith.muli %sub3A_57, %mul3A_58 : i32
    %dma_wait3A = arith.constant 0 : i32
    %dma_wait3A_60 = arith.constant 0 : i32
    %dma_wait3A_61 = arith.constant 0 : i32
    %dma_wait3A_62 = tpu.memref_slice %arg10[%dma_wait3A, %dma_wait3A_60, %dma_wait3A_61] : memref<2x128x128xf32, #tpu.memory_space<vmem>> -> memref<1x128x128xf32, #tpu.memory_space<vmem>>
    %dma_wait3A_63 = tpu.memref_squeeze %dma_wait3A_62 : memref<1x128x128xf32, #tpu.memory_space<vmem>> -> memref<128x128xf32, #tpu.memory_space<vmem>>
    %dma_wait3A_64 = arith.constant 0 : i32
    %dma_wait3A_65 = tpu.memref_slice %arg7[%mul3A_59, %dma_wait3A_64] : memref<320000x128xf32, #tpu.memory_space<hbm>> -> memref<128x128xf32, #tpu.memory_space<hbm>>
    %dma_wait3A_66 = arith.constant 0 : i32
    %dma_wait3A_67 = tpu.memref_slice %arg7[%mul3A_59, %dma_wait3A_66] : memref<320000x128xf32, #tpu.memory_space<hbm>> -> memref<128x128xf32, #tpu.memory_space<hbm>>
    %dma_wait3A_68 = arith.constant 0 : i32
    %dma_wait3A_69 = arith.constant 0 : i32
    %dma_wait3A_70 = tpu.memref_slice %arg10[%dma_wait3A, %dma_wait3A_68, %dma_wait3A_69] : memref<2x128x128xf32, #tpu.memory_space<vmem>> -> memref<1x128x128xf32, #tpu.memory_space<vmem>>
    %dma_wait3A_71 = tpu.memref_squeeze %dma_wait3A_70 : memref<1x128x128xf32, #tpu.memory_space<vmem>> -> memref<128x128xf32, #tpu.memory_space<vmem>>
    tpu.wait_dma2 semaphore(%arg15 : memref<!tpu.dma_semaphore, #tpu.memory_space<semaphore_mem>>) src(%dma_wait3A_71 : memref<128x128xf32, #tpu.memory_space<vmem>>) dst(%dma_wait3A_67 : memref<128x128xf32, #tpu.memory_space<hbm>>)
    %add3A_72 = arith.constant 78 : i32
    %add3A_73 = arith.addi %add3A_4, %add3A_72 : i32
    %sub3A_74 = arith.constant 1 : i32
    %sub3A_75 = arith.subi %add3A_73, %sub3A_74 : i32
    %mul3A_76 = arith.constant 128 : i32
    %mul3A_77 = arith.muli %sub3A_75, %mul3A_76 : i32
    %dma_wait3A_78 = arith.constant 1 : i32
    %dma_wait3A_79 = arith.constant 0 : i32
    %dma_wait3A_80 = arith.constant 0 : i32
    %dma_wait3A_81 = tpu.memref_slice %arg10[%dma_wait3A_78, %dma_wait3A_79, %dma_wait3A_80] : memref<2x128x128xf32, #tpu.memory_space<vmem>> -> memref<1x128x128xf32, #tpu.memory_space<vmem>>
    %dma_wait3A_82 = tpu.memref_squeeze %dma_wait3A_81 : memref<1x128x128xf32, #tpu.memory_space<vmem>> -> memref<128x128xf32, #tpu.memory_space<vmem>>
    %dma_wait3A_83 = arith.constant 0 : i32
    %dma_wait3A_84 = tpu.memref_slice %arg7[%mul3A_77, %dma_wait3A_83] : memref<320000x128xf32, #tpu.memory_space<hbm>> -> memref<128x128xf32, #tpu.memory_space<hbm>>
    %dma_wait3A_85 = arith.constant 0 : i32
    %dma_wait3A_86 = tpu.memref_slice %arg7[%mul3A_77, %dma_wait3A_85] : memref<320000x128xf32, #tpu.memory_space<hbm>> -> memref<128x128xf32, #tpu.memory_space<hbm>>
    %dma_wait3A_87 = arith.constant 0 : i32
    %dma_wait3A_88 = arith.constant 0 : i32
    %dma_wait3A_89 = tpu.memref_slice %arg10[%dma_wait3A_78, %dma_wait3A_87, %dma_wait3A_88] : memref<2x128x128xf32, #tpu.memory_space<vmem>> -> memref<1x128x128xf32, #tpu.memory_space<vmem>>
    %dma_wait3A_90 = tpu.memref_squeeze %dma_wait3A_89 : memref<1x128x128xf32, #tpu.memory_space<vmem>> -> memref<128x128xf32, #tpu.memory_space<vmem>>
    tpu.wait_dma2 semaphore(%arg16 : memref<!tpu.dma_semaphore, #tpu.memory_space<semaphore_mem>>) src(%dma_wait3A_90 : memref<128x128xf32, #tpu.memory_space<vmem>>) dst(%dma_wait3A_86 : memref<128x128xf32, #tpu.memory_space<hbm>>)
    %lt3A = arith.constant 4 : i32
    %lt3A_91 = arith.cmpi slt, %add3A, %lt3A : i32
    %convert_element_type3A = arith.extui %lt3A_91 : i1 to i32
    %cond3A = arith.constant 0 : i32
    %cond3A_92 = arith.cmpi ne, %convert_element_type3A, %cond3A : i32
    scf.if %cond3A_92 {
      %add3A_93 = arith.constant 78 : i32
      %add3A_94 = arith.addi %add3A_4, %add3A_93 : i32
      %mul3A_95 = arith.constant 128 : i32
      %mul3A_96 = arith.muli %add3A_94, %mul3A_95 : i32
      %run_scoped3A_97 = arith.constant 0 : i32
      "tpu.region"() ({
        %run_scoped3A_221 = tpu.sem_alloc : memref<!tpu.dma_semaphore, #tpu.memory_space<semaphore_mem>>
        %dma_start3A_222 = arith.constant 0 : i32
        %dma_start3A_223 = tpu.memref_slice %arg8[%run_scoped3A_97, %dma_start3A_222] : memref<2x128xi32, #tpu.memory_space<vmem>> -> memref<1x128xi32, #tpu.memory_space<vmem>>
        %dma_start3A_224 = tpu.memref_squeeze %dma_start3A_223 : memref<1x128xi32, #tpu.memory_space<vmem>> -> memref<128xi32, #tpu.memory_space<vmem>>
        %dma_start3A_225 = tpu.memref_slice %arg2[%mul3A_96] : memref<320000xi32, #tpu.memory_space<hbm>> -> memref<128xi32, #tpu.memory_space<hbm>>
        %dma_start3A_226 = arith.constant 0 : i32
        %dma_start3A_227 = tpu.memref_slice %arg8[%run_scoped3A_97, %dma_start3A_226] : memref<2x128xi32, #tpu.memory_space<vmem>> -> memref<1x128xi32, #tpu.memory_space<vmem>>
        %dma_start3A_228 = tpu.memref_squeeze %dma_start3A_227 : memref<1x128xi32, #tpu.memory_space<vmem>> -> memref<128xi32, #tpu.memory_space<vmem>>
        %dma_start3A_229 = tpu.memref_slice %arg2[%mul3A_96] : memref<320000xi32, #tpu.memory_space<hbm>> -> memref<128xi32, #tpu.memory_space<hbm>>
        tpu.enqueue_dma source(%dma_start3A_229 : memref<128xi32, #tpu.memory_space<hbm>>) target(%dma_start3A_228 : memref<128xi32, #tpu.memory_space<vmem>>) target_semaphore(%run_scoped3A_221 : memref<!tpu.dma_semaphore, #tpu.memory_space<semaphore_mem>>)
        %dma_wait3A_230 = arith.constant 0 : i32
        %dma_wait3A_231 = tpu.memref_slice %arg8[%run_scoped3A_97, %dma_wait3A_230] : memref<2x128xi32, #tpu.memory_space<vmem>> -> memref<1x128xi32, #tpu.memory_space<vmem>>
        %dma_wait3A_232 = tpu.memref_squeeze %dma_wait3A_231 : memref<1x128xi32, #tpu.memory_space<vmem>> -> memref<128xi32, #tpu.memory_space<vmem>>
        %dma_wait3A_233 = tpu.memref_slice %arg2[%mul3A_96] : memref<320000xi32, #tpu.memory_space<hbm>> -> memref<128xi32, #tpu.memory_space<hbm>>
        %dma_wait3A_234 = arith.constant 0 : i32
        %dma_wait3A_235 = tpu.memref_slice %arg8[%run_scoped3A_97, %dma_wait3A_234] : memref<2x128xi32, #tpu.memory_space<vmem>> -> memref<1x128xi32, #tpu.memory_space<vmem>>
        %dma_wait3A_236 = tpu.memref_squeeze %dma_wait3A_235 : memref<1x128xi32, #tpu.memory_space<vmem>> -> memref<128xi32, #tpu.memory_space<vmem>>
        %dma_wait3A_237 = tpu.memref_slice %arg2[%mul3A_96] : memref<320000xi32, #tpu.memory_space<hbm>> -> memref<128xi32, #tpu.memory_space<hbm>>
        tpu.wait_dma2 semaphore(%run_scoped3A_221 : memref<!tpu.dma_semaphore, #tpu.memory_space<semaphore_mem>>) src(%dma_wait3A_237 : memref<128xi32, #tpu.memory_space<hbm>>) dst(%dma_wait3A_236 : memref<128xi32, #tpu.memory_space<vmem>>)
        tpu.yield
      }) : () -> ()
      %run_scoped3A_98 = arith.constant 0 : i32
      "tpu.region"() ({
        %run_scoped3A_221 = tpu.sem_alloc : memref<!tpu.dma_semaphore, #tpu.memory_space<semaphore_mem>>
        %dma_start3A_222 = arith.constant 0 : i32
        %dma_start3A_223 = tpu.memref_slice %arg9[%run_scoped3A_98, %dma_start3A_222] : memref<2x128xi32, #tpu.memory_space<vmem>> -> memref<1x128xi32, #tpu.memory_space<vmem>>
        %dma_start3A_224 = tpu.memref_squeeze %dma_start3A_223 : memref<1x128xi32, #tpu.memory_space<vmem>> -> memref<128xi32, #tpu.memory_space<vmem>>
        %dma_start3A_225 = tpu.memref_slice %arg3[%mul3A_96] : memref<320000xi32, #tpu.memory_space<hbm>> -> memref<128xi32, #tpu.memory_space<hbm>>
        %dma_start3A_226 = arith.constant 0 : i32
        %dma_start3A_227 = tpu.memref_slice %arg9[%run_scoped3A_98, %dma_start3A_226] : memref<2x128xi32, #tpu.memory_space<vmem>> -> memref<1x128xi32, #tpu.memory_space<vmem>>
        %dma_start3A_228 = tpu.memref_squeeze %dma_start3A_227 : memref<1x128xi32, #tpu.memory_space<vmem>> -> memref<128xi32, #tpu.memory_space<vmem>>
        %dma_start3A_229 = tpu.memref_slice %arg3[%mul3A_96] : memref<320000xi32, #tpu.memory_space<hbm>> -> memref<128xi32, #tpu.memory_space<hbm>>
        tpu.enqueue_dma source(%dma_start3A_229 : memref<128xi32, #tpu.memory_space<hbm>>) target(%dma_start3A_228 : memref<128xi32, #tpu.memory_space<vmem>>) target_semaphore(%run_scoped3A_221 : memref<!tpu.dma_semaphore, #tpu.memory_space<semaphore_mem>>)
        %dma_wait3A_230 = arith.constant 0 : i32
        %dma_wait3A_231 = tpu.memref_slice %arg9[%run_scoped3A_98, %dma_wait3A_230] : memref<2x128xi32, #tpu.memory_space<vmem>> -> memref<1x128xi32, #tpu.memory_space<vmem>>
        %dma_wait3A_232 = tpu.memref_squeeze %dma_wait3A_231 : memref<1x128xi32, #tpu.memory_space<vmem>> -> memref<128xi32, #tpu.memory_space<vmem>>
        %dma_wait3A_233 = tpu.memref_slice %arg3[%mul3A_96] : memref<320000xi32, #tpu.memory_space<hbm>> -> memref<128xi32, #tpu.memory_space<hbm>>
        %dma_wait3A_234 = arith.constant 0 : i32
        %dma_wait3A_235 = tpu.memref_slice %arg9[%run_scoped3A_98, %dma_wait3A_234] : memref<2x128xi32, #tpu.memory_space<vmem>> -> memref<1x128xi32, #tpu.memory_space<vmem>>
        %dma_wait3A_236 = tpu.memref_squeeze %dma_wait3A_235 : memref<1x128xi32, #tpu.memory_space<vmem>> -> memref<128xi32, #tpu.memory_space<vmem>>
        %dma_wait3A_237 = tpu.memref_slice %arg3[%mul3A_96] : memref<320000xi32, #tpu.memory_space<hbm>> -> memref<128xi32, #tpu.memory_space<hbm>>
        tpu.wait_dma2 semaphore(%run_scoped3A_221 : memref<!tpu.dma_semaphore, #tpu.memory_space<semaphore_mem>>) src(%dma_wait3A_237 : memref<128xi32, #tpu.memory_space<hbm>>) dst(%dma_wait3A_236 : memref<128xi32, #tpu.memory_space<vmem>>)
        tpu.yield
      }) : () -> ()
      %dma_start3A_99 = arith.constant 0 : i32
      %dma_start3A_100 = arith.constant 0 : i32
      %dma_start3A_101 = arith.constant 0 : i32
      %dma_start3A_102 = arith.constant 0 : i32
      %dma_start3A_103 = tpu.memref_slice %arg10[%dma_start3A_100, %dma_start3A_101, %dma_start3A_102] : memref<2x128x128xf32, #tpu.memory_space<vmem>> -> memref<1x128x128xf32, #tpu.memory_space<vmem>>
      %dma_start3A_104 = tpu.memref_squeeze %dma_start3A_103 : memref<1x128x128xf32, #tpu.memory_space<vmem>> -> memref<128x128xf32, #tpu.memory_space<vmem>>
      %dma_start3A_105 = arith.constant 0 : i32
      %dma_start3A_106 = tpu.memref_slice %arg8[%dma_start3A_99, %dma_start3A_105] : memref<2x128xi32, #tpu.memory_space<vmem>> -> memref<1x128xi32, #tpu.memory_space<vmem>>
      %dma_start3A_107 = tpu.memref_squeeze %dma_start3A_106 : memref<1x128xi32, #tpu.memory_space<vmem>> -> memref<128xi32, #tpu.memory_space<vmem>>
      %dma_start3A_108 = arith.constant 0 : i32
      %dma_start3A_109 = arith.constant 0 : i32
      %dma_start3A_110 = tpu.memref_slice %arg4[%dma_start3A_108, %dma_start3A_109] : memref<10000x128xf32, #tpu.memory_space<hbm>> -> memref<10000x128xf32, #tpu.memory_space<hbm>>
      tpu.enqueue_indirect_dma source(%dma_start3A_110 : memref<10000x128xf32, #tpu.memory_space<hbm>>) target(%dma_start3A_104 : memref<128x128xf32, #tpu.memory_space<vmem>>) offsets(%dma_start3A_107 : memref<128xi32, #tpu.memory_space<vmem>>) semaphore(%arg13 : memref<!tpu.dma_semaphore, #tpu.memory_space<semaphore_mem>>)
      %dma_start3A_111 = arith.constant 0 : i32
      %dma_start3A_112 = arith.constant 0 : i32
      %dma_start3A_113 = arith.constant 0 : i32
      %dma_start3A_114 = arith.constant 0 : i32
      %dma_start3A_115 = tpu.memref_slice %arg11[%dma_start3A_112, %dma_start3A_113, %dma_start3A_114] : memref<2x128x128xf32, #tpu.memory_space<vmem>> -> memref<1x128x128xf32, #tpu.memory_space<vmem>>
      %dma_start3A_116 = tpu.memref_squeeze %dma_start3A_115 : memref<1x128x128xf32, #tpu.memory_space<vmem>> -> memref<128x128xf32, #tpu.memory_space<vmem>>
      %dma_start3A_117 = arith.constant 0 : i32
      %dma_start3A_118 = tpu.memref_slice %arg9[%dma_start3A_111, %dma_start3A_117] : memref<2x128xi32, #tpu.memory_space<vmem>> -> memref<1x128xi32, #tpu.memory_space<vmem>>
      %dma_start3A_119 = tpu.memref_squeeze %dma_start3A_118 : memref<1x128xi32, #tpu.memory_space<vmem>> -> memref<128xi32, #tpu.memory_space<vmem>>
      %dma_start3A_120 = arith.constant 0 : i32
      %dma_start3A_121 = arith.constant 0 : i32
      %dma_start3A_122 = tpu.memref_slice %arg5[%dma_start3A_120, %dma_start3A_121] : memref<10000x128xf32, #tpu.memory_space<hbm>> -> memref<10000x128xf32, #tpu.memory_space<hbm>>
      tpu.enqueue_indirect_dma source(%dma_start3A_122 : memref<10000x128xf32, #tpu.memory_space<hbm>>) target(%dma_start3A_116 : memref<128x128xf32, #tpu.memory_space<vmem>>) offsets(%dma_start3A_119 : memref<128xi32, #tpu.memory_space<vmem>>) semaphore(%arg13 : memref<!tpu.dma_semaphore, #tpu.memory_space<semaphore_mem>>)
      %mul3A_123 = arith.constant 64 : i32
      %mul3A_124 = arith.muli %add3A_94, %mul3A_123 : i32
      %dma_start3A_125 = arith.constant 0 : i32
      %dma_start3A_126 = arith.constant 0 : i32
      %dma_start3A_127 = arith.constant 0 : i32
      %dma_start3A_128 = arith.constant 0 : i32
      %dma_start3A_129 = tpu.memref_slice %arg12[%dma_start3A_125, %dma_start3A_126, %dma_start3A_127, %dma_start3A_128] : memref<2x64x2x64xi32, #tpu.memory_space<vmem>> -> memref<1x64x2x64xi32, #tpu.memory_space<vmem>>
      %dma_start3A_130 = tpu.memref_squeeze %dma_start3A_129 : memref<1x64x2x64xi32, #tpu.memory_space<vmem>> -> memref<64x2x64xi32, #tpu.memory_space<vmem>>
      %dma_start3A_131 = arith.constant 0 : i32
      %dma_start3A_132 = arith.constant 0 : i32
      %dma_start3A_133 = tpu.memref_slice %arg6[%mul3A_124, %dma_start3A_131, %dma_start3A_132] : memref<160000x2x64xi32, #tpu.memory_space<hbm>> -> memref<64x2x64xi32, #tpu.memory_space<hbm>>
      %dma_start3A_134 = arith.constant 0 : i32
      %dma_start3A_135 = arith.constant 0 : i32
      %dma_start3A_136 = arith.constant 0 : i32
      %dma_start3A_137 = tpu.memref_slice %arg12[%dma_start3A_125, %dma_start3A_134, %dma_start3A_135, %dma_start3A_136] : memref<2x64x2x64xi32, #tpu.memory_space<vmem>> -> memref<1x64x2x64xi32, #tpu.memory_space<vmem>>
      %dma_start3A_138 = tpu.memref_squeeze %dma_start3A_137 : memref<1x64x2x64xi32, #tpu.memory_space<vmem>> -> memref<64x2x64xi32, #tpu.memory_space<vmem>>
      %dma_start3A_139 = arith.constant 0 : i32
      %dma_start3A_140 = arith.constant 0 : i32
      %dma_start3A_141 = tpu.memref_slice %arg6[%mul3A_124, %dma_start3A_139, %dma_start3A_140] : memref<160000x2x64xi32, #tpu.memory_space<hbm>> -> memref<64x2x64xi32, #tpu.memory_space<hbm>>
      tpu.enqueue_dma source(%dma_start3A_141 : memref<64x2x64xi32, #tpu.memory_space<hbm>>) target(%dma_start3A_138 : memref<64x2x64xi32, #tpu.memory_space<vmem>>) target_semaphore(%arg13 : memref<!tpu.dma_semaphore, #tpu.memory_space<semaphore_mem>>)
      %dma_wait3A_142 = arith.constant 0 : i32
      %dma_wait3A_143 = arith.constant 0 : i32
      %dma_wait3A_144 = arith.constant 0 : i32
      %dma_wait3A_145 = arith.constant 0 : i32
      %dma_wait3A_146 = tpu.memref_slice %arg10[%dma_wait3A_143, %dma_wait3A_144, %dma_wait3A_145] : memref<2x128x128xf32, #tpu.memory_space<vmem>> -> memref<1x128x128xf32, #tpu.memory_space<vmem>>
      %dma_wait3A_147 = tpu.memref_squeeze %dma_wait3A_146 : memref<1x128x128xf32, #tpu.memory_space<vmem>> -> memref<128x128xf32, #tpu.memory_space<vmem>>
      %dma_wait3A_148 = arith.constant 0 : i32
      %dma_wait3A_149 = tpu.memref_slice %arg8[%dma_wait3A_142, %dma_wait3A_148] : memref<2x128xi32, #tpu.memory_space<vmem>> -> memref<1x128xi32, #tpu.memory_space<vmem>>
      %dma_wait3A_150 = tpu.memref_squeeze %dma_wait3A_149 : memref<1x128xi32, #tpu.memory_space<vmem>> -> memref<128xi32, #tpu.memory_space<vmem>>
      %dma_wait3A_151 = arith.constant 0 : i32
      %dma_wait3A_152 = arith.constant 0 : i32
      %dma_wait3A_153 = tpu.memref_slice %arg4[%dma_wait3A_151, %dma_wait3A_152] : memref<10000x128xf32, #tpu.memory_space<hbm>> -> memref<10000x128xf32, #tpu.memory_space<hbm>>
      tpu.wait_indirect_dma semaphore(%arg13 : memref<!tpu.dma_semaphore, #tpu.memory_space<semaphore_mem>>) src(%dma_wait3A_153 : memref<10000x128xf32, #tpu.memory_space<hbm>>) dst(%dma_wait3A_147 : memref<128x128xf32, #tpu.memory_space<vmem>>)
      %dma_wait3A_154 = arith.constant 0 : i32
      %dma_wait3A_155 = arith.constant 0 : i32
      %dma_wait3A_156 = arith.constant 0 : i32
      %dma_wait3A_157 = arith.constant 0 : i32
      %dma_wait3A_158 = tpu.memref_slice %arg11[%dma_wait3A_155, %dma_wait3A_156, %dma_wait3A_157] : memref<2x128x128xf32, #tpu.memory_space<vmem>> -> memref<1x128x128xf32, #tpu.memory_space<vmem>>
      %dma_wait3A_159 = tpu.memref_squeeze %dma_wait3A_158 : memref<1x128x128xf32, #tpu.memory_space<vmem>> -> memref<128x128xf32, #tpu.memory_space<vmem>>
      %dma_wait3A_160 = arith.constant 0 : i32
      %dma_wait3A_161 = tpu.memref_slice %arg9[%dma_wait3A_154, %dma_wait3A_160] : memref<2x128xi32, #tpu.memory_space<vmem>> -> memref<1x128xi32, #tpu.memory_space<vmem>>
      %dma_wait3A_162 = tpu.memref_squeeze %dma_wait3A_161 : memref<1x128xi32, #tpu.memory_space<vmem>> -> memref<128xi32, #tpu.memory_space<vmem>>
      %dma_wait3A_163 = arith.constant 0 : i32
      %dma_wait3A_164 = arith.constant 0 : i32
      %dma_wait3A_165 = tpu.memref_slice %arg5[%dma_wait3A_163, %dma_wait3A_164] : memref<10000x128xf32, #tpu.memory_space<hbm>> -> memref<10000x128xf32, #tpu.memory_space<hbm>>
      tpu.wait_indirect_dma semaphore(%arg13 : memref<!tpu.dma_semaphore, #tpu.memory_space<semaphore_mem>>) src(%dma_wait3A_165 : memref<10000x128xf32, #tpu.memory_space<hbm>>) dst(%dma_wait3A_159 : memref<128x128xf32, #tpu.memory_space<vmem>>)
      %mul3A_166 = arith.constant 64 : i32
      %mul3A_167 = arith.muli %add3A_94, %mul3A_166 : i32
      %dma_wait3A_168 = arith.constant 0 : i32
      %dma_wait3A_169 = arith.constant 0 : i32
      %dma_wait3A_170 = arith.constant 0 : i32
      %dma_wait3A_171 = arith.constant 0 : i32
      %dma_wait3A_172 = tpu.memref_slice %arg12[%dma_wait3A_168, %dma_wait3A_169, %dma_wait3A_170, %dma_wait3A_171] : memref<2x64x2x64xi32, #tpu.memory_space<vmem>> -> memref<1x64x2x64xi32, #tpu.memory_space<vmem>>
      %dma_wait3A_173 = tpu.memref_squeeze %dma_wait3A_172 : memref<1x64x2x64xi32, #tpu.memory_space<vmem>> -> memref<64x2x64xi32, #tpu.memory_space<vmem>>
      %dma_wait3A_174 = arith.constant 0 : i32
      %dma_wait3A_175 = arith.constant 0 : i32
      %dma_wait3A_176 = tpu.memref_slice %arg6[%mul3A_167, %dma_wait3A_174, %dma_wait3A_175] : memref<160000x2x64xi32, #tpu.memory_space<hbm>> -> memref<64x2x64xi32, #tpu.memory_space<hbm>>
      %dma_wait3A_177 = arith.constant 0 : i32
      %dma_wait3A_178 = arith.constant 0 : i32
      %dma_wait3A_179 = arith.constant 0 : i32
      %dma_wait3A_180 = tpu.memref_slice %arg12[%dma_wait3A_168, %dma_wait3A_177, %dma_wait3A_178, %dma_wait3A_179] : memref<2x64x2x64xi32, #tpu.memory_space<vmem>> -> memref<1x64x2x64xi32, #tpu.memory_space<vmem>>
      %dma_wait3A_181 = tpu.memref_squeeze %dma_wait3A_180 : memref<1x64x2x64xi32, #tpu.memory_space<vmem>> -> memref<64x2x64xi32, #tpu.memory_space<vmem>>
      %dma_wait3A_182 = arith.constant 0 : i32
      %dma_wait3A_183 = arith.constant 0 : i32
      %dma_wait3A_184 = tpu.memref_slice %arg6[%mul3A_167, %dma_wait3A_182, %dma_wait3A_183] : memref<160000x2x64xi32, #tpu.memory_space<hbm>> -> memref<64x2x64xi32, #tpu.memory_space<hbm>>
      tpu.wait_dma2 semaphore(%arg13 : memref<!tpu.dma_semaphore, #tpu.memory_space<semaphore_mem>>) src(%dma_wait3A_184 : memref<64x2x64xi32, #tpu.memory_space<hbm>>) dst(%dma_wait3A_181 : memref<64x2x64xi32, #tpu.memory_space<vmem>>)
      %scan3A_185 = arith.constant 0 : i32
      %scan3A_186 = arith.constant 0 : i32
      %scan3A_187 = arith.constant 64 : i32
      %scan3A_188 = arith.addi %scan3A_186, %scan3A_187 : i32
      %scan3A_189 = arith.constant 1 : i32
      scf.for %scan3A_221 = %scan3A_186 to %scan3A_188 step %scan3A_189  : i32 {
        %mul3A_222 = arith.constant 2 : i32
        %mul3A_223 = arith.muli %scan3A_221, %mul3A_222 : i32
        %add3A_224 = arith.constant 0 : i32
        %add3A_225 = arith.addi %mul3A_223, %add3A_224 : i32
        %get3A = arith.constant 0 : i32
        %get3A_226 = arith.constant 0 : i32
        %get3A_227 = arith.index_cast %get3A : i32 to index
        %get3A_228 = arith.index_cast %scan3A_221 : i32 to index
        %get3A_229 = arith.index_cast %get3A_226 : i32 to index
        %get3A_230 = arith.constant 0 : index
        %get3A_231 = tpu.vector_load %arg12[%get3A_227, %get3A_228, %get3A_229, %get3A_230] {strides = array<i32>} : memref<2x64x2x64xi32, #tpu.memory_space<vmem>>, vector<1x1x1x16xi32>,
        %get3A_232 = vector.shape_cast %get3A_231 : vector<1x1x1x16xi32> to vector<16xi32>
        %shift_left3A = arith.constant 16 : i32
        %shift_left3A_233 = vector.broadcast %shift_left3A : i32 to vector<16xi32>
        %shift_left3A_234 = arith.shli %get3A_232, %shift_left3A_233 : vector<16xi32>
        %bitcast_convert_type3A = tpu.bitcast %shift_left3A_234 : vector<16xi32> -> vector<16xf32>
        %and3A = arith.constant -65536 : i32
        %and3A_235 = vector.broadcast %and3A : i32 to vector<16xi32>
        %and3A_236 = arith.andi %get3A_232, %and3A_235 : vector<16xi32>
        %bitcast_convert_type3A_237 = tpu.bitcast %and3A_236 : vector<16xi32> -> vector<16xf32>
        %get3A_238 = arith.constant 0 : i32
        %get3A_239 = arith.index_cast %get3A_238 : i32 to index
        %get3A_240 = arith.index_cast %add3A_225 : i32 to index
        %get3A_241 = arith.constant 0 : index
        %get3A_242 = tpu.vector_load %arg11[%get3A_239, %get3A_240, %get3A_241] {strides = array<i32>} : memref<2x128x128xf32, #tpu.memory_space<vmem>>, vector<1x1x16xf32>,
        %get3A_243 = vector.shape_cast %get3A_242 : vector<1x1x16xf32> to vector<16xf32>
        %add3A_244 = arith.addf %get3A_243, %bitcast_convert_type3A : vector<16xf32>
        %swap3A = arith.constant 0 : i32
        %swap3A_245 = arith.index_cast %swap3A : i32 to index
        %swap3A_246 = arith.index_cast %add3A_225 : i32 to index
        %swap3A_247 = arith.constant 0 : index
        %swap3A_248 = tpu.vector_load %arg10[%swap3A_245, %swap3A_246, %swap3A_247] {strides = array<i32>} : memref<2x128x128xf32, #tpu.memory_space<vmem>>, vector<1x1x16xf32>,
        %swap3A_249 = vector.shape_cast %swap3A_248 : vector<1x1x16xf32> to vector<16xf32>
        %swap3A_250 = vector.shape_cast %add3A_244 : vector<16xf32> to vector<1x1x16xf32>
        tpu.vector_store %arg10[%swap3A_245, %swap3A_246, %swap3A_247], %swap3A_250 {add = true, strides = array<i32>} : memref<2x128x128xf32, #tpu.memory_space<vmem>>, vector<1x1x16xf32>,
        %get3A_251 = arith.constant 0 : i32
        %get3A_252 = arith.index_cast %get3A_251 : i32 to index
        %get3A_253 = arith.index_cast %add3A_225 : i32 to index
        %get3A_254 = arith.constant 16 : index
        %get3A_255 = tpu.vector_load %arg11[%get3A_252, %get3A_253, %get3A_254] {strides = array<i32>} : memref<2x128x128xf32, #tpu.memory_space<vmem>>, vector<1x1x16xf32>,
        %get3A_256 = vector.shape_cast %get3A_255 : vector<1x1x16xf32> to vector<16xf32>
        %add3A_257 = arith.addf %get3A_256, %bitcast_convert_type3A_237 : vector<16xf32>
        %swap3A_258 = arith.constant 0 : i32
        %swap3A_259 = arith.index_cast %swap3A_258 : i32 to index
        %swap3A_260 = arith.index_cast %add3A_225 : i32 to index
        %swap3A_261 = arith.constant 16 : index
        %swap3A_262 = tpu.vector_load %arg10[%swap3A_259, %swap3A_260, %swap3A_261] {strides = array<i32>} : memref<2x128x128xf32, #tpu.memory_space<vmem>>, vector<1x1x16xf32>,
        %swap3A_263 = vector.shape_cast %swap3A_262 : vector<1x1x16xf32> to vector<16xf32>
        %swap3A_264 = vector.shape_cast %add3A_257 : vector<16xf32> to vector<1x1x16xf32>
        tpu.vector_store %arg10[%swap3A_259, %swap3A_260, %swap3A_261], %swap3A_264 {add = true, strides = array<i32>} : memref<2x128x128xf32, #tpu.memory_space<vmem>>, vector<1x1x16xf32>,
        %get3A_265 = arith.constant 0 : i32
        %get3A_266 = arith.constant 0 : i32
        %get3A_267 = arith.index_cast %get3A_265 : i32 to index
        %get3A_268 = arith.index_cast %scan3A_221 : i32 to index
        %get3A_269 = arith.index_cast %get3A_266 : i32 to index
        %get3A_270 = arith.constant 16 : index
        %get3A_271 = tpu.vector_load %arg12[%get3A_267, %get3A_268, %get3A_269, %get3A_270] {strides = array<i32>} : memref<2x64x2x64xi32, #tpu.memory_space<vmem>>, vector<1x1x1x16xi32>,
        %get3A_272 = vector.shape_cast %get3A_271 : vector<1x1x1x16xi32> to vector<16xi32>
        %shift_left3A_273 = arith.constant 16 : i32
        %shift_left3A_274 = vector.broadcast %shift_left3A_273 : i32 to vector<16xi32>
        %shift_left3A_275 = arith.shli %get3A_272, %shift_left3A_274 : vector<16xi32>
        %bitcast_convert_type3A_276 = tpu.bitcast %shift_left3A_275 : vector<16xi32> -> vector<16xf32>
        %and3A_277 = arith.constant -65536 : i32
        %and3A_278 = vector.broadcast %and3A_277 : i32 to vector<16xi32>
        %and3A_279 = arith.andi %get3A_272, %and3A_278 : vector<16xi32>
        %bitcast_convert_type3A_280 = tpu.bitcast %and3A_279 : vector<16xi32> -> vector<16xf32>
        %get3A_281 = arith.constant 0 : i32
        %get3A_282 = arith.index_cast %get3A_281 : i32 to index
        %get3A_283 = arith.index_cast %add3A_225 : i32 to index
        %get3A_284 = arith.constant 32 : index
        %get3A_285 = tpu.vector_load %arg11[%get3A_282, %get3A_283, %get3A_284] {strides = array<i32>} : memref<2x128x128xf32, #tpu.memory_space<vmem>>, vector<1x1x16xf32>,
        %get3A_286 = vector.shape_cast %get3A_285 : vector<1x1x16xf32> to vector<16xf32>
        %add3A_287 = arith.addf %get3A_286, %bitcast_convert_type3A_276 : vector<16xf32>
        %swap3A_288 = arith.constant 0 : i32
        %swap3A_289 = arith.index_cast %swap3A_288 : i32 to index
        %swap3A_290 = arith.index_cast %add3A_225 : i32 to index
        %swap3A_291 = arith.constant 32 : index
        %swap3A_292 = tpu.vector_load %arg10[%swap3A_289, %swap3A_290, %swap3A_291] {strides = array<i32>} : memref<2x128x128xf32, #tpu.memory_space<vmem>>, vector<1x1x16xf32>,
        %swap3A_293 = vector.shape_cast %swap3A_292 : vector<1x1x16xf32> to vector<16xf32>
        %swap3A_294 = vector.shape_cast %add3A_287 : vector<16xf32> to vector<1x1x16xf32>
        tpu.vector_store %arg10[%swap3A_289, %swap3A_290, %swap3A_291], %swap3A_294 {add = true, strides = array<i32>} : memref<2x128x128xf32, #tpu.memory_space<vmem>>, vector<1x1x16xf32>,
        %get3A_295 = arith.constant 0 : i32
        %get3A_296 = arith.index_cast %get3A_295 : i32 to index
        %get3A_297 = arith.index_cast %add3A_225 : i32 to index
        %get3A_298 = arith.constant 48 : index
        %get3A_299 = tpu.vector_load %arg11[%get3A_296, %get3A_297, %get3A_298] {strides = array<i32>} : memref<2x128x128xf32, #tpu.memory_space<vmem>>, vector<1x1x16xf32>,
        %get3A_300 = vector.shape_cast %get3A_299 : vector<1x1x16xf32> to vector<16xf32>
        %add3A_301 = arith.addf %get3A_300, %bitcast_convert_type3A_280 : vector<16xf32>
        %swap3A_302 = arith.constant 0 : i32
        %swap3A_303 = arith.index_cast %swap3A_302 : i32 to index
        %swap3A_304 = arith.index_cast %add3A_225 : i32 to index
        %swap3A_305 = arith.constant 48 : index
        %swap3A_306 = tpu.vector_load %arg10[%swap3A_303, %swap3A_304, %swap3A_305] {strides = array<i32>} : memref<2x128x128xf32, #tpu.memory_space<vmem>>, vector<1x1x16xf32>,
        %swap3A_307 = vector.shape_cast %swap3A_306 : vector<1x1x16xf32> to vector<16xf32>
        %swap3A_308 = vector.shape_cast %add3A_301 : vector<16xf32> to vector<1x1x16xf32>
        tpu.vector_store %arg10[%swap3A_303, %swap3A_304, %swap3A_305], %swap3A_308 {add = true, strides = array<i32>} : memref<2x128x128xf32, #tpu.memory_space<vmem>>, vector<1x1x16xf32>,
        %get3A_309 = arith.constant 0 : i32
        %get3A_310 = arith.constant 0 : i32
        %get3A_311 = arith.index_cast %get3A_309 : i32 to index
        %get3A_312 = arith.index_cast %scan3A_221 : i32 to index
        %get3A_313 = arith.index_cast %get3A_310 : i32 to index
        %get3A_314 = arith.constant 32 : index
        %get3A_315 = tpu.vector_load %arg12[%get3A_311, %get3A_312, %get3A_313, %get3A_314] {strides = array<i32>} : memref<2x64x2x64xi32, #tpu.memory_space<vmem>>, vector<1x1x1x16xi32>,
        %get3A_316 = vector.shape_cast %get3A_315 : vector<1x1x1x16xi32> to vector<16xi32>
        %shift_left3A_317 = arith.constant 16 : i32
        %shift_left3A_318 = vector.broadcast %shift_left3A_317 : i32 to vector<16xi32>
        %shift_left3A_319 = arith.shli %get3A_316, %shift_left3A_318 : vector<16xi32>
        %bitcast_convert_type3A_320 = tpu.bitcast %shift_left3A_319 : vector<16xi32> -> vector<16xf32>
        %and3A_321 = arith.constant -65536 : i32
        %and3A_322 = vector.broadcast %and3A_321 : i32 to vector<16xi32>
        %and3A_323 = arith.andi %get3A_316, %and3A_322 : vector<16xi32>
        %bitcast_convert_type3A_324 = tpu.bitcast %and3A_323 : vector<16xi32> -> vector<16xf32>
        %get3A_325 = arith.constant 0 : i32
        %get3A_326 = arith.index_cast %get3A_325 : i32 to index
        %get3A_327 = arith.index_cast %add3A_225 : i32 to index
        %get3A_328 = arith.constant 64 : index
        %get3A_329 = tpu.vector_load %arg11[%get3A_326, %get3A_327, %get3A_328] {strides = array<i32>} : memref<2x128x128xf32, #tpu.memory_space<vmem>>, vector<1x1x16xf32>,
        %get3A_330 = vector.shape_cast %get3A_329 : vector<1x1x16xf32> to vector<16xf32>
        %add3A_331 = arith.addf %get3A_330, %bitcast_convert_type3A_320 : vector<16xf32>
        %swap3A_332 = arith.constant 0 : i32
        %swap3A_333 = arith.index_cast %swap3A_332 : i32 to index
        %swap3A_334 = arith.index_cast %add3A_225 : i32 to index
        %swap3A_335 = arith.constant 64 : index
        %swap3A_336 = tpu.vector_load %arg10[%swap3A_333, %swap3A_334, %swap3A_335] {strides = array<i32>} : memref<2x128x128xf32, #tpu.memory_space<vmem>>, vector<1x1x16xf32>,
        %swap3A_337 = vector.shape_cast %swap3A_336 : vector<1x1x16xf32> to vector<16xf32>
        %swap3A_338 = vector.shape_cast %add3A_331 : vector<16xf32> to vector<1x1x16xf32>
        tpu.vector_store %arg10[%swap3A_333, %swap3A_334, %swap3A_335], %swap3A_338 {add = true, strides = array<i32>} : memref<2x128x128xf32, #tpu.memory_space<vmem>>, vector<1x1x16xf32>,
        %get3A_339 = arith.constant 0 : i32
        %get3A_340 = arith.index_cast %get3A_339 : i32 to index
        %get3A_341 = arith.index_cast %add3A_225 : i32 to index
        %get3A_342 = arith.constant 80 : index
        %get3A_343 = tpu.vector_load %arg11[%get3A_340, %get3A_341, %get3A_342] {strides = array<i32>} : memref<2x128x128xf32, #tpu.memory_space<vmem>>, vector<1x1x16xf32>,
        %get3A_344 = vector.shape_cast %get3A_343 : vector<1x1x16xf32> to vector<16xf32>
        %add3A_345 = arith.addf %get3A_344, %bitcast_convert_type3A_324 : vector<16xf32>
        %swap3A_346 = arith.constant 0 : i32
        %swap3A_347 = arith.index_cast %swap3A_346 : i32 to index
        %swap3A_348 = arith.index_cast %add3A_225 : i32 to index
        %swap3A_349 = arith.constant 80 : index
        %swap3A_350 = tpu.vector_load %arg10[%swap3A_347, %swap3A_348, %swap3A_349] {strides = array<i32>} : memref<2x128x128xf32, #tpu.memory_space<vmem>>, vector<1x1x16xf32>,
        %swap3A_351 = vector.shape_cast %swap3A_350 : vector<1x1x16xf32> to vector<16xf32>
        %swap3A_352 = vector.shape_cast %add3A_345 : vector<16xf32> to vector<1x1x16xf32>
        tpu.vector_store %arg10[%swap3A_347, %swap3A_348, %swap3A_349], %swap3A_352 {add = true, strides = array<i32>} : memref<2x128x128xf32, #tpu.memory_space<vmem>>, vector<1x1x16xf32>,
        %get3A_353 = arith.constant 0 : i32
        %get3A_354 = arith.constant 0 : i32
        %get3A_355 = arith.index_cast %get3A_353 : i32 to index
        %get3A_356 = arith.index_cast %scan3A_221 : i32 to index
        %get3A_357 = arith.index_cast %get3A_354 : i32 to index
        %get3A_358 = arith.constant 48 : index
        %get3A_359 = tpu.vector_load %arg12[%get3A_355, %get3A_356, %get3A_357, %get3A_358] {strides = array<i32>} : memref<2x64x2x64xi32, #tpu.memory_space<vmem>>, vector<1x1x1x16xi32>,
        %get3A_360 = vector.shape_cast %get3A_359 : vector<1x1x1x16xi32> to vector<16xi32>
        %shift_left3A_361 = arith.constant 16 : i32
        %shift_left3A_362 = vector.broadcast %shift_left3A_361 : i32 to vector<16xi32>
        %shift_left3A_363 = arith.shli %get3A_360, %shift_left3A_362 : vector<16xi32>
        %bitcast_convert_type3A_364 = tpu.bitcast %shift_left3A_363 : vector<16xi32> -> vector<16xf32>
        %and3A_365 = arith.constant -65536 : i32
        %and3A_366 = vector.broadcast %and3A_365 : i32 to vector<16xi32>
        %and3A_367 = arith.andi %get3A_360, %and3A_366 : vector<16xi32>
        %bitcast_convert_type3A_368 = tpu.bitcast %and3A_367 : vector<16xi32> -> vector<16xf32>
        %get3A_369 = arith.constant 0 : i32
        %get3A_370 = arith.index_cast %get3A_369 : i32 to index
        %get3A_371 = arith.index_cast %add3A_225 : i32 to index
        %get3A_372 = arith.constant 96 : index
        %get3A_373 = tpu.vector_load %arg11[%get3A_370, %get3A_371, %get3A_372] {strides = array<i32>} : memref<2x128x128xf32, #tpu.memory_space<vmem>>, vector<1x1x16xf32>,
        %get3A_374 = vector.shape_cast %get3A_373 : vector<1x1x16xf32> to vector<16xf32>
        %add3A_375 = arith.addf %get3A_374, %bitcast_convert_type3A_364 : vector<16xf32>
        %swap3A_376 = arith.constant 0 : i32
        %swap3A_377 = arith.index_cast %swap3A_376 : i32 to index
        %swap3A_378 = arith.index_cast %add3A_225 : i32 to index
        %swap3A_379 = arith.constant 96 : index
        %swap3A_380 = tpu.vector_load %arg10[%swap3A_377, %swap3A_378, %swap3A_379] {strides = array<i32>} : memref<2x128x128xf32, #tpu.memory_space<vmem>>, vector<1x1x16xf32>,
        %swap3A_381 = vector.shape_cast %swap3A_380 : vector<1x1x16xf32> to vector<16xf32>
        %swap3A_382 = vector.shape_cast %add3A_375 : vector<16xf32> to vector<1x1x16xf32>
        tpu.vector_store %arg10[%swap3A_377, %swap3A_378, %swap3A_379], %swap3A_382 {add = true, strides = array<i32>} : memref<2x128x128xf32, #tpu.memory_space<vmem>>, vector<1x1x16xf32>,
        %get3A_383 = arith.constant 0 : i32
        %get3A_384 = arith.index_cast %get3A_383 : i32 to index
        %get3A_385 = arith.index_cast %add3A_225 : i32 to index
        %get3A_386 = arith.constant 112 : index
        %get3A_387 = tpu.vector_load %arg11[%get3A_384, %get3A_385, %get3A_386] {strides = array<i32>} : memref<2x128x128xf32, #tpu.memory_space<vmem>>, vector<1x1x16xf32>,
        %get3A_388 = vector.shape_cast %get3A_387 : vector<1x1x16xf32> to vector<16xf32>
        %add3A_389 = arith.addf %get3A_388, %bitcast_convert_type3A_368 : vector<16xf32>
        %swap3A_390 = arith.constant 0 : i32
        %swap3A_391 = arith.index_cast %swap3A_390 : i32 to index
        %swap3A_392 = arith.index_cast %add3A_225 : i32 to index
        %swap3A_393 = arith.constant 112 : index
        %swap3A_394 = tpu.vector_load %arg10[%swap3A_391, %swap3A_392, %swap3A_393] {strides = array<i32>} : memref<2x128x128xf32, #tpu.memory_space<vmem>>, vector<1x1x16xf32>,
        %swap3A_395 = vector.shape_cast %swap3A_394 : vector<1x1x16xf32> to vector<16xf32>
        %swap3A_396 = vector.shape_cast %add3A_389 : vector<16xf32> to vector<1x1x16xf32>
        tpu.vector_store %arg10[%swap3A_391, %swap3A_392, %swap3A_393], %swap3A_396 {add = true, strides = array<i32>} : memref<2x128x128xf32, #tpu.memory_space<vmem>>, vector<1x1x16xf32>,
        %mul3A_397 = arith.constant 2 : i32
        %mul3A_398 = arith.muli %scan3A_221, %mul3A_397 : i32
        %add3A_399 = arith.constant 1 : i32
        %add3A_400 = arith.addi %mul3A_398, %add3A_399 : i32
        %get3A_401 = arith.constant 0 : i32
        %get3A_402 = arith.constant 1 : i32
        %get3A_403 = arith.index_cast %get3A_401 : i32 to index
        %get3A_404 = arith.index_cast %scan3A_221 : i32 to index
        %get3A_405 = arith.index_cast %get3A_402 : i32 to index
        %get3A_406 = arith.constant 0 : index
        %get3A_407 = tpu.vector_load %arg12[%get3A_403, %get3A_404, %get3A_405, %get3A_406] {strides = array<i32>} : memref<2x64x2x64xi32, #tpu.memory_space<vmem>>, vector<1x1x1x16xi32>,
        %get3A_408 = vector.shape_cast %get3A_407 : vector<1x1x1x16xi32> to vector<16xi32>
        %shift_left3A_409 = arith.constant 16 : i32
        %shift_left3A_410 = vector.broadcast %shift_left3A_409 : i32 to vector<16xi32>
        %shift_left3A_411 = arith.shli %get3A_408, %shift_left3A_410 : vector<16xi32>
        %bitcast_convert_type3A_412 = tpu.bitcast %shift_left3A_411 : vector<16xi32> -> vector<16xf32>
        %and3A_413 = arith.constant -65536 : i32
        %and3A_414 = vector.broadcast %and3A_413 : i32 to vector<16xi32>
        %and3A_415 = arith.andi %get3A_408, %and3A_414 : vector<16xi32>
        %bitcast_convert_type3A_416 = tpu.bitcast %and3A_415 : vector<16xi32> -> vector<16xf32>
        %get3A_417 = arith.constant 0 : i32
        %get3A_418 = arith.index_cast %get3A_417 : i32 to index
        %get3A_419 = arith.index_cast %add3A_400 : i32 to index
        %get3A_420 = arith.constant 0 : index
        %get3A_421 = tpu.vector_load %arg11[%get3A_418, %get3A_419, %get3A_420] {strides = array<i32>} : memref<2x128x128xf32, #tpu.memory_space<vmem>>, vector<1x1x16xf32>,
        %get3A_422 = vector.shape_cast %get3A_421 : vector<1x1x16xf32> to vector<16xf32>
        %add3A_423 = arith.addf %get3A_422, %bitcast_convert_type3A_412 : vector<16xf32>
        %swap3A_424 = arith.constant 0 : i32
        %swap3A_425 = arith.index_cast %swap3A_424 : i32 to index
        %swap3A_426 = arith.index_cast %add3A_400 : i32 to index
        %swap3A_427 = arith.constant 0 : index
        %swap3A_428 = tpu.vector_load %arg10[%swap3A_425, %swap3A_426, %swap3A_427] {strides = array<i32>} : memref<2x128x128xf32, #tpu.memory_space<vmem>>, vector<1x1x16xf32>,
        %swap3A_429 = vector.shape_cast %swap3A_428 : vector<1x1x16xf32> to vector<16xf32>
        %swap3A_430 = vector.shape_cast %add3A_423 : vector<16xf32> to vector<1x1x16xf32>
        tpu.vector_store %arg10[%swap3A_425, %swap3A_426, %swap3A_427], %swap3A_430 {add = true, strides = array<i32>} : memref<2x128x128xf32, #tpu.memory_space<vmem>>, vector<1x1x16xf32>,
        %get3A_431 = arith.constant 0 : i32
        %get3A_432 = arith.index_cast %get3A_431 : i32 to index
        %get3A_433 = arith.index_cast %add3A_400 : i32 to index
        %get3A_434 = arith.constant 16 : index
        %get3A_435 = tpu.vector_load %arg11[%get3A_432, %get3A_433, %get3A_434] {strides = array<i32>} : memref<2x128x128xf32, #tpu.memory_space<vmem>>, vector<1x1x16xf32>,
        %get3A_436 = vector.shape_cast %get3A_435 : vector<1x1x16xf32> to vector<16xf32>
        %add3A_437 = arith.addf %get3A_436, %bitcast_convert_type3A_416 : vector<16xf32>
        %swap3A_438 = arith.constant 0 : i32
        %swap3A_439 = arith.index_cast %swap3A_438 : i32 to index
        %swap3A_440 = arith.index_cast %add3A_400 : i32 to index
        %swap3A_441 = arith.constant 16 : index
        %swap3A_442 = tpu.vector_load %arg10[%swap3A_439, %swap3A_440, %swap3A_441] {strides = array<i32>} : memref<2x128x128xf32, #tpu.memory_space<vmem>>, vector<1x1x16xf32>,
        %swap3A_443 = vector.shape_cast %swap3A_442 : vector<1x1x16xf32> to vector<16xf32>
        %swap3A_444 = vector.shape_cast %add3A_437 : vector<16xf32> to vector<1x1x16xf32>
        tpu.vector_store %arg10[%swap3A_439, %swap3A_440, %swap3A_441], %swap3A_444 {add = true, strides = array<i32>} : memref<2x128x128xf32, #tpu.memory_space<vmem>>, vector<1x1x16xf32>,
        %get3A_445 = arith.constant 0 : i32
        %get3A_446 = arith.constant 1 : i32
        %get3A_447 = arith.index_cast %get3A_445 : i32 to index
        %get3A_448 = arith.index_cast %scan3A_221 : i32 to index
        %get3A_449 = arith.index_cast %get3A_446 : i32 to index
        %get3A_450 = arith.constant 16 : index
        %get3A_451 = tpu.vector_load %arg12[%get3A_447, %get3A_448, %get3A_449, %get3A_450] {strides = array<i32>} : memref<2x64x2x64xi32, #tpu.memory_space<vmem>>, vector<1x1x1x16xi32>,
        %get3A_452 = vector.shape_cast %get3A_451 : vector<1x1x1x16xi32> to vector<16xi32>
        %shift_left3A_453 = arith.constant 16 : i32
        %shift_left3A_454 = vector.broadcast %shift_left3A_453 : i32 to vector<16xi32>
        %shift_left3A_455 = arith.shli %get3A_452, %shift_left3A_454 : vector<16xi32>
        %bitcast_convert_type3A_456 = tpu.bitcast %shift_left3A_455 : vector<16xi32> -> vector<16xf32>
        %and3A_457 = arith.constant -65536 : i32
        %and3A_458 = vector.broadcast %and3A_457 : i32 to vector<16xi32>
        %and3A_459 = arith.andi %get3A_452, %and3A_458 : vector<16xi32>
        %bitcast_convert_type3A_460 = tpu.bitcast %and3A_459 : vector<16xi32> -> vector<16xf32>
        %get3A_461 = arith.constant 0 : i32
        %get3A_462 = arith.index_cast %get3A_461 : i32 to index
        %get3A_463 = arith.index_cast %add3A_400 : i32 to index
        %get3A_464 = arith.constant 32 : index
        %get3A_465 = tpu.vector_load %arg11[%get3A_462, %get3A_463, %get3A_464] {strides = array<i32>} : memref<2x128x128xf32, #tpu.memory_space<vmem>>, vector<1x1x16xf32>,
        %get3A_466 = vector.shape_cast %get3A_465 : vector<1x1x16xf32> to vector<16xf32>
        %add3A_467 = arith.addf %get3A_466, %bitcast_convert_type3A_456 : vector<16xf32>
        %swap3A_468 = arith.constant 0 : i32
        %swap3A_469 = arith.index_cast %swap3A_468 : i32 to index
        %swap3A_470 = arith.index_cast %add3A_400 : i32 to index
        %swap3A_471 = arith.constant 32 : index
        %swap3A_472 = tpu.vector_load %arg10[%swap3A_469, %swap3A_470, %swap3A_471] {strides = array<i32>} : memref<2x128x128xf32, #tpu.memory_space<vmem>>, vector<1x1x16xf32>,
        %swap3A_473 = vector.shape_cast %swap3A_472 : vector<1x1x16xf32> to vector<16xf32>
        %swap3A_474 = vector.shape_cast %add3A_467 : vector<16xf32> to vector<1x1x16xf32>
        tpu.vector_store %arg10[%swap3A_469, %swap3A_470, %swap3A_471], %swap3A_474 {add = true, strides = array<i32>} : memref<2x128x128xf32, #tpu.memory_space<vmem>>, vector<1x1x16xf32>,
        %get3A_475 = arith.constant 0 : i32
        %get3A_476 = arith.index_cast %get3A_475 : i32 to index
        %get3A_477 = arith.index_cast %add3A_400 : i32 to index
        %get3A_478 = arith.constant 48 : index
        %get3A_479 = tpu.vector_load %arg11[%get3A_476, %get3A_477, %get3A_478] {strides = array<i32>} : memref<2x128x128xf32, #tpu.memory_space<vmem>>, vector<1x1x16xf32>,
        %get3A_480 = vector.shape_cast %get3A_479 : vector<1x1x16xf32> to vector<16xf32>
        %add3A_481 = arith.addf %get3A_480, %bitcast_convert_type3A_460 : vector<16xf32>
        %swap3A_482 = arith.constant 0 : i32
        %swap3A_483 = arith.index_cast %swap3A_482 : i32 to index
        %swap3A_484 = arith.index_cast %add3A_400 : i32 to index
        %swap3A_485 = arith.constant 48 : index
        %swap3A_486 = tpu.vector_load %arg10[%swap3A_483, %swap3A_484, %swap3A_485] {strides = array<i32>} : memref<2x128x128xf32, #tpu.memory_space<vmem>>, vector<1x1x16xf32>,
        %swap3A_487 = vector.shape_cast %swap3A_486 : vector<1x1x16xf32> to vector<16xf32>
        %swap3A_488 = vector.shape_cast %add3A_481 : vector<16xf32> to vector<1x1x16xf32>
        tpu.vector_store %arg10[%swap3A_483, %swap3A_484, %swap3A_485], %swap3A_488 {add = true, strides = array<i32>} : memref<2x128x128xf32, #tpu.memory_space<vmem>>, vector<1x1x16xf32>,
        %get3A_489 = arith.constant 0 : i32
        %get3A_490 = arith.constant 1 : i32
        %get3A_491 = arith.index_cast %get3A_489 : i32 to index
        %get3A_492 = arith.index_cast %scan3A_221 : i32 to index
        %get3A_493 = arith.index_cast %get3A_490 : i32 to index
        %get3A_494 = arith.constant 32 : index
        %get3A_495 = tpu.vector_load %arg12[%get3A_491, %get3A_492, %get3A_493, %get3A_494] {strides = array<i32>} : memref<2x64x2x64xi32, #tpu.memory_space<vmem>>, vector<1x1x1x16xi32>,
        %get3A_496 = vector.shape_cast %get3A_495 : vector<1x1x1x16xi32> to vector<16xi32>
        %shift_left3A_497 = arith.constant 16 : i32
        %shift_left3A_498 = vector.broadcast %shift_left3A_497 : i32 to vector<16xi32>
        %shift_left3A_499 = arith.shli %get3A_496, %shift_left3A_498 : vector<16xi32>
        %bitcast_convert_type3A_500 = tpu.bitcast %shift_left3A_499 : vector<16xi32> -> vector<16xf32>
        %and3A_501 = arith.constant -65536 : i32
        %and3A_502 = vector.broadcast %and3A_501 : i32 to vector<16xi32>
        %and3A_503 = arith.andi %get3A_496, %and3A_502 : vector<16xi32>
        %bitcast_convert_type3A_504 = tpu.bitcast %and3A_503 : vector<16xi32> -> vector<16xf32>
        %get3A_505 = arith.constant 0 : i32
        %get3A_506 = arith.index_cast %get3A_505 : i32 to index
        %get3A_507 = arith.index_cast %add3A_400 : i32 to index
        %get3A_508 = arith.constant 64 : index
        %get3A_509 = tpu.vector_load %arg11[%get3A_506, %get3A_507, %get3A_508] {strides = array<i32>} : memref<2x128x128xf32, #tpu.memory_space<vmem>>, vector<1x1x16xf32>,
        %get3A_510 = vector.shape_cast %get3A_509 : vector<1x1x16xf32> to vector<16xf32>
        %add3A_511 = arith.addf %get3A_510, %bitcast_convert_type3A_500 : vector<16xf32>
        %swap3A_512 = arith.constant 0 : i32
        %swap3A_513 = arith.index_cast %swap3A_512 : i32 to index
        %swap3A_514 = arith.index_cast %add3A_400 : i32 to index
        %swap3A_515 = arith.constant 64 : index
        %swap3A_516 = tpu.vector_load %arg10[%swap3A_513, %swap3A_514, %swap3A_515] {strides = array<i32>} : memref<2x128x128xf32, #tpu.memory_space<vmem>>, vector<1x1x16xf32>,
        %swap3A_517 = vector.shape_cast %swap3A_516 : vector<1x1x16xf32> to vector<16xf32>
        %swap3A_518 = vector.shape_cast %add3A_511 : vector<16xf32> to vector<1x1x16xf32>
        tpu.vector_store %arg10[%swap3A_513, %swap3A_514, %swap3A_515], %swap3A_518 {add = true, strides = array<i32>} : memref<2x128x128xf32, #tpu.memory_space<vmem>>, vector<1x1x16xf32>,
        %get3A_519 = arith.constant 0 : i32
        %get3A_520 = arith.index_cast %get3A_519 : i32 to index
        %get3A_521 = arith.index_cast %add3A_400 : i32 to index
        %get3A_522 = arith.constant 80 : index
        %get3A_523 = tpu.vector_load %arg11[%get3A_520, %get3A_521, %get3A_522] {strides = array<i32>} : memref<2x128x128xf32, #tpu.memory_space<vmem>>, vector<1x1x16xf32>,
        %get3A_524 = vector.shape_cast %get3A_523 : vector<1x1x16xf32> to vector<16xf32>
        %add3A_525 = arith.addf %get3A_524, %bitcast_convert_type3A_504 : vector<16xf32>
        %swap3A_526 = arith.constant 0 : i32
        %swap3A_527 = arith.index_cast %swap3A_526 : i32 to index
        %swap3A_528 = arith.index_cast %add3A_400 : i32 to index
        %swap3A_529 = arith.constant 80 : index
        %swap3A_530 = tpu.vector_load %arg10[%swap3A_527, %swap3A_528, %swap3A_529] {strides = array<i32>} : memref<2x128x128xf32, #tpu.memory_space<vmem>>, vector<1x1x16xf32>,
        %swap3A_531 = vector.shape_cast %swap3A_530 : vector<1x1x16xf32> to vector<16xf32>
        %swap3A_532 = vector.shape_cast %add3A_525 : vector<16xf32> to vector<1x1x16xf32>
        tpu.vector_store %arg10[%swap3A_527, %swap3A_528, %swap3A_529], %swap3A_532 {add = true, strides = array<i32>} : memref<2x128x128xf32, #tpu.memory_space<vmem>>, vector<1x1x16xf32>,
        %get3A_533 = arith.constant 0 : i32
        %get3A_534 = arith.constant 1 : i32
        %get3A_535 = arith.index_cast %get3A_533 : i32 to index
        %get3A_536 = arith.index_cast %scan3A_221 : i32 to index
        %get3A_537 = arith.index_cast %get3A_534 : i32 to index
        %get3A_538 = arith.constant 48 : index
        %get3A_539 = tpu.vector_load %arg12[%get3A_535, %get3A_536, %get3A_537, %get3A_538] {strides = array<i32>} : memref<2x64x2x64xi32, #tpu.memory_space<vmem>>, vector<1x1x1x16xi32>,
        %get3A_540 = vector.shape_cast %get3A_539 : vector<1x1x1x16xi32> to vector<16xi32>
        %shift_left3A_541 = arith.constant 16 : i32
        %shift_left3A_542 = vector.broadcast %shift_left3A_541 : i32 to vector<16xi32>
        %shift_left3A_543 = arith.shli %get3A_540, %shift_left3A_542 : vector<16xi32>
        %bitcast_convert_type3A_544 = tpu.bitcast %shift_left3A_543 : vector<16xi32> -> vector<16xf32>
        %and3A_545 = arith.constant -65536 : i32
        %and3A_546 = vector.broadcast %and3A_545 : i32 to vector<16xi32>
        %and3A_547 = arith.andi %get3A_540, %and3A_546 : vector<16xi32>
        %bitcast_convert_type3A_548 = tpu.bitcast %and3A_547 : vector<16xi32> -> vector<16xf32>
        %get3A_549 = arith.constant 0 : i32
        %get3A_550 = arith.index_cast %get3A_549 : i32 to index
        %get3A_551 = arith.index_cast %add3A_400 : i32 to index
        %get3A_552 = arith.constant 96 : index
        %get3A_553 = tpu.vector_load %arg11[%get3A_550, %get3A_551, %get3A_552] {strides = array<i32>} : memref<2x128x128xf32, #tpu.memory_space<vmem>>, vector<1x1x16xf32>,
        %get3A_554 = vector.shape_cast %get3A_553 : vector<1x1x16xf32> to vector<16xf32>
        %add3A_555 = arith.addf %get3A_554, %bitcast_convert_type3A_544 : vector<16xf32>
        %swap3A_556 = arith.constant 0 : i32
        %swap3A_557 = arith.index_cast %swap3A_556 : i32 to index
        %swap3A_558 = arith.index_cast %add3A_400 : i32 to index
        %swap3A_559 = arith.constant 96 : index
        %swap3A_560 = tpu.vector_load %arg10[%swap3A_557, %swap3A_558, %swap3A_559] {strides = array<i32>} : memref<2x128x128xf32, #tpu.memory_space<vmem>>, vector<1x1x16xf32>,
        %swap3A_561 = vector.shape_cast %swap3A_560 : vector<1x1x16xf32> to vector<16xf32>
        %swap3A_562 = vector.shape_cast %add3A_555 : vector<16xf32> to vector<1x1x16xf32>
        tpu.vector_store %arg10[%swap3A_557, %swap3A_558, %swap3A_559], %swap3A_562 {add = true, strides = array<i32>} : memref<2x128x128xf32, #tpu.memory_space<vmem>>, vector<1x1x16xf32>,
        %get3A_563 = arith.constant 0 : i32
        %get3A_564 = arith.index_cast %get3A_563 : i32 to index
        %get3A_565 = arith.index_cast %add3A_400 : i32 to index
        %get3A_566 = arith.constant 112 : index
        %get3A_567 = tpu.vector_load %arg11[%get3A_564, %get3A_565, %get3A_566] {strides = array<i32>} : memref<2x128x128xf32, #tpu.memory_space<vmem>>, vector<1x1x16xf32>,
        %get3A_568 = vector.shape_cast %get3A_567 : vector<1x1x16xf32> to vector<16xf32>
        %add3A_569 = arith.addf %get3A_568, %bitcast_convert_type3A_548 : vector<16xf32>
        %swap3A_570 = arith.constant 0 : i32
        %swap3A_571 = arith.index_cast %swap3A_570 : i32 to index
        %swap3A_572 = arith.index_cast %add3A_400 : i32 to index
        %swap3A_573 = arith.constant 112 : index
        %swap3A_574 = tpu.vector_load %arg10[%swap3A_571, %swap3A_572, %swap3A_573] {strides = array<i32>} : memref<2x128x128xf32, #tpu.memory_space<vmem>>, vector<1x1x16xf32>,
        %swap3A_575 = vector.shape_cast %swap3A_574 : vector<1x1x16xf32> to vector<16xf32>
        %swap3A_576 = vector.shape_cast %add3A_569 : vector<16xf32> to vector<1x1x16xf32>
        tpu.vector_store %arg10[%swap3A_571, %swap3A_572, %swap3A_573], %swap3A_576 {add = true, strides = array<i32>} : memref<2x128x128xf32, #tpu.memory_space<vmem>>, vector<1x1x16xf32>,
      }
      %scan3A_190 = arith.constant 64 : i32
      %mul3A_191 = arith.constant 128 : i32
      %mul3A_192 = arith.muli %add3A_94, %mul3A_191 : i32
      %dma_start3A_193 = arith.constant 0 : i32
      %dma_start3A_194 = arith.constant 0 : i32
      %dma_start3A_195 = arith.constant 0 : i32
      %dma_start3A_196 = tpu.memref_slice %arg10[%dma_start3A_193, %dma_start3A_194, %dma_start3A_195] : memref<2x128x128xf32, #tpu.memory_space<vmem>> -> memref<1x128x128xf32, #tpu.memory_space<vmem>>
      %dma_start3A_197 = tpu.memref_squeeze %dma_start3A_196 : memref<1x128x128xf32, #tpu.memory_space<vmem>> -> memref<128x128xf32, #tpu.memory_space<vmem>>
      %dma_start3A_198 = arith.constant 0 : i32
      %dma_start3A_199 = tpu.memref_slice %arg7[%mul3A_192, %dma_start3A_198] : memref<320000x128xf32, #tpu.memory_space<hbm>> -> memref<128x128xf32, #tpu.memory_space<hbm>>
      %dma_start3A_200 = arith.constant 0 : i32
      %dma_start3A_201 = tpu.memref_slice %arg7[%mul3A_192, %dma_start3A_200] : memref<320000x128xf32, #tpu.memory_space<hbm>> -> memref<128x128xf32, #tpu.memory_space<hbm>>
      %dma_start3A_202 = arith.constant 0 : i32
      %dma_start3A_203 = arith.constant 0 : i32
      %dma_start3A_204 = tpu.memref_slice %arg10[%dma_start3A_193, %dma_start3A_202, %dma_start3A_203] : memref<2x128x128xf32, #tpu.memory_space<vmem>> -> memref<1x128x128xf32, #tpu.memory_space<vmem>>
      %dma_start3A_205 = tpu.memref_squeeze %dma_start3A_204 : memref<1x128x128xf32, #tpu.memory_space<vmem>> -> memref<128x128xf32, #tpu.memory_space<vmem>>
      tpu.enqueue_dma source(%dma_start3A_205 : memref<128x128xf32, #tpu.memory_space<vmem>>) target(%dma_start3A_201 : memref<128x128xf32, #tpu.memory_space<hbm>>) target_semaphore(%arg15 : memref<!tpu.dma_semaphore, #tpu.memory_space<semaphore_mem>>)
      %mul3A_206 = arith.constant 128 : i32
      %mul3A_207 = arith.muli %add3A_94, %mul3A_206 : i32
      %dma_wait3A_208 = arith.constant 0 : i32
      %dma_wait3A_209 = arith.constant 0 : i32
      %dma_wait3A_210 = arith.constant 0 : i32
      %dma_wait3A_211 = tpu.memref_slice %arg10[%dma_wait3A_208, %dma_wait3A_209, %dma_wait3A_210] : memref<2x128x128xf32, #tpu.memory_space<vmem>> -> memref<1x128x128xf32, #tpu.memory_space<vmem>>
      %dma_wait3A_212 = tpu.memref_squeeze %dma_wait3A_211 : memref<1x128x128xf32, #tpu.memory_space<vmem>> -> memref<128x128xf32, #tpu.memory_space<vmem>>
      %dma_wait3A_213 = arith.constant 0 : i32
      %dma_wait3A_214 = tpu.memref_slice %arg7[%mul3A_207, %dma_wait3A_213] : memref<320000x128xf32, #tpu.memory_space<hbm>> -> memref<128x128xf32, #tpu.memory_space<hbm>>
      %dma_wait3A_215 = arith.constant 0 : i32
      %dma_wait3A_216 = tpu.memref_slice %arg7[%mul3A_207, %dma_wait3A_215] : memref<320000x128xf32, #tpu.memory_space<hbm>> -> memref<128x128xf32, #tpu.memory_space<hbm>>
      %dma_wait3A_217 = arith.constant 0 : i32
      %dma_wait3A_218 = arith.constant 0 : i32
      %dma_wait3A_219 = tpu.memref_slice %arg10[%dma_wait3A_208, %dma_wait3A_217, %dma_wait3A_218] : memref<2x128x128xf32, #tpu.memory_space<vmem>> -> memref<1x128x128xf32, #tpu.memory_space<vmem>>
      %dma_wait3A_220 = tpu.memref_squeeze %dma_wait3A_219 : memref<1x128x128xf32, #tpu.memory_space<vmem>> -> memref<128x128xf32, #tpu.memory_space<vmem>>
      tpu.wait_dma2 semaphore(%arg15 : memref<!tpu.dma_semaphore, #tpu.memory_space<semaphore_mem>>) src(%dma_wait3A_220 : memref<128x128xf32, #tpu.memory_space<vmem>>) dst(%dma_wait3A_216 : memref<128x128xf32, #tpu.memory_space<hbm>>)
    } else {
    }
    return
  }
}

module attributes {stable_mosaic.version = 14 : i64} {
  func.func @_node_proj_body(%arg0: memref<10000x128xf32, #tpu.memory_space<vmem>>, %arg1: memref<272x128xf32, #tpu.memory_space<vmem>>, %arg2: memref<1x128xf32, #tpu.memory_space<vmem>>, %arg3: memref<10000x128xf32, #tpu.memory_space<vmem>>, %arg4: memref<10000x128xf32, #tpu.memory_space<vmem>>) attributes {dimension_semantics = [], scalar_prefetch = 0 : i64, scratch_operands = 0 : i64, tpu.core_type = #tpu.core_type<tc>} {
    %get3A = arith.constant 0 : index
    %get3A_0 = arith.constant 0 : index
    %get3A_1 = vector.load %arg0[%get3A, %get3A_0] : memref<10000x128xf32, #tpu.memory_space<vmem>>, vector<10000x128xf32>
    %get3A_2 = arith.constant 0 : index
    %get3A_3 = arith.constant 0 : index
    %get3A_4 = vector.load %arg1[%get3A_2, %get3A_3] : memref<272x128xf32, #tpu.memory_space<vmem>>, vector<128x128xf32>
    %get3A_5 = arith.constant 128 : index
    %get3A_6 = arith.constant 0 : index
    %get3A_7 = vector.load %arg1[%get3A_5, %get3A_6] : memref<272x128xf32, #tpu.memory_space<vmem>>, vector<128x128xf32>
    %dot_general3A = arith.constant dense<0.000000e+00> : vector<10000x128xf32>
    %dot_general3A_8 = tpu.matmul %get3A_1, %get3A_4, %dot_general3A {dimension_numbers = #tpu.dot_dimension_numbers<[1], [0], [0], [1], [0, 0, 1, 1], [], []>, transpose_lhs_hint = false} : vector<10000x128xf32>, vector<128x128xf32>, vector<10000x128xf32> -> vector<10000x128xf32>
    %get3A_9 = arith.constant 0 : index
    %get3A_10 = arith.constant 0 : index
    %get3A_11 = vector.load %arg2[%get3A_9, %get3A_10] : memref<1x128xf32, #tpu.memory_space<vmem>>, vector<1x128xf32>
    %add3A = vector.broadcast %get3A_11 : vector<1x128xf32> to vector<10000x128xf32>
    %add3A_12 = arith.addf %dot_general3A_8, %add3A : vector<10000x128xf32>
    %swap3A = arith.constant 0 : index
    %swap3A_13 = arith.constant 0 : index
    %swap3A_14 = vector.load %arg3[%swap3A, %swap3A_13] : memref<10000x128xf32, #tpu.memory_space<vmem>>, vector<10000x128xf32>
    tpu.vector_store %arg3[%swap3A, %swap3A_13], %add3A_12 {strides = array<i32>} : memref<10000x128xf32, #tpu.memory_space<vmem>>, vector<10000x128xf32>,
    %dot_general3A_15 = arith.constant dense<0.000000e+00> : vector<10000x128xf32>
    %dot_general3A_16 = tpu.matmul %get3A_1, %get3A_7, %dot_general3A_15 {dimension_numbers = #tpu.dot_dimension_numbers<[1], [0], [0], [1], [0, 0, 1, 1], [], []>, transpose_lhs_hint = false} : vector<10000x128xf32>, vector<128x128xf32>, vector<10000x128xf32> -> vector<10000x128xf32>
    %swap3A_17 = arith.constant 0 : index
    %swap3A_18 = arith.constant 0 : index
    %swap3A_19 = vector.load %arg4[%swap3A_17, %swap3A_18] : memref<10000x128xf32, #tpu.memory_space<vmem>>, vector<10000x128xf32>
    tpu.vector_store %arg4[%swap3A_17, %swap3A_18], %dot_general3A_16 {strides = array<i32>} : memref<10000x128xf32, #tpu.memory_space<vmem>>, vector<10000x128xf32>,
    return
  }
}

module attributes {stable_mosaic.version = 14 : i64} {
  func.func @_edge_proj_body(%arg0: i32, %arg1: memref<16x16000xf32, #tpu.memory_space<vmem>>, %arg2: memref<16x128xf32, #tpu.memory_space<vmem>>, %arg3: memref<8000x2x64xi32, #tpu.memory_space<vmem>>) attributes {dimension_semantics = [#tpu.dimension_semantics<arbitrary>], iteration_bounds = array<i64: 20>, scalar_prefetch = 0 : i64, scratch_operands = 0 : i64, tpu.core_type = #tpu.core_type<tc>, window_params = [{transform_indices = @transform_0, window_bounds = array<i64: 16, 16000>}, {pipeline_mode = #tpu.pipeline_mode<synchronous>, transform_indices = @transform_1, window_bounds = array<i64: 16, 128>}, {transform_indices = @transform_2, window_bounds = array<i64: 8000, 2, 64>}]} {
    %get3A = arith.constant 0 : index
    %get3A_0 = arith.constant 0 : index
    %get3A_1 = vector.load %arg1[%get3A, %get3A_0] : memref<16x16000xf32, #tpu.memory_space<vmem>>, vector<16x16000xf32>
    %get3A_2 = arith.constant 0 : index
    %get3A_3 = arith.constant 0 : index
    %get3A_4 = vector.load %arg2[%get3A_2, %get3A_3] : memref<16x128xf32, #tpu.memory_space<vmem>>, vector<16x128xf32>
    %dot_general3A = arith.constant dense<0.000000e+00> : vector<16000x128xf32>
    %dot_general3A_5 = tpu.matmul %get3A_1, %get3A_4, %dot_general3A {dimension_numbers = #tpu.dot_dimension_numbers<[0], [0], [1], [1], [0, 1, 1, 1], [], []>, transpose_lhs_hint = false} : vector<16x16000xf32>, vector<16x128xf32>, vector<16000x128xf32> -> vector<16000x128xf32>
    %slice3A = vector.extract_strided_slice %dot_general3A_5 {offsets = [0, 0], sizes = [16000, 64], strides = [1, 1]} : vector<16000x128xf32> to vector<16000x64xf32>
    %bitcast_convert_type3A = tpu.bitcast %slice3A : vector<16000x64xf32> -> vector<16000x64xi32>
    %add3A = arith.constant 32767 : i32
    %add3A_6 = vector.broadcast %add3A : i32 to vector<16000x64xi32>
    %add3A_7 = arith.addi %bitcast_convert_type3A, %add3A_6 : vector<16000x64xi32>
    %shift_right_arithmetic3A = arith.constant 16 : i32
    %shift_right_arithmetic3A_8 = vector.broadcast %shift_right_arithmetic3A : i32 to vector<16000x64xi32>
    %shift_right_arithmetic3A_9 = arith.shrsi %bitcast_convert_type3A, %shift_right_arithmetic3A_8 : vector<16000x64xi32>
    %and3A = arith.constant 1 : i32
    %and3A_10 = vector.broadcast %and3A : i32 to vector<16000x64xi32>
    %and3A_11 = arith.andi %shift_right_arithmetic3A_9, %and3A_10 : vector<16000x64xi32>
    %add3A_12 = arith.addi %add3A_7, %and3A_11 : vector<16000x64xi32>
    %slice3A_13 = vector.extract_strided_slice %dot_general3A_5 {offsets = [0, 64], sizes = [16000, 64], strides = [1, 1]} : vector<16000x128xf32> to vector<16000x64xf32>
    %bitcast_convert_type3A_14 = tpu.bitcast %slice3A_13 : vector<16000x64xf32> -> vector<16000x64xi32>
    %add3A_15 = arith.constant 32767 : i32
    %add3A_16 = vector.broadcast %add3A_15 : i32 to vector<16000x64xi32>
    %add3A_17 = arith.addi %bitcast_convert_type3A_14, %add3A_16 : vector<16000x64xi32>
    %shift_right_arithmetic3A_18 = arith.constant 16 : i32
    %shift_right_arithmetic3A_19 = vector.broadcast %shift_right_arithmetic3A_18 : i32 to vector<16000x64xi32>
    %shift_right_arithmetic3A_20 = arith.shrsi %bitcast_convert_type3A_14, %shift_right_arithmetic3A_19 : vector<16000x64xi32>
    %and3A_21 = arith.constant 1 : i32
    %and3A_22 = vector.broadcast %and3A_21 : i32 to vector<16000x64xi32>
    %and3A_23 = arith.andi %shift_right_arithmetic3A_20, %and3A_22 : vector<16000x64xi32>
    %add3A_24 = arith.addi %add3A_17, %and3A_23 : vector<16000x64xi32>
    %shift_right_arithmetic3A_25 = arith.constant 16 : i32
    %shift_right_arithmetic3A_26 = vector.broadcast %shift_right_arithmetic3A_25 : i32 to vector<16000x64xi32>
    %shift_right_arithmetic3A_27 = arith.shrsi %add3A_12, %shift_right_arithmetic3A_26 : vector<16000x64xi32>
    %and3A_28 = arith.constant 65535 : i32
    %and3A_29 = vector.broadcast %and3A_28 : i32 to vector<16000x64xi32>
    %and3A_30 = arith.andi %shift_right_arithmetic3A_27, %and3A_29 : vector<16000x64xi32>
    %and3A_31 = arith.constant -65536 : i32
    %and3A_32 = vector.broadcast %and3A_31 : i32 to vector<16000x64xi32>
    %and3A_33 = arith.andi %add3A_24, %and3A_32 : vector<16000x64xi32>
    %or3A = arith.ori %and3A_30, %and3A_33 : vector<16000x64xi32>
    %reshape3A = vector.shape_cast %or3A : vector<16000x64xi32> to vector<8000x2x64xi32>
    %swap3A = arith.constant 0 : index
    %swap3A_34 = arith.constant 0 : index
    %swap3A_35 = arith.constant 0 : index
    %swap3A_36 = vector.load %arg3[%swap3A, %swap3A_34, %swap3A_35] : memref<8000x2x64xi32, #tpu.memory_space<vmem>>, vector<8000x2x64xi32>
    tpu.vector_store %arg3[%swap3A, %swap3A_34, %swap3A_35], %reshape3A {strides = array<i32>} : memref<8000x2x64xi32, #tpu.memory_space<vmem>>, vector<8000x2x64xi32>,
    return
  }
  func.func @transform_0(%arg0: i32) -> (i32, i32) {
    %c0_i32 = arith.constant 0 : i32
    %c0_i32_0 = arith.constant 0 : i32
    return %c0_i32, %arg0 : i32, i32
  }
  func.func @transform_1(%arg0: i32) -> (i32, i32) {
    %c0_i32 = arith.constant 0 : i32
    %c0_i32_0 = arith.constant 0 : i32
    %c0_i32_1 = arith.constant 0 : i32
    return %c0_i32, %c0_i32_0 : i32, i32
  }
  func.func @transform_2(%arg0: i32) -> (i32, i32, i32) {
    %c0_i32 = arith.constant 0 : i32
    %c0_i32_0 = arith.constant 0 : i32
    %c0_i32_1 = arith.constant 0 : i32
    return %arg0, %c0_i32, %c0_i32_0 : i32, i32, i32
  }
}

</mosaic_0001>

<sc_bundles>
// kernel: kernel.5.cloned.1.call-start
scs
__scs_entry_jumppad:
0x0: {  	(pc) =	sbr.rel $0x88, $3  }
0x1: {  	(tag) =	ssettag $0x0;
	lr =	simm.s32 $0x1  }
0x2: {  	[smem:$0x3F9C] =	sst lr;
	_ =	strace $0xD0000000  }
0x3: {  	_ = 	snop  }
0x4: {  	_ = 	snop  }
0x5: {  	_ = 	snop  }
0x6: {  	_ = 	snop  }
0x7: {  	_ = 	snop  }
__scs_overlays_trampoline_lowered:
0x8: {  	[smem:$0x3FAB] =	sst s0  }
0x9: {  	[smem:$0x3FAC] =	sst s1  }
0xa: {  	[smem:$0x3FAD] =	sst s2  }
0xb: {  	[smem:$0x3FAE] =	sst s3  }
0xc: {  	[smem:$0x3FAF] =	sst s4  }
0xd: {  	[smem:$0x3FB0] =	sst s5  }
0xe: {  	[smem:$0x3FB1] =	sst s6  }
0xf: {  	[smem:$0x3FB2] =	sst s7  }
0x10: {  	[smem:$0x3FB3] =	sst s8  }
0x11: {  	[smem:$0x3FB4] =	sst s9;
	s0 =	simm.s32 @!p0 $0x0  }
0x12: {  	s1 =	sld [smem:$0x3F9A];
	s0 =	simm.s32 @p0 $0x1  }
0x13: {  	[smem:$0x3FB5] =	sst s0;
	s0 =	simm.s32 @!p1 $0x0  }
0x14: {  	s2 =	sld [smem:$0x3F99];
	s0 =	simm.s32 @p1 $0x1  }
0x15: {  	[smem:$0x3FB6] =	sst s0;
	s0 =	simm.s32 @!p2 $0x0  }
0x16: {  	s3 =	sld [smem:$0x3FDB];
	s0 =	simm.s32 @p2 $0x1  }
0x17: {  	s4 =	simm.s32 $0x1BF5;
	[smem:$0x3FB8] =	sst s0  }
0x18: {  	s0 =	sld [smem:$0x3F9B];
	_ =	swait.ge [sflag:s4], $0x0  }
0x19: {  	s7 =	sld [smem:$0x3F9C]  }
0x1a: {  	s8 =	sadd.s32 $0xFFFFE003, lr  }
0x1b: {  	s9 =	sadd.s32 $0xFFFFFEF7, lr;
	s5 =	simm.s32 $0xFFFFFFFF;
	p2 =	slt.u32 s8, $0xFFFFF086  }
0x1c: {  	p1 =	slt.u32 s9, $0xF7A;
	s5 =	simm.s32 @!p2 $0x0  }
0x1d: {  	s5 =	simm.s32 @p1 $0x1;
	p0 =	seq.s32 s7, s2  }
0x1e: {  	s7 =	smul.u32 @!p0 $0xF7A, s2;
	p2 =	seq.s32 @!p0 s5, $0x0  }
0x1f: {  	s9 =	smul.u32 $0xF7A, s1;
	s8 =	simm.s32 @!p0 $0x1BF5;
	p2 =	por !p2, p0  }
0x20: {  	[sflag:s8] =	ssyncset.s32 @!p0 $0xFFFFF086;
	s6 =	sadd.s32 @!p0 s3, s7;
	s7 =	simm.s32 @!p0 $0x108  }
0x21: {  	s3 =	sadd.s32 s3, s9;
	s6 =	sadd.s32 @!p0 $0x88, s6;
	s7 =	simm.s32 @p2 $0x1082  }
0x22: {  	[simem:s7], [sflag:s8] =	dma.local @!p0 [hbm:s6], $0xF7A  }
0x23: {  	s9 =	sor.u32 $0xD0000000, s2;
	s6 =	simm.s32 $0x108;
	_ =	swait.ge @!p0 [sflag:s8], $0x0  }
0x24: {  	s3 =	sadd.s32 $0x88, s3;
	s6 =	simm.s32 @!p1 $0x1082;
	[sflag:s4] =	ssyncset.s32 $0xFFFFF086  }
0x25: {  	[simem:s6], [sflag:s4] =	dma.local [hbm:s3], $0xF7A  }
0x26: {  	[smem:$0x3F9C] =	sst s1;
	(tag) =	ssettag s2;
	_ =	strace s9  }
0x27: {  	s1 =	sld [smem:$0x3FAC]  }
0x28: {  	s2 =	sld [smem:$0x3FAD]  }
0x29: {  	s4 =	sld [smem:$0x3FAF]  }
0x2a: {  	p0 =	seq.s32 s5, $0x0;
	s5 =	sld [smem:$0x3FB0]  }
0x2b: {  	s6 =	sld [smem:$0x3FB1]  }
0x2c: {  	s7 =	sld [smem:$0x3FB2]  }
0x2d: {  	s3 =	simm.s32 $0x108;
	s8 =	sld [smem:$0x3FB3]  }
0x2e: {  	s3 =	simm.s32 @!p0 $0x1082;
	s9 =	sld [smem:$0x3FB4]  }
0x2f: {  	lr =	sadd.s32 s0, s3;
	s0 =	sld [smem:$0x3FAB]  }
0x30: {  	s3 =	sld [smem:$0x3FAE]  }
0x31: {  	[smem:$0x3FB7] =	sst s10  }
0x32: {  	s10 =	sld [smem:$0x3FB5];
	_ =	sdelay $0x3  }
0x33: {  	p0 =	seq.s32 s10, $0x1;
	s10 =	sld [smem:$0x3FB7];
	_ =	sdelay $0x3  }
0x34: {  	[smem:$0x3FB7] =	sst s10  }
0x35: {  	s10 =	sld [smem:$0x3FB6];
	_ =	sdelay $0x3  }
0x36: {  	p1 =	seq.s32 s10, $0x1;
	s10 =	sld [smem:$0x3FB7];
	_ =	sdelay $0x3  }
0x37: {  	[smem:$0x3FB7] =	sst s10  }
0x38: {  	s10 =	sld [smem:$0x3FB8]  }
0x39: {  	_ = 	snop;
	(pc) =	sbr.ind lr, $3  }
0x3a: {  	_ = 	snop  }
0x3b: {  	_ = 	snop  }
0x3c: {  	p2 =	seq.s32 s10, $0x1;
	s10 =	sld [smem:$0x3FB7]  }
0x3d: {  	_ =	shalt  }
0x3e: {  	_ =	shalt  }
0x3f: {  	_ =	shalt  }
0x40: {  	_ =	shalt  }
0x41: {  	_ =	shalt  }
0x42: {  	_ =	shalt  }
0x43: {  	_ =	shalt  }
0x44: {  	_ =	shalt  }
0x45: {  	_ =	shalt  }
0x46: {  	_ =	shalt  }
0x47: {  	_ =	shalt  }
0x48: {  	_ =	shalt  }
0x49: {  	_ =	shalt  }
0x4a: {  	_ =	shalt  }
0x4b: {  	_ =	shalt  }
0x4c: {  	_ =	shalt  }
0x4d: {  	_ =	shalt  }
0x4e: {  	_ =	shalt  }
0x4f: {  	_ =	shalt  }
0x50: {  	_ =	shalt  }
0x51: {  	_ =	shalt  }
0x52: {  	_ =	shalt  }
0x53: {  	_ =	shalt  }
0x54: {  	_ =	shalt  }
0x55: {  	_ =	shalt  }
0x56: {  	_ =	shalt  }
0x57: {  	_ =	shalt  }
0x58: {  	_ =	shalt  }
0x59: {  	_ =	shalt  }
0x5a: {  	_ =	shalt  }
0x5b: {  	_ =	shalt  }
0x5c: {  	_ =	shalt  }
0x5d: {  	_ =	shalt  }
0x5e: {  	_ =	shalt  }
0x5f: {  	_ =	shalt  }
0x60: {  	_ =	shalt  }
0x61: {  	_ =	shalt  }
0x62: {  	_ =	shalt  }
0x63: {  	_ =	shalt  }
0x64: {  	_ =	shalt  }
0x65: {  	_ =	shalt  }
0x66: {  	_ =	shalt  }
0x67: {  	_ =	shalt  }
0x68: {  	_ =	shalt  }
0x69: {  	_ =	shalt  }
0x6a: {  	_ =	shalt  }
0x6b: {  	_ =	shalt  }
0x6c: {  	_ =	shalt  }
0x6d: {  	_ =	shalt  }
0x6e: {  	_ =	shalt  }
0x6f: {  	_ =	shalt  }
0x70: {  	_ =	shalt  }
0x71: {  	_ =	shalt  }
0x72: {  	_ =	shalt  }
0x73: {  	_ =	shalt  }
0x74: {  	_ =	shalt  }
0x75: {  	_ =	shalt  }
0x76: {  	_ =	shalt  }
0x77: {  	_ =	shalt  }
0x78: {  	_ =	shalt  }
0x79: {  	_ =	shalt  }
0x7a: {  	_ =	shalt  }
0x7b: {  	_ =	shalt  }
0x7c: {  	_ =	shalt  }
0x7d: {  	_ =	shalt  }
0x7e: {  	_ =	shalt  }
0x7f: {  	_ =	shalt  }
0x80: {  	_ =	shalt  }
0x81: {  	_ =	shalt  }
0x82: {  	_ =	shalt  }
0x83: {  	_ =	shalt  }
0x84: {  	_ =	shalt  }
0x85: {  	_ =	shalt  }
0x86: {  	_ =	shalt  }
0x87: {  	_ =	shalt  }
.Lfunc_end0:
.L_simem_size_0:
called_computation_lowered:
.L_overlay_start_0:
0x88: {  	s2 =	sld [smem:$0x3FD9]  }
0x89: {  	s3 =	sld [smem:$0x3FFE];
	_ =	sdelay $0x1  }
0x8a: {  	s1 =	srdreg.scid  }
0x8b: {  	s0 =	sand.u32 $0x1, s1  }
0x8c: {  	s17 =	sshll.u32 s0, $0xA;
	s2 =	sadd.s32 s3, s2  }
0x8d: {  	s2 =	sadd.s32 s2, s17  }
0x8e: {  	[smem:$0x3FC3] =	sst s2  }
0x8f: {  	_ = 	snop  }
0x90: {  	s2 =	sld [smem:$0x3FD0];
	(tm) =	ssettm $0x1  }
0x91: {  	s18 =	sld [smem:$0x3FFB];
	_ =	sdelay $0x3  }
0x92: {  	_ =	strace s18  }
0x93: {  	s3 =	sld [smem:$0x3FFC];
	_ =	sdelay $0x3  }
0x94: {  	_ =	strace s3  }
0x95: {  	s3 =	sld [smem:$0x3FFD];
	_ =	sdelay $0x3  }
0x96: {  	_ =	strace s3  }
0x97: {  	_ =	strace $0x8FFFFFFF  }
0x98: {  	s19 =	sld [smem:$0x3FDB];
	_ =	sdelay $0x1  }
0x99: {  	s4 =	simm.s32 $_scs_section_size  }
0x9a: {  	s5 =	simm.s32 $_size__tile_overlayer_lowered;
	s6 =	simm.s32 $_tile_overlayer_lowered  }
0x9b: {  	s22 =	simm.s32 $0x1BFF;
	s21 =	sshll.u32 s6, $0x1;
	s3 =	sadd.s32 s4, s19  }
0x9c: {  	s7 =	simm.s32 $0x0;
	s20 =	sshll.u32 s5, $0x1;
	s5 =	sadd.s32 s21, s3  }
0x9d: {  	[timem:s7], [sflag:s22] =	dma.local [hbm:s5], s20  }
0x9e: {  	_ =	swait.ge [sflag:s22], s20  }
0x9f: {  	s4 =	ssub.s32 $0x0, s20;
	[sflag:s22] =	ssyncset.done $0x0  }
0xa0: {  	[sflag:s22] =	ssyncadd.s32 s4;
	_ =	sdelay $0x1  }
0xa1: {  	s23 =	simm.s32 $0x1B8B  }
0xa2: {  	_ =	swait.ge [sflag:s23], $0x1  }
0xa3: {  	[sflag:s23] =	ssyncset.done $0x0  }
0xa4: {  	s25 =	simm.s32 $0x1B8E;
	s24 =	sld [smem:$0x3FFE];
	[sflag:s23] =	ssyncadd.s32 $0xFFFFFFFF  }
0xa5: {  	s26 =	simm.s32 $execute0_lowered;
	[smem:$0x3FD2] =	sst s25  }
0xa6: {  	s5 =	sshll.u32 s26, $0x1;
	_ =	strace $0x80000046;
	[dreg:$0x1] =	wrdreg $0xFFFFFFFF  }
0xa7: {  	s28 =	simm.s32 $_size_execute0_lowered;
	s3 =	sadd.s32 s3, s5;
	[dreg:$0x0] =	wrdreg $0x0  }
0xa8: {  	s5 =	sshll.u32 s28, $0x1;
	[dreg:$0x2] =	wrdreg s3  }
0xa9: {  	[dreg:$0x3] =	wrdreg s5  }
0xaa: {  	[dreg:$0x4] =	wrdreg $0xC0  }
0xab: {  	_ =	task [dreg:s7], $0x5FFFF  }
0xac: {  	[dreg:$0x1] =	wrdreg $0xFFFFFFFF  }
0xad: {  	[dreg:$0x0] =	wrdreg $0x60  }
0xae: {  	[dreg:$0x2] =	wrdreg s24  }
0xaf: {  	[dreg:$0x3] =	wrdreg s2  }
0xb0: {  	[dreg:$0x4] =	wrdreg $0x9  }
0xb1: {  	_ =	task.clear_ibuf [dreg:s7], $0x5FFFF;
	_ =	strace $0x90000046  }
0xb2: {  	s29 =	simm.s32 $0x9;
	_ =	strace $0x80000048  }
0xb3: {  	_ =	swait.ge [sflag:s29], $0x1  }
0xb4: {  	[sflag:s29] =	ssyncadd.s32 $0xFFFFFFFF  }
0xb5: {  	_ =	strace $0x90000048  }
0xb6: {  	_ =	sfence  }
0xb7: {  	s30 =	sld [smem:$0x0];
	_ =	sdelay $0x2  }
0xb8: {  	s31 =	sshll.u32 s1, $0xD;
	s1 =	sshrl.u32 s1, $0x2  }
0xb9: {  	s3 =	sand.u32 $0x4000, s31;
	s1 =	sadd.s32 s1, s30  }
0xba: {  	s0 =	sor.u32 s3, s0;
	s1 =	sshll.u32 s1, $0x11  }
0xbb: {  	s0 =	sor.u32 s1, s0  }
0xbc: {  	s0 =	sadd.s32 $0x8F2B, s0  }
0xbd: {  	[sflag:s0] =	ssyncadd.remote.s32 $0x1  }
0xbe: {  	_ =	sfence.sel $0xFFFF  }
0xbf: {  	[dreg:$0x0] =	wrdreg $0xFFFFFFFF;
	(pc) =	sbr.abs _section_cstart, $3  }
0xc0: {  	[dreg:$0x1] =	wrdreg $0xFFFFFFFF  }
0xc1: {  	_ =	task.clear_ibuf [dreg:s7], $0x2FFFF;
	_ =	strace $0x9FFFFFFF  }
0xc2: {  	(tm) =	ssettm $0x7FFFFFFF  }
0xc3: {  	_ =	shalt  }
tec
execute0_lowered:
.L_overlay_start_1:
0x0: {  	(tag) =	ssettag $0x1  }
0x1: {  	s0 =	rddreg [dreg:$0x0]  }
0x2: {  	s2 =	rddreg [dreg:$0x1]  }
0x3: {  	s3 =	simm.s32 $0x0;
	s1 =	srdreg.scid;
	s14 =	stileid.u32  }
0x4: {  	s18 =	simm.s32 $0x5;
	s19 =	simm.s32 $0x100;
	s28 =	simm.s32 $0x14200  }
0x5: {  	s29 =	simm.s32 $0x1;
	s30 =	simm.s32 $0x2;
	s31 =	simm.s32 $0x3  }
0x6: {  	[smem:$0x7FF] =	sst s3;
	s1 =	sand.u32 $0x1, s1;
	s4 =	sshll.u32 s14, $0x1  }
0x7: {  	s5 =	sadd.s32 $0xA00, s0;
	s6 =	sadd.s32 $0x14600, s0;
	p0 =	sgt.u32 s14, $0x1  }
0x8: {  	_ =	strace $0x80000047;
	s7 =	sor.u32 s1, s4;
	s1 =	ssub.s32 $0x2, s1  }
0x9: {  	s4 =	sadd.s32 $0xA800, s0;
	s8 =	smul.u32 $0x4E, s7;
	s10 =	sshrl.u32 s1, $0x1  }
0xa: {  	s9 =	smin.u32 s7, $0x4;
	s7 =	sadd.s32 $0x3B800, s0;
	s20 =	ssub.s32 s1, s10  }
0xb: {  	s8 =	sadd.s32 s9, s8;
	s9 =	sadd.s32 $0x62A00, s0;
	s17 =	smax.u32 s20, $0x1  }
0xc: {  	s20 =	simm.s32 $0x80;
	s0 =	simm.s32 $0x4;
	s23 =	sadd.s32 $0x4E, s8  }
0xd: {  	s21 =	sshll.u32 s8, $0x4;
	s12 =	sshll.u32 s8, $0xB;
	s13 =	sshll.u32 s23, $0x4  }
0xe: {  	s22 =	sadd.s32 s4, s21;
	s1 =	sshll.u32 s23, $0xB;
	s13 =	sand.u32 $0x1FFFFFF0, s13  }
0xf: {  	[dreg:$0x3] =	wrdreg s22;
	s1 =	sand.u32 $0x1FFFF800, s1;
	s24 =	sadd.s32 s4, s13  }
.Ltmp0:
0x10: {  	s25 =	sadd.s32 s5, s13;
	[dreg:$0x4] =	wrdreg s24;
	(pc) =	sbr.rel .LBB2_1-.Ltmp0, $4  }
0x11: {  	s11 =	sadd.s32 s5, s21;
	s26 =	sadd.s32 s9, s1;
	[dreg:$0x5] =	wrdreg s25  }
0x12: {  	s12 =	sadd.s32 s9, s12;
	s1 =	sadd.s32 s2, s1;
	[dreg:$0x6] =	wrdreg s26  }
0x13: {  	s21 =	simm.s32 $0x200;
	[dreg:$0x7] =	wrdreg s1;
	s24 =	simm.s32 $0x180  }
0x14: {  	s25 =	simm.s32 $0x4200;
	s26 =	simm.s32 $0xC200;
	s1 =	simm.s32 $0x0  }
.LBB2_11:
0x15: {  	s1 =	sadd.s32 $0x1, s1  }
0x16: {  	p1 =	sne.s32 s1, s17  }
.Ltmp1:
0x17: {  	_ = 	snop;
	(pc) =	sbr.rel @!p1 .LBB2_12-.Ltmp1, $1  }
0x18: {  	_ =	sdelay $0x3  }
.LBB2_1:
0x19: {  	s10 =	rddreg [dreg:$0x3]  }
0x1a: {  	[tilespmem:s3], [sflag:$0x5] =	stream.linear.gather [hbm4b:s10+s3], $0x80, $0x38;
	[tilespmem:$0x18200] =	vst v63  }
0x1b: {  	_ =	swait.ge [sflag:s18], $0x80  }
0x1c: {  	[sflag:s18] =	ssyncset.done $0x0  }
0x1d: {  	[sflag:s18] =	ssyncadd.s32 $0xFFFFFF80  }
0x1e: {  	[tilespmem:s19], [sflag:$0x5] =	stream.linear.gather [hbm4b:s11+s3], $0x80, $0x38;
	[tilespmem:$0x18200] =	vst v63  }
0x1f: {  	_ =	swait.ge [sflag:s18], $0x80  }
0x20: {  	[sflag:s18] =	ssyncset.done $0x0  }
0x21: {  	[sflag:s18] =	ssyncadd.s32 $0xFFFFFF80  }
0x22: {  	[tilespmem:s21], [sflag:$0x1] =	stream.indirect.gather [hbm4b:s6+s20], $0x80, s3, s20, $0xb8;
	[tilespmem:$0x18200] =	vst v63  }
0x23: {  	s22 =	simm.s32 $0x8200  }
0x24: {  	[tilespmem:s22], [sflag:$0x1] =	stream.indirect.gather [hbm4b:s7+s20], $0x80, s19, s20, $0xb8;
	[tilespmem:$0x18200] =	vst v63  }
0x25: {  	s23 =	simm.s32 $0x10200;
	s13 =	simm.s32 $0x0  }
0x26: {  	[tilespmem:s23], [sflag:$0x1] =	stream.linear.gather [hbm4b:s12+s3], $0x4000, $0x38;
	[tilespmem:$0x18200] =	vst v63  }
.LBB2_2:
0x27: {  	s14 =	sshll.u32 s13, $0x1  }
0x28: {  	p1 =	seq.s32 s13, $0x0;
	s15 =	sadd.s32 s8, s14  }
0x29: {  	s14 =	simm.s32 @!p1 $0x4;
	s16 =	sadd.s32 $0x1, s15  }
0x2a: {  	_ =	swait.ge @!p1 [sflag:s14], $0x4000;
	s22 =	sshll.u32 s16, $0x4  }
0x2b: {  	[sflag:s14] =	ssyncset.done @!p1 $0x0;
	s22 =	sand.u32 $0x1FFFFFF0, s22  }
0x2c: {  	s23 =	simm.s32 $0x0;
	[sflag:s14] =	ssyncadd.s32 @!p1 $0xFFFFC000;
	s10 =	sadd.s32 s4, s22  }
0x2d: {  	[tilespmem:s20], [sflag:$0x5] =	stream.linear.gather [hbm4b:s10+s23], $0x80, $0x38;
	[tilespmem:$0x18200] =	vst v63  }
0x2e: {  	_ =	swait.ge [sflag:s18], $0x80  }
0x2f: {  	[sflag:s18] =	ssyncset.done $0x0  }
0x30: {  	s10 =	sadd.s32 s5, s22;
	[sflag:s18] =	ssyncadd.s32 $0xFFFFFF80  }
0x31: {  	[tilespmem:s24], [sflag:$0x5] =	stream.linear.gather [hbm4b:s10+s23], $0x80, $0x38;
	[tilespmem:$0x18200] =	vst v63  }
0x32: {  	_ =	swait.ge [sflag:s18], $0x80  }
0x33: {  	[sflag:s18] =	ssyncset.done $0x0  }
0x34: {  	s16 =	sshll.u32 s16, $0xB;
	[sflag:s18] =	ssyncadd.s32 $0xFFFFFF80  }
0x35: {  	[tilespmem:s25], [sflag:$0x2] =	stream.indirect.gather [hbm4b:s6+s20], $0x80, s20, s20, $0xb8;
	[tilespmem:$0x18200] =	vst v63  }
0x36: {  	s14 =	sand.u32 $0x1FFFF800, s16  }
0x37: {  	[tilespmem:s26], [sflag:$0x2] =	stream.indirect.gather [hbm4b:s7+s20], $0x80, s24, s20, $0xb8;
	[tilespmem:$0x18200] =	vst v63  }
0x38: {  	s22 =	sadd.s32 s9, s14  }
0x39: {  	[tilespmem:s28], [sflag:$0x2] =	stream.linear.gather [hbm4b:s22+s23], $0x4000, $0x38;
	[tilespmem:$0x18200] =	vst v63  }
0x3a: {  	_ =	swait.ge [sflag:s29], $0x4000  }
0x3b: {  	[sflag:s29] =	ssyncset.done $0x0  }
0x3c: {  	[sflag:s29] =	ssyncadd.s32 $0xFFFFC000  }
0x3d: {  	_ =	swait.ge [sflag:s29], $0x4000  }
0x3e: {  	[sflag:s29] =	ssyncset.done $0x0  }
0x3f: {  	[sflag:s29] =	ssyncadd.s32 $0xFFFFC000  }
0x40: {  	_ =	swait.ge [sflag:s29], $0x4000  }
0x41: {  	[sflag:s29] =	ssyncset.done $0x0  }
0x42: {  	s16 =	simm.s32 $0x0;
	s22 =	simm.s32 $0x400;
	[sflag:s29] =	ssyncadd.s32 $0xFFFFC000  }
.LBB2_3:
0x43: {  	p1 =	sne.s32 s22, $0xFC00;
	v0 =	vld [tilespmem:s16+$0x102B0]  }
0x44: {  	v1 =	vld [tilespmem:s16+$0x82F0]  }
0x45: {  	v2 =	vld [tilespmem:s16+$0x10200]  }
0x46: {  	v3 =	vld [tilespmem:s16+$0x10210]  }
0x47: {  	v4 =	vld [tilespmem:s16+$0x10220]  }
0x48: {  	v5 =	vld [tilespmem:s16+$0x10230];
	v6 =	vshll.u32 v0, $0x10;
	v0 =	vand.u32 $0xFFFF0000, v0  }
0x49: {  	v7 =	vld [tilespmem:s16+$0x10280];
	v0 =	vadd.f32 v0, v1  }
0x4a: {  	v1 =	vshll.u32 v2, $0x10;
	v2 =	vand.u32 $0xFFFF0000, v2;
	v8 =	vld [tilespmem:s16+$0x10290]  }
0x4b: {  	v9 =	vshll.u32 v3, $0x10;
	v3 =	vand.u32 $0xFFFF0000, v3;
	[tilespmem:s16+$0x2F0] =	vst.add.f32.msk $0xffff, v0  }
0x4c: {  	v0 =	vshll.u32 v4, $0x10;
	v4 =	vand.u32 $0xFFFF0000, v4;
	v10 =	vld [tilespmem:s16+$0x102A0]  }
0x4d: {  	v11 =	vld [tilespmem:s16+$0x8200];
	v12 =	vshll.u32 v5, $0x10;
	v5 =	vand.u32 $0xFFFF0000, v5  }
0x4e: {  	v13 =	vld [tilespmem:s16+$0x8210];
	v14 =	vshll.u32 v7, $0x10;
	v7 =	vand.u32 $0xFFFF0000, v7  }
0x4f: {  	v15 =	vld [tilespmem:s16+$0x8220];
	v16 =	vshll.u32 v8, $0x10;
	v8 =	vand.u32 $0xFFFF0000, v8  }
0x50: {  	v17 =	vld [tilespmem:s16+$0x8230]  }
0x51: {  	v18 =	vld [tilespmem:s16+$0x8240];
	v19 =	vshll.u32 v10, $0x10;
	v10 =	vand.u32 $0xFFFF0000, v10  }
0x52: {  	v1 =	vadd.f32 v1, v11;
	v11 =	vld [tilespmem:s16+$0x8250]  }
0x53: {  	v2 =	vadd.f32 v2, v13;
	v13 =	vld [tilespmem:s16+$0x8260]  }
0x54: {  	v9 =	vadd.f32 v9, v15;
	v15 =	vld [tilespmem:s16+$0x8270]  }
0x55: {  	v3 =	vadd.f32 v3, v17;
	v17 =	vld [tilespmem:s16+$0x8280]  }
0x56: {  	v0 =	vadd.f32 v0, v18;
	v18 =	vld [tilespmem:s16+$0x8290]  }
0x57: {  	v4 =	vadd.f32 v4, v11;
	v11 =	vld [tilespmem:s16+$0x82A0]  }
0x58: {  	v12 =	vadd.f32 v12, v13;
	v13 =	vld [tilespmem:s16+$0x82B0]  }
0x59: {  	v5 =	vadd.f32 v5, v15;
	v15 =	vld [tilespmem:s16+$0x82C0]  }
0x5a: {  	v14 =	vadd.f32 v14, v17;
	v17 =	vld [tilespmem:s16+$0x82D0]  }
0x5b: {  	v7 =	vadd.f32 v7, v18;
	v18 =	vld [tilespmem:s16+$0x82E0]  }
0x5c: {  	[tilespmem:s16+$0x200] =	vst.add.f32.msk $0xffff, v1;
	v1 =	vadd.f32 v16, v11  }
0x5d: {  	[tilespmem:s16+$0x210] =	vst.add.f32.msk $0xffff, v2;
	v2 =	vadd.f32 v8, v13  }
0x5e: {  	[tilespmem:s16+$0x220] =	vst.add.f32.msk $0xffff, v9;
	v8 =	vadd.f32 v19, v15  }
0x5f: {  	[tilespmem:s16+$0x230] =	vst.add.f32.msk $0xffff, v3;
	v3 =	vadd.f32 v10, v17  }
0x60: {  	[tilespmem:s16+$0x240] =	vst.add.f32.msk $0xffff, v0;
	v0 =	vadd.f32 v6, v18  }
0x61: {  	[tilespmem:s16+$0x250] =	vst.add.f32.msk $0xffff, v4  }
0x62: {  	[tilespmem:s16+$0x260] =	vst.add.f32.msk $0xffff, v12  }
0x63: {  	[tilespmem:s16+$0x270] =	vst.add.f32.msk $0xffff, v5  }
0x64: {  	[tilespmem:s16+$0x280] =	vst.add.f32.msk $0xffff, v14  }
0x65: {  	[tilespmem:s16+$0x290] =	vst.add.f32.msk $0xffff, v7  }
.Ltmp2:
0x66: {  	[tilespmem:s16+$0x2A0] =	vst.add.f32.msk $0xffff, v1;
	(pc) =	sbr.rel @p1 .LBB2_3-.Ltmp2, $4  }
0x67: {  	[tilespmem:s16+$0x2B0] =	vst.add.f32.msk $0xffff, v2  }
0x68: {  	[tilespmem:s16+$0x2C0] =	vst.add.f32.msk $0xffff, v8  }
0x69: {  	[tilespmem:s16+$0x2D0] =	vst.add.f32.msk $0xffff, v3  }
0x6a: {  	[tilespmem:s16+$0x2E0] =	vst.add.f32.msk $0xffff, v0;
	s16 =	sshra.s32 s22, $0x2;
	s22 =	sadd.s32 $0x400, s22  }
0x6b: {  	v0 =	vld [tilespmem:s16+$0x102B0]  }
0x6c: {  	v1 =	vld [tilespmem:s16+$0x82F0]  }
0x6d: {  	v2 =	vld [tilespmem:s16+$0x10200]  }
0x6e: {  	v3 =	vld [tilespmem:s16+$0x10210]  }
0x6f: {  	v4 =	vld [tilespmem:s16+$0x10220]  }
0x70: {  	v5 =	vld [tilespmem:s16+$0x10230]  }
0x71: {  	v7 =	vld [tilespmem:s16+$0x10280]  }
0x72: {  	v51 =	vld [tilespmem:s16+$0x10290]  }
0x73: {  	v52 =	vld [tilespmem:s16+$0x102A0]  }
0x74: {  	v8 =	vld [tilespmem:s16+$0x8200]  }
0x75: {  	v9 =	vld [tilespmem:s16+$0x8210]  }
0x76: {  	v10 =	vld [tilespmem:s16+$0x8220]  }
0x77: {  	v11 =	vld [tilespmem:s16+$0x8230]  }
0x78: {  	v12 =	vld [tilespmem:s16+$0x8240]  }
0x79: {  	v13 =	vld [tilespmem:s16+$0x8250]  }
0x7a: {  	v14 =	vld [tilespmem:s16+$0x8260]  }
0x7b: {  	v15 =	vld [tilespmem:s16+$0x8270]  }
0x7c: {  	v16 =	vld [tilespmem:s16+$0x8280]  }
0x7d: {  	v17 =	vld [tilespmem:s16+$0x8290]  }
0x7e: {  	v18 =	vld [tilespmem:s16+$0x82A0]  }
0x7f: {  	v19 =	vld [tilespmem:s16+$0x82B0]  }
0x80: {  	v21 =	vld [tilespmem:s16+$0x82C0];
	v6 =	vand.u32 $0xFFFF0000, v0  }
0x81: {  	v53 =	vld [tilespmem:s16+$0x82D0];
	v20 =	vshll.u32 v2, $0x10;
	v1 =	vadd.f32 v6, v1  }
0x82: {  	v54 =	vld [tilespmem:s16+$0x82E0];
	v2 =	vand.u32 $0xFFFF0000, v2;
	v8 =	vadd.f32 v20, v8  }
0x83: {  	v22 =	vshll.u32 v3, $0x10;
	v2 =	vadd.f32 v2, v9;
	[tilespmem:s16+$0x2F0] =	vst.add.f32.msk $0xffff, v1  }
0x84: {  	v3 =	vand.u32 $0xFFFF0000, v3;
	v10 =	vadd.f32 v22, v10;
	[tilespmem:s16+$0x200] =	vst.add.f32.msk $0xffff, v8  }
0x85: {  	v55 =	vshll.u32 v4, $0x10;
	v4 =	vand.u32 $0xFFFF0000, v4;
	v3 =	vadd.f32 v3, v11;
	[tilespmem:s16+$0x210] =	vst.add.f32.msk $0xffff, v2  }
0x86: {  	v56 =	vshll.u32 v5, $0x10;
	v4 =	vadd.f32 v4, v13;
	[tilespmem:s16+$0x220] =	vst.add.f32.msk $0xffff, v10  }
0x87: {  	v61 =	vshll.u32 v51, $0x10;
	v58 =	vadd.f32 v56, v14;
	[tilespmem:s16+$0x230] =	vst.add.f32.msk $0xffff, v3  }
0x88: {  	v57 =	vand.u32 $0xFFFF0000, v5;
	v0 =	vshll.u32 v0, $0x10;
	v5 =	vadd.f32 v61, v18;
	[tilespmem:s16+$0x250] =	vst.add.f32.msk $0xffff, v4  }
0x89: {  	v0 =	vadd.f32 v0, v54;
	[tilespmem:s16+$0x260] =	vst.add.f32.msk $0xffff, v58  }
0x8a: {  	v2 =	vadd.f32 v55, v12;
	[tilespmem:s16+$0x2A0] =	vst.add.f32.msk $0xffff, v5  }
0x8b: {  	v60 =	vand.u32 $0xFFFF0000, v7;
	v3 =	vadd.f32 v57, v15;
	[tilespmem:s16+$0x2E0] =	vst.add.f32.msk $0xffff, v0  }
0x8c: {  	v4 =	vadd.f32 v60, v17;
	v1 =	vand.u32 $0xFFFF0000, v52;
	[tilespmem:s16+$0x240] =	vst.add.f32.msk $0xffff, v2  }
0x8d: {  	v59 =	vshll.u32 v7, $0x10;
	v1 =	vadd.f32 v1, v53;
	[tilespmem:s16+$0x270] =	vst.add.f32.msk $0xffff, v3  }
0x8e: {  	v62 =	vand.u32 $0xFFFF0000, v51;
	v2 =	vadd.f32 v59, v16;
	[tilespmem:s16+$0x290] =	vst.add.f32.msk $0xffff, v4  }
0x8f: {  	v63 =	vshll.u32 v52, $0x10;
	v3 =	vadd.f32 v62, v19;
	[tilespmem:s16+$0x2D0] =	vst.add.f32.msk $0xffff, v1  }
0x90: {  	s22 =	sshll.u32 s15, $0xB;
	[tilespmem:s16+$0x280] =	vst.add.f32.msk $0xffff, v2;
	v2 =	vadd.f32 v63, v21  }
0x91: {  	s22 =	sand.u32 $0x1FFFF800, s22;
	[tilespmem:s16+$0x2B0] =	vst.add.f32.msk $0xffff, v3  }
0x92: {  	s23 =	simm.s32 $0x0;
	s22 =	sadd.s32 s2, s22;
	[tilespmem:s16+$0x2C0] =	vst.add.f32.msk $0xffff, v2  }
0x93: {  	[hbm4b:s22+s23] =	stream.linear.scatter [tilespmem:s21], [sflag:$0x3], $0x4000, $0x38;
	[tilespmem:$0x18200] =	vst v63  }
0x94: {  	_ =	swait.ge [sflag:s30], $0x4000  }
0x95: {  	[sflag:s30] =	ssyncset.done $0x0  }
0x96: {  	[sflag:s30] =	ssyncadd.s32 $0xFFFFC000  }
0x97: {  	_ =	swait.ge [sflag:s30], $0x4000  }
0x98: {  	[sflag:s30] =	ssyncset.done $0x0  }
0x99: {  	[sflag:s30] =	ssyncadd.s32 $0xFFFFC000  }
0x9a: {  	_ =	swait.ge [sflag:s30], $0x4000  }
0x9b: {  	[sflag:s30] =	ssyncset.done $0x0  }
0x9c: {  	s16 =	simm.s32 $0x0;
	s22 =	simm.s32 $0x400;
	[sflag:s30] =	ssyncadd.s32 $0xFFFFC000  }
.LBB2_5:
0x9d: {  	p1 =	sne.s32 s22, $0xFC00;
	v0 =	vld [tilespmem:s16+$0x142B0]  }
0x9e: {  	v1 =	vld [tilespmem:s16+$0xC2F0]  }
0x9f: {  	v2 =	vld [tilespmem:s16+$0x14200]  }
0xa0: {  	v3 =	vld [tilespmem:s16+$0x14210]  }
0xa1: {  	v4 =	vld [tilespmem:s16+$0x14220]  }
0xa2: {  	v5 =	vld [tilespmem:s16+$0x14230];
	v6 =	vshll.u32 v0, $0x10;
	v0 =	vand.u32 $0xFFFF0000, v0  }
0xa3: {  	v7 =	vld [tilespmem:s16+$0x14280];
	v0 =	vadd.f32 v0, v1  }
0xa4: {  	v1 =	vshll.u32 v2, $0x10;
	v2 =	vand.u32 $0xFFFF0000, v2;
	v8 =	vld [tilespmem:s16+$0x14290]  }
0xa5: {  	v9 =	vshll.u32 v3, $0x10;
	v3 =	vand.u32 $0xFFFF0000, v3;
	[tilespmem:s16+$0x42F0] =	vst.add.f32.msk $0xffff, v0  }
0xa6: {  	v0 =	vshll.u32 v4, $0x10;
	v4 =	vand.u32 $0xFFFF0000, v4;
	v10 =	vld [tilespmem:s16+$0x142A0]  }
0xa7: {  	v11 =	vld [tilespmem:s16+$0xC200];
	v12 =	vshll.u32 v5, $0x10;
	v5 =	vand.u32 $0xFFFF0000, v5  }
0xa8: {  	v13 =	vld [tilespmem:s16+$0xC210];
	v14 =	vshll.u32 v7, $0x10;
	v7 =	vand.u32 $0xFFFF0000, v7  }
0xa9: {  	v15 =	vld [tilespmem:s16+$0xC220];
	v16 =	vshll.u32 v8, $0x10;
	v8 =	vand.u32 $0xFFFF0000, v8  }
0xaa: {  	v17 =	vld [tilespmem:s16+$0xC230]  }
0xab: {  	v18 =	vld [tilespmem:s16+$0xC240];
	v19 =	vshll.u32 v10, $0x10;
	v10 =	vand.u32 $0xFFFF0000, v10  }
0xac: {  	v1 =	vadd.f32 v1, v11;
	v11 =	vld [tilespmem:s16+$0xC250]  }
0xad: {  	v2 =	vadd.f32 v2, v13;
	v13 =	vld [tilespmem:s16+$0xC260]  }
0xae: {  	v9 =	vadd.f32 v9, v15;
	v15 =	vld [tilespmem:s16+$0xC270]  }
0xaf: {  	v3 =	vadd.f32 v3, v17;
	v17 =	vld [tilespmem:s16+$0xC280]  }
0xb0: {  	v0 =	vadd.f32 v0, v18;
	v18 =	vld [tilespmem:s16+$0xC290]  }
0xb1: {  	v4 =	vadd.f32 v4, v11;
	v11 =	vld [tilespmem:s16+$0xC2A0]  }
0xb2: {  	v12 =	vadd.f32 v12, v13;
	v13 =	vld [tilespmem:s16+$0xC2B0]  }
0xb3: {  	v5 =	vadd.f32 v5, v15;
	v15 =	vld [tilespmem:s16+$0xC2C0]  }
0xb4: {  	v14 =	vadd.f32 v14, v17;
	v17 =	vld [tilespmem:s16+$0xC2D0]  }
0xb5: {  	v7 =	vadd.f32 v7, v18;
	v18 =	vld [tilespmem:s16+$0xC2E0]  }
0xb6: {  	[tilespmem:s16+$0x4200] =	vst.add.f32.msk $0xffff, v1;
	v1 =	vadd.f32 v16, v11  }
0xb7: {  	[tilespmem:s16+$0x4210] =	vst.add.f32.msk $0xffff, v2;
	v2 =	vadd.f32 v8, v13  }
0xb8: {  	[tilespmem:s16+$0x4220] =	vst.add.f32.msk $0xffff, v9;
	v8 =	vadd.f32 v19, v15  }
0xb9: {  	[tilespmem:s16+$0x4230] =	vst.add.f32.msk $0xffff, v3;
	v3 =	vadd.f32 v10, v17  }
0xba: {  	[tilespmem:s16+$0x4240] =	vst.add.f32.msk $0xffff, v0;
	v0 =	vadd.f32 v6, v18  }
0xbb: {  	[tilespmem:s16+$0x4250] =	vst.add.f32.msk $0xffff, v4  }
0xbc: {  	[tilespmem:s16+$0x4260] =	vst.add.f32.msk $0xffff, v12  }
0xbd: {  	[tilespmem:s16+$0x4270] =	vst.add.f32.msk $0xffff, v5  }
0xbe: {  	[tilespmem:s16+$0x4280] =	vst.add.f32.msk $0xffff, v14  }
0xbf: {  	[tilespmem:s16+$0x4290] =	vst.add.f32.msk $0xffff, v7  }
.Ltmp3:
0xc0: {  	[tilespmem:s16+$0x42A0] =	vst.add.f32.msk $0xffff, v1;
	(pc) =	sbr.rel @p1 .LBB2_5-.Ltmp3, $4  }
0xc1: {  	[tilespmem:s16+$0x42B0] =	vst.add.f32.msk $0xffff, v2  }
0xc2: {  	[tilespmem:s16+$0x42C0] =	vst.add.f32.msk $0xffff, v8  }
0xc3: {  	[tilespmem:s16+$0x42D0] =	vst.add.f32.msk $0xffff, v3  }
0xc4: {  	[tilespmem:s16+$0x42E0] =	vst.add.f32.msk $0xffff, v0;
	s16 =	sshra.s32 s22, $0x2;
	s22 =	sadd.s32 $0x400, s22  }
0xc5: {  	v0 =	vld [tilespmem:s16+$0x142B0]  }
0xc6: {  	v1 =	vld [tilespmem:s16+$0xC2F0]  }
0xc7: {  	v2 =	vld [tilespmem:s16+$0x14200]  }
0xc8: {  	v3 =	vld [tilespmem:s16+$0x14210]  }
0xc9: {  	v4 =	vld [tilespmem:s16+$0x14220]  }
0xca: {  	v5 =	vld [tilespmem:s16+$0x14230]  }
0xcb: {  	v7 =	vld [tilespmem:s16+$0x14280]  }
0xcc: {  	v51 =	vld [tilespmem:s16+$0x14290]  }
0xcd: {  	v52 =	vld [tilespmem:s16+$0x142A0]  }
0xce: {  	v8 =	vld [tilespmem:s16+$0xC200]  }
0xcf: {  	v9 =	vld [tilespmem:s16+$0xC210]  }
0xd0: {  	v10 =	vld [tilespmem:s16+$0xC220]  }
0xd1: {  	v11 =	vld [tilespmem:s16+$0xC230]  }
0xd2: {  	v12 =	vld [tilespmem:s16+$0xC240]  }
0xd3: {  	v13 =	vld [tilespmem:s16+$0xC250]  }
0xd4: {  	v14 =	vld [tilespmem:s16+$0xC260]  }
0xd5: {  	v15 =	vld [tilespmem:s16+$0xC270]  }
0xd6: {  	v16 =	vld [tilespmem:s16+$0xC280]  }
0xd7: {  	v17 =	vld [tilespmem:s16+$0xC290]  }
0xd8: {  	v18 =	vld [tilespmem:s16+$0xC2A0]  }
0xd9: {  	v19 =	vld [tilespmem:s16+$0xC2B0]  }
0xda: {  	v21 =	vld [tilespmem:s16+$0xC2C0];
	v6 =	vand.u32 $0xFFFF0000, v0  }
0xdb: {  	v53 =	vld [tilespmem:s16+$0xC2D0];
	v20 =	vshll.u32 v2, $0x10;
	v1 =	vadd.f32 v6, v1  }
0xdc: {  	v54 =	vld [tilespmem:s16+$0xC2E0];
	v2 =	vand.u32 $0xFFFF0000, v2;
	v8 =	vadd.f32 v20, v8  }
0xdd: {  	v22 =	vshll.u32 v3, $0x10;
	v2 =	vadd.f32 v2, v9;
	[tilespmem:s16+$0x42F0] =	vst.add.f32.msk $0xffff, v1  }
0xde: {  	v3 =	vand.u32 $0xFFFF0000, v3;
	v10 =	vadd.f32 v22, v10;
	[tilespmem:s16+$0x4200] =	vst.add.f32.msk $0xffff, v8  }
0xdf: {  	v55 =	vshll.u32 v4, $0x10;
	v4 =	vand.u32 $0xFFFF0000, v4;
	v3 =	vadd.f32 v3, v11;
	[tilespmem:s16+$0x4210] =	vst.add.f32.msk $0xffff, v2  }
0xe0: {  	v56 =	vshll.u32 v5, $0x10;
	v4 =	vadd.f32 v4, v13;
	[tilespmem:s16+$0x4220] =	vst.add.f32.msk $0xffff, v10  }
0xe1: {  	v61 =	vshll.u32 v51, $0x10;
	v58 =	vadd.f32 v56, v14;
	[tilespmem:s16+$0x4230] =	vst.add.f32.msk $0xffff, v3  }
0xe2: {  	v57 =	vand.u32 $0xFFFF0000, v5;
	v0 =	vshll.u32 v0, $0x10;
	v5 =	vadd.f32 v61, v18;
	[tilespmem:s16+$0x4250] =	vst.add.f32.msk $0xffff, v4  }
0xe3: {  	v0 =	vadd.f32 v0, v54;
	[tilespmem:s16+$0x4260] =	vst.add.f32.msk $0xffff, v58  }
0xe4: {  	v2 =	vadd.f32 v55, v12;
	[tilespmem:s16+$0x42A0] =	vst.add.f32.msk $0xffff, v5  }
0xe5: {  	v60 =	vand.u32 $0xFFFF0000, v7;
	v3 =	vadd.f32 v57, v15;
	[tilespmem:s16+$0x42E0] =	vst.add.f32.msk $0xffff, v0  }
0xe6: {  	v4 =	vadd.f32 v60, v17;
	v1 =	vand.u32 $0xFFFF0000, v52;
	[tilespmem:s16+$0x4240] =	vst.add.f32.msk $0xffff, v2  }
0xe7: {  	v59 =	vshll.u32 v7, $0x10;
	v1 =	vadd.f32 v1, v53;
	[tilespmem:s16+$0x4270] =	vst.add.f32.msk $0xffff, v3  }
0xe8: {  	v62 =	vand.u32 $0xFFFF0000, v51;
	v2 =	vadd.f32 v59, v16;
	[tilespmem:s16+$0x4290] =	vst.add.f32.msk $0xffff, v4  }
0xe9: {  	v63 =	vshll.u32 v52, $0x10;
	v3 =	vadd.f32 v62, v19;
	[tilespmem:s16+$0x42D0] =	vst.add.f32.msk $0xffff, v1  }
0xea: {  	[tilespmem:s16+$0x4280] =	vst.add.f32.msk $0xffff, v2;
	v2 =	vadd.f32 v63, v21  }
0xeb: {  	p1 =	seq.s32 s13, $0x26;
	[tilespmem:s16+$0x42B0] =	vst.add.f32.msk $0xffff, v3  }
0xec: {  	s15 =	sadd.s32 @!p1 $0x2, s15;
	[tilespmem:s16+$0x42C0] =	vst.add.f32.msk $0xffff, v2;
	s16 =	simm.s32 @!p1 $0x3  }
0xed: {  	s22 =	sshll.u32 @!p1 s15, $0x4;
	_ =	swait.ge @!p1 [sflag:s16], $0x4000  }
0xee: {  	s22 =	sand.u32 @!p1 $0x1FFFFFF0, s22;
	[sflag:s16] =	ssyncset.done @!p1 $0x0  }
0xef: {  	s23 =	simm.s32 @!p1 $0x0;
	[sflag:s16] =	ssyncadd.s32 @!p1 $0xFFFFC000;
	s16 =	sadd.s32 @!p1 s4, s22  }
0xf0: {  	[tilespmem:s23], [sflag:$0x5] =	stream.linear.gather @!p1 [hbm4b:s16+s23], $0x80, $0x38;
	[tilespmem:$0x18200] =	vst v63  }
0xf1: {  	s16 =	simm.s32 @!p1 $0x5  }
0xf2: {  	_ =	swait.ge @!p1 [sflag:s16], $0x80  }
0xf3: {  	[sflag:s16] =	ssyncset.done @!p1 $0x0  }
0xf4: {  	s10 =	simm.s32 @!p1 $0x100;
	s22 =	sadd.s32 @!p1 s5, s22;
	[sflag:s16] =	ssyncadd.s32 @!p1 $0xFFFFFF80  }
0xf5: {  	[tilespmem:s10], [sflag:$0x5] =	stream.linear.gather @!p1 [hbm4b:s22+s23], $0x80, $0x38;
	[tilespmem:$0x18200] =	vst v63  }
0xf6: {  	_ =	swait.ge @!p1 [sflag:s16], $0x80  }
0xf7: {  	[sflag:s16] =	ssyncset.done @!p1 $0x0  }
0xf8: {  	s22 =	simm.s32 @!p1 $0x200;
	[sflag:s16] =	ssyncadd.s32 @!p1 $0xFFFFFF80;
	s16 =	simm.s32 @!p1 $0x80  }
0xf9: {  	[tilespmem:s22], [sflag:$0x1] =	stream.indirect.gather @!p1 [hbm4b:s6+s16], $0x80, s23, s16, $0xb8;
	[tilespmem:$0x18200] =	vst v63  }
0xfa: {  	s22 =	simm.s32 @!p1 $0x8200  }
0xfb: {  	[tilespmem:s22], [sflag:$0x1] =	stream.indirect.gather @!p1 [hbm4b:s7+s16], $0x80, s10, s16, $0xb8;
	[tilespmem:$0x18200] =	vst v63  }
0xfc: {  	s10 =	sshll.u32 @!p1 s15, $0xB  }
0xfd: {  	s10 =	sand.u32 @!p1 $0x1FFFF800, s10  }
0xfe: {  	s13 =	sadd.s32 $0x1, s13;
	s15 =	simm.s32 @!p1 $0x10200;
	s10 =	sadd.s32 @!p1 s9, s10  }
0xff: {  	[tilespmem:s15], [sflag:$0x1] =	stream.linear.gather @!p1 [hbm4b:s10+s23], $0x4000, $0x38;
	[tilespmem:$0x18200] =	vst v63  }
0x100: {  	p1 =	sne.s32 s13, $0x27  }
.Ltmp4:
0x101: {  	_ = 	snop;
	(pc) =	sbr.rel @p1 .LBB2_2-.Ltmp4, $3  }
0x102: {  	_ =	sdelay $0x1  }
0x103: {  	s23 =	sadd.s32 s2, s14  }
0x104: {  	[hbm4b:s23+s3] =	stream.linear.scatter [tilespmem:s25], [sflag:$0x4], $0x4000, $0x38;
	[tilespmem:$0x18200] =	vst v63  }
0x105: {  	_ =	swait.ge [sflag:s31], $0x4000  }
.Ltmp5:
0x106: {  	[sflag:s31] =	ssyncset.done $0x0;
	(pc) =	sbr.rel @p0 .LBB2_11-.Ltmp5, $4  }
0x107: {  	[sflag:s31] =	ssyncadd.s32 $0xFFFFC000  }
0x108: {  	_ =	swait.ge [sflag:s0], $0x4000  }
0x109: {  	[sflag:s0] =	ssyncset.done $0x0  }
0x10a: {  	[sflag:s0] =	ssyncadd.s32 $0xFFFFC000  }
0x10b: {  	s10 =	simm.s32 $0x0;
	s13 =	rddreg [dreg:$0x4]  }
0x10c: {  	[tilespmem:s10], [sflag:$0x5] =	stream.linear.gather [hbm4b:s13+s10], $0x80, $0x38;
	[tilespmem:$0x18200] =	vst v63  }
0x10d: {  	_ =	swait.ge [sflag:s18], $0x80  }
0x10e: {  	[sflag:s18] =	ssyncset.done $0x0  }
0x10f: {  	s16 =	rddreg [dreg:$0x5];
	[sflag:s18] =	ssyncadd.s32 $0xFFFFFF80  }
0x110: {  	[tilespmem:s19], [sflag:$0x5] =	stream.linear.gather [hbm4b:s16+s10], $0x80, $0x38;
	[tilespmem:$0x18200] =	vst v63  }
0x111: {  	_ =	swait.ge [sflag:s18], $0x80  }
0x112: {  	[sflag:s18] =	ssyncset.done $0x0  }
0x113: {  	[sflag:s18] =	ssyncadd.s32 $0xFFFFFF80  }
0x114: {  	[tilespmem:s21], [sflag:$0x1] =	stream.indirect.gather [hbm4b:s6+s20], $0x80, s10, s20, $0xb8;
	[tilespmem:$0x18200] =	vst v63  }
0x115: {  	s22 =	simm.s32 $0x8200  }
0x116: {  	[tilespmem:s22], [sflag:$0x1] =	stream.indirect.gather [hbm4b:s7+s20], $0x80, s19, s20, $0xb8;
	[tilespmem:$0x18200] =	vst v63  }
0x117: {  	s14 =	simm.s32 $0x10200;
	s23 =	rddreg [dreg:$0x6]  }
0x118: {  	[tilespmem:s14], [sflag:$0x1] =	stream.linear.gather [hbm4b:s23+s10], $0x4000, $0x38;
	[tilespmem:$0x18200] =	vst v63  }
0x119: {  	_ =	swait.ge [sflag:s29], $0x4000  }
0x11a: {  	[sflag:s29] =	ssyncset.done $0x0  }
0x11b: {  	[sflag:s29] =	ssyncadd.s32 $0xFFFFC000  }
0x11c: {  	_ =	swait.ge [sflag:s29], $0x4000  }
0x11d: {  	[sflag:s29] =	ssyncset.done $0x0  }
0x11e: {  	[sflag:s29] =	ssyncadd.s32 $0xFFFFC000  }
0x11f: {  	_ =	swait.ge [sflag:s29], $0x4000  }
0x120: {  	[sflag:s29] =	ssyncset.done $0x0  }
0x121: {  	s13 =	simm.s32 $0x0;
	s14 =	simm.s32 $0x400;
	[sflag:s29] =	ssyncadd.s32 $0xFFFFC000  }
.LBB2_9:
0x122: {  	p1 =	sne.s32 s14, $0xFC00;
	v0 =	vld [tilespmem:s13+$0x102B0]  }
0x123: {  	v1 =	vld [tilespmem:s13+$0x82F0]  }
0x124: {  	v2 =	vld [tilespmem:s13+$0x10200]  }
0x125: {  	v3 =	vld [tilespmem:s13+$0x10210]  }
0x126: {  	v4 =	vld [tilespmem:s13+$0x10220]  }
0x127: {  	v5 =	vld [tilespmem:s13+$0x10230];
	v6 =	vshll.u32 v0, $0x10;
	v0 =	vand.u32 $0xFFFF0000, v0  }
0x128: {  	v7 =	vld [tilespmem:s13+$0x10280];
	v0 =	vadd.f32 v0, v1  }
0x129: {  	v1 =	vshll.u32 v2, $0x10;
	v2 =	vand.u32 $0xFFFF0000, v2;
	v8 =	vld [tilespmem:s13+$0x10290]  }
0x12a: {  	v9 =	vshll.u32 v3, $0x10;
	v3 =	vand.u32 $0xFFFF0000, v3;
	[tilespmem:s13+$0x2F0] =	vst.add.f32.msk $0xffff, v0  }
0x12b: {  	v0 =	vshll.u32 v4, $0x10;
	v4 =	vand.u32 $0xFFFF0000, v4;
	v10 =	vld [tilespmem:s13+$0x102A0]  }
0x12c: {  	v11 =	vld [tilespmem:s13+$0x8200];
	v12 =	vshll.u32 v5, $0x10;
	v5 =	vand.u32 $0xFFFF0000, v5  }
0x12d: {  	v13 =	vld [tilespmem:s13+$0x8210];
	v14 =	vshll.u32 v7, $0x10;
	v7 =	vand.u32 $0xFFFF0000, v7  }
0x12e: {  	v15 =	vld [tilespmem:s13+$0x8220];
	v16 =	vshll.u32 v8, $0x10;
	v8 =	vand.u32 $0xFFFF0000, v8  }
0x12f: {  	v17 =	vld [tilespmem:s13+$0x8230]  }
0x130: {  	v18 =	vld [tilespmem:s13+$0x8240];
	v19 =	vshll.u32 v10, $0x10;
	v10 =	vand.u32 $0xFFFF0000, v10  }
0x131: {  	v1 =	vadd.f32 v1, v11;
	v11 =	vld [tilespmem:s13+$0x8250]  }
0x132: {  	v2 =	vadd.f32 v2, v13;
	v13 =	vld [tilespmem:s13+$0x8260]  }
0x133: {  	v9 =	vadd.f32 v9, v15;
	v15 =	vld [tilespmem:s13+$0x8270]  }
0x134: {  	v3 =	vadd.f32 v3, v17;
	v17 =	vld [tilespmem:s13+$0x8280]  }
0x135: {  	v0 =	vadd.f32 v0, v18;
	v18 =	vld [tilespmem:s13+$0x8290]  }
0x136: {  	v4 =	vadd.f32 v4, v11;
	v11 =	vld [tilespmem:s13+$0x82A0]  }
0x137: {  	v12 =	vadd.f32 v12, v13;
	v13 =	vld [tilespmem:s13+$0x82B0]  }
0x138: {  	v5 =	vadd.f32 v5, v15;
	v15 =	vld [tilespmem:s13+$0x82C0]  }
0x139: {  	v14 =	vadd.f32 v14, v17;
	v17 =	vld [tilespmem:s13+$0x82D0]  }
0x13a: {  	v7 =	vadd.f32 v7, v18;
	v18 =	vld [tilespmem:s13+$0x82E0]  }
0x13b: {  	[tilespmem:s13+$0x200] =	vst.add.f32.msk $0xffff, v1;
	v1 =	vadd.f32 v16, v11  }
0x13c: {  	[tilespmem:s13+$0x210] =	vst.add.f32.msk $0xffff, v2;
	v2 =	vadd.f32 v8, v13  }
0x13d: {  	[tilespmem:s13+$0x220] =	vst.add.f32.msk $0xffff, v9;
	v8 =	vadd.f32 v19, v15  }
0x13e: {  	[tilespmem:s13+$0x230] =	vst.add.f32.msk $0xffff, v3;
	v3 =	vadd.f32 v10, v17  }
0x13f: {  	[tilespmem:s13+$0x240] =	vst.add.f32.msk $0xffff, v0;
	v0 =	vadd.f32 v6, v18  }
0x140: {  	[tilespmem:s13+$0x250] =	vst.add.f32.msk $0xffff, v4  }
0x141: {  	[tilespmem:s13+$0x260] =	vst.add.f32.msk $0xffff, v12  }
0x142: {  	[tilespmem:s13+$0x270] =	vst.add.f32.msk $0xffff, v5  }
0x143: {  	[tilespmem:s13+$0x280] =	vst.add.f32.msk $0xffff, v14  }
0x144: {  	[tilespmem:s13+$0x290] =	vst.add.f32.msk $0xffff, v7  }
.Ltmp6:
0x145: {  	[tilespmem:s13+$0x2A0] =	vst.add.f32.msk $0xffff, v1;
	(pc) =	sbr.rel @p1 .LBB2_9-.Ltmp6, $4  }
0x146: {  	[tilespmem:s13+$0x2B0] =	vst.add.f32.msk $0xffff, v2  }
0x147: {  	[tilespmem:s13+$0x2C0] =	vst.add.f32.msk $0xffff, v8  }
0x148: {  	[tilespmem:s13+$0x2D0] =	vst.add.f32.msk $0xffff, v3  }
0x149: {  	[tilespmem:s13+$0x2E0] =	vst.add.f32.msk $0xffff, v0;
	s13 =	sshra.s32 s14, $0x2;
	s14 =	sadd.s32 $0x400, s14  }
0x14a: {  	v0 =	vld [tilespmem:s13+$0x102B0]  }
0x14b: {  	v1 =	vld [tilespmem:s13+$0x82F0]  }
0x14c: {  	v2 =	vld [tilespmem:s13+$0x10200]  }
0x14d: {  	v3 =	vld [tilespmem:s13+$0x10210]  }
0x14e: {  	v4 =	vld [tilespmem:s13+$0x10220]  }
0x14f: {  	v5 =	vld [tilespmem:s13+$0x10230]  }
0x150: {  	v7 =	vld [tilespmem:s13+$0x10280]  }
0x151: {  	v51 =	vld [tilespmem:s13+$0x10290]  }
0x152: {  	v52 =	vld [tilespmem:s13+$0x102A0]  }
0x153: {  	v8 =	vld [tilespmem:s13+$0x8200]  }
0x154: {  	v9 =	vld [tilespmem:s13+$0x8210]  }
0x155: {  	v10 =	vld [tilespmem:s13+$0x8220]  }
0x156: {  	v11 =	vld [tilespmem:s13+$0x8230]  }
0x157: {  	v12 =	vld [tilespmem:s13+$0x8240]  }
0x158: {  	v13 =	vld [tilespmem:s13+$0x8250]  }
0x159: {  	v14 =	vld [tilespmem:s13+$0x8260]  }
0x15a: {  	v15 =	vld [tilespmem:s13+$0x8270]  }
0x15b: {  	v16 =	vld [tilespmem:s13+$0x8280]  }
0x15c: {  	v17 =	vld [tilespmem:s13+$0x8290]  }
0x15d: {  	v18 =	vld [tilespmem:s13+$0x82A0]  }
0x15e: {  	v19 =	vld [tilespmem:s13+$0x82B0]  }
0x15f: {  	v21 =	vld [tilespmem:s13+$0x82C0];
	v6 =	vand.u32 $0xFFFF0000, v0  }
0x160: {  	v53 =	vld [tilespmem:s13+$0x82D0];
	v20 =	vshll.u32 v2, $0x10;
	v1 =	vadd.f32 v6, v1  }
0x161: {  	v54 =	vld [tilespmem:s13+$0x82E0];
	v2 =	vand.u32 $0xFFFF0000, v2;
	v8 =	vadd.f32 v20, v8  }
0x162: {  	v22 =	vshll.u32 v3, $0x10;
	v2 =	vadd.f32 v2, v9;
	[tilespmem:s13+$0x2F0] =	vst.add.f32.msk $0xffff, v1  }
0x163: {  	v3 =	vand.u32 $0xFFFF0000, v3;
	v10 =	vadd.f32 v22, v10;
	[tilespmem:s13+$0x200] =	vst.add.f32.msk $0xffff, v8  }
0x164: {  	v55 =	vshll.u32 v4, $0x10;
	v4 =	vand.u32 $0xFFFF0000, v4;
	v3 =	vadd.f32 v3, v11;
	[tilespmem:s13+$0x210] =	vst.add.f32.msk $0xffff, v2  }
0x165: {  	v56 =	vshll.u32 v5, $0x10;
	v4 =	vadd.f32 v4, v13;
	[tilespmem:s13+$0x220] =	vst.add.f32.msk $0xffff, v10  }
0x166: {  	v61 =	vshll.u32 v51, $0x10;
	v58 =	vadd.f32 v56, v14;
	[tilespmem:s13+$0x230] =	vst.add.f32.msk $0xffff, v3  }
0x167: {  	v57 =	vand.u32 $0xFFFF0000, v5;
	v0 =	vshll.u32 v0, $0x10;
	v5 =	vadd.f32 v61, v18;
	[tilespmem:s13+$0x250] =	vst.add.f32.msk $0xffff, v4  }
0x168: {  	v0 =	vadd.f32 v0, v54;
	[tilespmem:s13+$0x260] =	vst.add.f32.msk $0xffff, v58  }
0x169: {  	v2 =	vadd.f32 v55, v12;
	[tilespmem:s13+$0x2A0] =	vst.add.f32.msk $0xffff, v5  }
0x16a: {  	v60 =	vand.u32 $0xFFFF0000, v7;
	v3 =	vadd.f32 v57, v15;
	[tilespmem:s13+$0x2E0] =	vst.add.f32.msk $0xffff, v0  }
0x16b: {  	v4 =	vadd.f32 v60, v17;
	v1 =	vand.u32 $0xFFFF0000, v52;
	[tilespmem:s13+$0x240] =	vst.add.f32.msk $0xffff, v2  }
0x16c: {  	v59 =	vshll.u32 v7, $0x10;
	v1 =	vadd.f32 v1, v53;
	[tilespmem:s13+$0x270] =	vst.add.f32.msk $0xffff, v3  }
0x16d: {  	v62 =	vand.u32 $0xFFFF0000, v51;
	v2 =	vadd.f32 v59, v16;
	[tilespmem:s13+$0x290] =	vst.add.f32.msk $0xffff, v4  }
0x16e: {  	v63 =	vshll.u32 v52, $0x10;
	v3 =	vadd.f32 v62, v19;
	[tilespmem:s13+$0x2D0] =	vst.add.f32.msk $0xffff, v1  }
0x16f: {  	[tilespmem:s13+$0x280] =	vst.add.f32.msk $0xffff, v2;
	v2 =	vadd.f32 v63, v21  }
0x170: {  	[tilespmem:s13+$0x2B0] =	vst.add.f32.msk $0xffff, v3  }
.Ltmp7:
0x171: {  	s10 =	rddreg [dreg:$0x7];
	[tilespmem:s13+$0x2C0] =	vst.add.f32.msk $0xffff, v2;
	(pc) =	sbr.rel .LBB2_11-.Ltmp7, $4  }
0x172: {  	[hbm4b:s10+s3] =	stream.linear.scatter [tilespmem:s21], [sflag:$0x3], $0x4000, $0x38;
	[tilespmem:$0x18200] =	vst v63  }
0x173: {  	_ =	swait.ge [sflag:s31], $0x4000  }
0x174: {  	[sflag:s31] =	ssyncset.done $0x0  }
0x175: {  	[sflag:s31] =	ssyncadd.s32 $0xFFFFC000  }
.LBB2_12:
0x176: {  	_ =	sfence.sel $0x180000  }
0x177: {  	[bflag:$0x0] =	sbarrier.arrive $0xFFFF  }
0x178: {  	_ =	strace $0x90000047  }
0x179: {  	s0 =	stileid.u32;
	[bflag:$0x2] =	sbarrier.arrive $0xFFFF  }
0x17a: {  	p0 =	sne.s32 s0, $0x0;
	s0 =	rddreg [dreg:$0x2]  }
0x17b: {  	s0 =	sadd.s32 @!p0 $0x100000, s0  }
0x17c: {  	[sflag:s0] =	ssyncadd.tile.s32 @!p0 $0x1;
	_ =	shalt  }
.Lfunc_end2:
_tile_overlayer_lowered:
.L_overlay_start_2:
0x17d: {  	(tag) =	ssettag $0x2  }
0x17e: {  	s0 =	rddreg [dreg:$0x0];
	s2 =	stileid.u32  }
0x17f: {  	s1 =	rddreg [dreg:$0x1];
	p0 =	sne.s32 s2, $0x0  }
0x180: {  	s3 =	rddreg [dreg:$0x2];
	[bflag:$0x3] =	sbarrier.arrive $0xFFFF;
	s2 =	simm.s32 @!p0 $0x1C05  }
0x181: {  	[timem:s3], [sflag:s2] =	dma.local @!p0 [hbm:s0], s1  }
0x182: {  	s0 =	simm.s32 @!p0 $0x5  }
0x183: {  	_ =	swait.ge @!p0 [sflag:s0], s1  }
0x184: {  	s1 =	ssub.s32 @!p0 $0x0, s1;
	[sflag:s0] =	ssyncset.done @!p0 $0x0  }
0x185: {  	[sflag:s0] =	ssyncadd.s32 @!p0 s1  }
0x186: {  	[bflag:$0x3] =	sbarrier.arrive $0xFFFF  }
0x187: {  	_ =	shalt  }

</sc_bundles>
